<compile_context>
chip_gen: v7x
topology: tpu7x:2x2x1
jax: 0.10.2.dev20260603
libtpu: 0.0.44.dev20260713+nightly
codegen_flags: <defaults>
</compile_context>

<pallas_src>
import functools

import jax
import jax.numpy as jnp
from jax import lax
from jax.experimental import pallas as pl
from jax.experimental.pallas import tpu as pltpu
from jax.experimental.pallas import tpu_sc as plsc

N = 10000
D = 128
E = 320000
NC = 2
NS = 16
NW = NC * NS
EPW = E // NW
CH = 80
NCH = EPW // CH
RPT = 624
TAIL = N - NS * RPT
TAIL0 = NS * RPT
DEGW = 128


def _zero_fill(zeros_hbm, acc, s):
    r0 = s * RPT
    pltpu.sync_copy(zeros_hbm.at[pl.ds(r0, RPT)], acc.at[pl.ds(r0, RPT)])

    @pl.when(s == 0)
    def _():
        pltpu.sync_copy(zeros_hbm.at[pl.ds(TAIL0, TAIL)],
                        acc.at[pl.ds(TAIL0, TAIL)])


def _write_out(acc, out_hbm, c, s):
    r0 = s * RPT
    pltpu.sync_copy(acc.at[pl.ds(r0, RPT)],
                    out_hbm.at[pl.ds(c * N + r0, RPT)])

    @pl.when(s == 0)
    def _():
        pltpu.sync_copy(acc.at[pl.ds(TAIL0, TAIL)],
                        out_hbm.at[pl.ds(c * N + TAIL0, TAIL)])


NBUF = 4
NG = NCH // NBUF
TAILC = NCH - NBUF * NG


def _deg_body(dst_hbm, ones_hbm, zeros_hbm, out_hbm,
              d0, d1, d2, d3, ones_v, acc,
              s0, s1, s2, s3):
    c = lax.axis_index("c")
    s = lax.axis_index("s")
    base = (c * NS + s) * EPW
    dsts = (d0, d1, d2, d3)
    sems = (s0, s1, s2, s3)
    pltpu.sync_copy(ones_hbm, ones_v)
    _zero_fill(zeros_hbm, acc, s)
    plsc.subcore_barrier()

    def load_idx(j, b):
        pltpu.sync_copy(dst_hbm.at[pl.ds(base + j * CH, CH)], dsts[b])

    def scatter(b):
        pltpu.async_copy(ones_v, acc.at[dsts[b]], sems[b], add=True)

    def wait_scatter(b):
        pltpu.make_async_copy(ones_v, acc.at[dsts[b]], sems[b]).wait()

    for b in range(NBUF):
        load_idx(b, b)

    def body(t, carry):
        for b in range(NBUF):
            scatter(b)
        for b in range(NBUF):
            jn = (t + 1) * NBUF + b

            @pl.when(jn < NCH)
            def _():
                wait_scatter(b)
                load_idx(jn, b)
        return carry

    lax.fori_loop(0, NG, body, 0)
    for b in range(TAILC):
        scatter(b)
    for b in range(NBUF):
        wait_scatter(b)
    plsc.subcore_barrier()
    _write_out(acc, out_hbm, c, s)


@functools.cache
def _sc_kernels():
    mesh = plsc.VectorSubcoreMesh(
        core_axis_name="c", subcore_axis_name="s",
        num_cores=NC, num_subcores=NS,
    )
    deg = pl.kernel(
        _deg_body,
        out_type=jax.ShapeDtypeStruct((NC * N, DEGW), jnp.float32),
        mesh=mesh,
        scratch_types=(
            [pltpu.VMEM((CH,), jnp.int32)] * NBUF
            + [pltpu.VMEM((CH, DEGW), jnp.float32),
               pltpu.VMEM_SHARED((N, DEGW), jnp.float32)]
            + [pltpu.SemaphoreType.DMA] * NBUF
        ),
    )
    agg = pl.kernel(
        _agg_body,
        out_type=jax.ShapeDtypeStruct((NC * N, D), jnp.float32),
        mesh=mesh,
        scratch_types=(
            [pltpu.VMEM((CH,), jnp.int32)] * (2 * NBUF)
            + [pltpu.VMEM((CH, D), jnp.float32)] * NBUF
            + [pltpu.VMEM_SHARED((N, D), jnp.float32)]
            + [pltpu.SemaphoreType.DMA] * (2 * NBUF)
        ),
    )
    return deg, agg


def _agg_body(hp_hbm, src_hbm, dst_hbm, zeros_hbm, out_hbm,
              sv0, sv1, sv2, sv3, dv0, dv1, dv2, dv3,
              r0, r1, r2, r3, acc,
              g0, g1, g2, g3, t0, t1, t2, t3):
    c = lax.axis_index("c")
    s = lax.axis_index("s")
    base = (c * NS + s) * EPW
    srcs = (sv0, sv1, sv2, sv3)
    dsts = (dv0, dv1, dv2, dv3)
    rows = (r0, r1, r2, r3)
    gsem = (g0, g1, g2, g3)
    ssem = (t0, t1, t2, t3)
    _zero_fill(zeros_hbm, acc, s)
    plsc.subcore_barrier()

    def load_and_gather(j, b):
        e0 = base + j * CH
        pltpu.sync_copy(src_hbm.at[pl.ds(e0, CH)], srcs[b])
        pltpu.sync_copy(dst_hbm.at[pl.ds(e0, CH)], dsts[b])
        pltpu.async_copy(hp_hbm.at[srcs[b]], rows[b], gsem[b])

    def wait_gather(b):
        pltpu.make_async_copy(hp_hbm.at[srcs[b]], rows[b], gsem[b]).wait()

    def scatter(b):
        pltpu.async_copy(rows[b], acc.at[dsts[b]], ssem[b], add=True)

    def wait_scatter(b):
        pltpu.make_async_copy(rows[b], acc.at[dsts[b]], ssem[b]).wait()

    for b in range(NBUF):
        load_and_gather(b, b)

    def body(t, carry):
        for b in range(NBUF):
            wait_gather(b)
            scatter(b)
        for b in range(NBUF):
            jn = (t + 1) * NBUF + b

            @pl.when(jn < NCH)
            def _():
                wait_scatter(b)
                load_and_gather(jn, b)
        return carry

    lax.fori_loop(0, NG, body, 0)
    for b in range(TAILC):
        wait_gather(b)
        scatter(b)
    for b in range(NBUF):
        wait_scatter(b)
    plsc.subcore_barrier()
    _write_out(acc, out_hbm, c, s)



BLK = 1000


def _dinv_block(degs0, degs1):
    return lax.rsqrt(degs0[:, 0:1] + degs1[:, 0:1] + 1.0)


def _layer1_body(x_ref, w_ref, dg0_ref, dg1_ref, o_ref):
    dinv = _dinv_block(dg0_ref[...], dg1_ref[...])
    h = jnp.dot(x_ref[...], w_ref[...], preferred_element_type=jnp.float32)
    o_ref[...] = h * dinv


def _layer2_body(a0_ref, a1_ref, hp_ref, dg0_ref, dg1_ref, b_ref, w_ref,
                 o_ref):
    dinv = _dinv_block(dg0_ref[...], dg1_ref[...])
    z = dinv * (a0_ref[...] + a1_ref[...] + hp_ref[...]) + b_ref[...]
    z = jnp.maximum(z, 0.0)
    o_ref[...] = jnp.dot(z, w_ref[...],
                         preferred_element_type=jnp.float32) * dinv


def _head_body(a_ref, hp_ref, dg_ref, b_ref, l1w_ref, l1b_ref, l2w_ref,
               l2b_ref, l3w_ref, l3b_ref, o_ref):
    dinv = lax.rsqrt(dg_ref[0:N, 0:1] + dg_ref[N:2 * N, 0:1] + 1.0)
    z = dinv * (a_ref[0:N] + a_ref[N:2 * N] + hp_ref[...]) + b_ref[...]
    z = jnp.maximum(z, 0.0)
    g = jnp.mean(z, axis=0, keepdims=True)
    g = jnp.maximum(
        jnp.dot(g, l1w_ref[...], preferred_element_type=jnp.float32)
        + l1b_ref[...], 0.0)
    g = jnp.maximum(
        jnp.dot(g, l2w_ref[...], preferred_element_type=jnp.float32)
        + l2b_ref[...], 0.0)
    o_ref[...] = jnp.dot(g, l3w_ref[...],
                         preferred_element_type=jnp.float32) + l3b_ref[...]


def _row_spec(w):
    return pl.BlockSpec((BLK, w), lambda i: (i, 0))


def _row_spec_hi(w):
    return pl.BlockSpec((BLK, w), lambda i: (i + N // BLK, 0))


def _full_spec(shape):
    return pl.BlockSpec(shape, lambda i: tuple(0 for _ in shape))


_layer1 = pl.pallas_call(
    _layer1_body,
    grid=(N // BLK,),
    in_specs=[
        _row_spec(D),
        _full_spec((D, D)),
        _row_spec(DEGW),
        _row_spec_hi(DEGW),
    ],
    out_specs=_row_spec(D),
    out_shape=jax.ShapeDtypeStruct((N, D), jnp.float32),
)

_layer2 = pl.pallas_call(
    _layer2_body,
    grid=(N // BLK,),
    in_specs=[
        _row_spec(D),
        _row_spec_hi(D),
        _row_spec(D),
        _row_spec(DEGW),
        _row_spec_hi(DEGW),
        _full_spec((1, D)),
        _full_spec((D, D)),
    ],
    out_specs=_row_spec(D),
    out_shape=jax.ShapeDtypeStruct((N, D), jnp.float32),
)

_head = pl.pallas_call(
    _head_body,
    out_shape=jax.ShapeDtypeStruct((1, 1), jnp.float32),
)


def kernel(x, edge_index, W0, b0, W1, b1, L1w, L1b, L2w, L2b, L3w, L3b):
    src = edge_index[0].astype(jnp.int32)
    dst = edge_index[1].astype(jnp.int32)
    ones16 = jnp.ones((CH, DEGW), jnp.float32)
    zeros16 = jnp.zeros((N, DEGW), jnp.float32)
    zeros128 = jnp.zeros((N, D), jnp.float32)

    _deg_kernel, _agg_kernel = _sc_kernels()
    degs = _deg_kernel(dst, ones16, zeros16)
    hp1 = _layer1(x, W0, degs, degs)
    p = _agg_kernel(hp1, src, dst, zeros128)
    hp2 = _layer2(p, p, hp1, degs, degs, b0.reshape(1, D), W1)
    q = _agg_kernel(hp2, src, dst, zeros128)
    out = _head(q, hp2, degs, b1.reshape(1, D),
                L1w, L1b.reshape(1, D), L2w, L2b.reshape(1, D),
                L3w, L3b.reshape(1, 1))
    return out

# --- scband reference (transcript-rebuilt; emitter-appended) ---
"""Pipeline reference for scband-graph-convolutional-network-29162827940556 (READ-ONLY COPY).

The authoritative reference and input builder live on the scoring server;
editing this copy changes nothing except your own understanding.
"""

import jax, jax.numpy as jnp
import numpy as np

N_NODES = 10000
D_IN = 128
HID = 128


def gcn_conv(x, edge_index, W, b):
    # PyG-style GCNConv: add self-loops, symmetric normalization, scatter-add aggregation
    N = x.shape[0]
    loop = jnp.arange(N, dtype=edge_index.dtype)
    src = jnp.concatenate([edge_index[0], loop])
    dst = jnp.concatenate([edge_index[1], loop])
    deg = jnp.zeros((N,), dtype=x.dtype).at[dst].add(1.0)
    dinv = jnp.where(deg > 0, deg ** -0.5, 0.0)
    norm = dinv[src] * dinv[dst]
    h = x @ W
    msg = h[src] * norm[:, None]
    out = jnp.zeros((N, W.shape[1]), dtype=x.dtype).at[dst].add(msg)
    return out + b


def setup_inputs(seed: int = 0) -> dict:
    key = jax.random.key(seed)
    ks = jax.random.split(key, 12)
    x = jax.random.normal(ks[0], (N_NODES, D_IN), dtype=jnp.float32)
    edge_index = jax.random.randint(ks[1], (2, 320000), 0, N_NODES, dtype=jnp.int64)
    s = (1.0 / np.sqrt(D_IN))
    W0 = jax.random.uniform(ks[2], (D_IN, HID), dtype=jnp.float32, minval=-s, maxval=s)
    b0 = jnp.zeros((HID,), dtype=jnp.float32)
    W1 = jax.random.uniform(ks[3], (HID, HID), dtype=jnp.float32, minval=-s, maxval=s)
    b1 = jnp.zeros((HID,), dtype=jnp.float32)
    L1w = jax.random.uniform(ks[4], (HID, HID), dtype=jnp.float32, minval=-s, maxval=s)
    L1b = jnp.zeros((HID,), dtype=jnp.float32)
    L2w = jax.random.uniform(ks[5], (HID, HID), dtype=jnp.float32, minval=-s, maxval=s)
    L2b = jnp.zeros((HID,), dtype=jnp.float32)
    L3w = jax.random.uniform(ks[6], (HID, 1), dtype=jnp.float32, minval=-s, maxval=s)
    L3b = jnp.zeros((1,), dtype=jnp.float32)
    return {"x": x, "edge_index": edge_index, "W0": W0, "b0": b0, "W1": W1, "b1": b1,
            "L1w": L1w, "L1b": L1b, "L2w": L2w, "L2b": L2b, "L3w": L3w, "L3b": L3b}


def reference(x, edge_index, W0, b0, W1, b1, L1w, L1b, L2w, L2b, L3w, L3b):
    # GCN layers: n_layers=2 -> one conv+relu, then final conv, relu
    h = gcn_conv(x, edge_index, W0, b0)
    h = jax.nn.relu(h)
    final_act = gcn_conv(h, edge_index, W1, b1)
    h = jax.nn.relu(final_act)
    # global_mean_pool with batch = zeros -> single graph mean over all nodes
    g = jnp.mean(h, axis=0, keepdims=True)  # [1, HID]
    # linear head: Linear-ReLU-Linear-ReLU-Linear
    g = jax.nn.relu(g @ L1w + L1b)
    g = jax.nn.relu(g @ L2w + L2b)
    out = g @ L3w + L3b  # [1, 1]
    return out

if __name__ == "__main__":
    import jax
    _d = setup_inputs()
    print(jax.jit(kernel)(*tuple(_d.values())))

</pallas_src>

<mosaic_0001>
#map = affine_map<(d0, d1) -> (0, 0)>
#map1 = affine_map<(d0, d1) -> (0)>
module attributes {stable_mosaic.version = 14 : i64} {
  func.func @_agg_body(%arg0: i32, %arg1: i32, %arg2: memref<10000x128xf32, #tpu.memory_space<hbm>>, %arg3: memref<320000xi32, #tpu.memory_space<hbm>>, %arg4: memref<320000xi32, #tpu.memory_space<hbm>>, %arg5: memref<10000x128xf32, #tpu.memory_space<hbm>>, %arg6: memref<20000x128xf32, #tpu.memory_space<hbm>>, %arg7: memref<80xi32, #tpu.memory_space<vmem>>, %arg8: memref<80xi32, #tpu.memory_space<vmem>>, %arg9: memref<80xi32, #tpu.memory_space<vmem>>, %arg10: memref<80xi32, #tpu.memory_space<vmem>>, %arg11: memref<80xi32, #tpu.memory_space<vmem>>, %arg12: memref<80xi32, #tpu.memory_space<vmem>>, %arg13: memref<80xi32, #tpu.memory_space<vmem>>, %arg14: memref<80xi32, #tpu.memory_space<vmem>>, %arg15: memref<80x128xf32, #tpu.memory_space<vmem>>, %arg16: memref<80x128xf32, #tpu.memory_space<vmem>>, %arg17: memref<80x128xf32, #tpu.memory_space<vmem>>, %arg18: memref<80x128xf32, #tpu.memory_space<vmem>>, %arg19: memref<10000x128xf32, #tpu.memory_space<vmem_shared>>, %arg20: memref<!tpu.dma_semaphore, #tpu.memory_space<semaphore_mem>>, %arg21: memref<!tpu.dma_semaphore, #tpu.memory_space<semaphore_mem>>, %arg22: memref<!tpu.dma_semaphore, #tpu.memory_space<semaphore_mem>>, %arg23: memref<!tpu.dma_semaphore, #tpu.memory_space<semaphore_mem>>, %arg24: memref<!tpu.dma_semaphore, #tpu.memory_space<semaphore_mem>>, %arg25: memref<!tpu.dma_semaphore, #tpu.memory_space<semaphore_mem>>, %arg26: memref<!tpu.dma_semaphore, #tpu.memory_space<semaphore_mem>>, %arg27: memref<!tpu.dma_semaphore, #tpu.memory_space<semaphore_mem>>) attributes {dimension_semantics = [#tpu.dimension_semantics<core_parallel>, #tpu.dimension_semantics<subcore_parallel>], iteration_bounds = array<i64: 2, 16>, scalar_prefetch = 0 : i64, scratch_operands = 21 : i64, tpu.core_type = #tpu.core_type<sc_vector_subcore>, window_params = [{transform_indices = #map}, {transform_indices = #map1}, {transform_indices = #map1}, {transform_indices = #map}, {transform_indices = #map}]} {
    %mul3A = arith.constant 16 : i32
    %mul3A_0 = arith.muli %arg0, %mul3A : i32
    %add3A = arith.addi %mul3A_0, %arg1 : i32
    %mul3A_1 = arith.constant 10000 : i32
    %mul3A_2 = arith.muli %add3A, %mul3A_1 : i32
    %mul3A_3 = arith.constant 624 : i32
    %mul3A_4 = arith.muli %arg1, %mul3A_3 : i32
    "tpu.region"() ({
      %run_scoped3A = tpu.sem_alloc : memref<!tpu.dma_semaphore, #tpu.memory_space<semaphore_mem>>
      %dma_start3A_59 = arith.constant 0 : i32
      %dma_start3A_60 = tpu.memref_slice %arg19[%mul3A_4, %dma_start3A_59] : memref<10000x128xf32, #tpu.memory_space<vmem_shared>> -> memref<624x128xf32, #tpu.memory_space<vmem_shared>>
      %dma_start3A_61 = arith.constant 0 : i32
      %dma_start3A_62 = tpu.memref_slice %arg5[%mul3A_4, %dma_start3A_61] : memref<10000x128xf32, #tpu.memory_space<hbm>> -> memref<624x128xf32, #tpu.memory_space<hbm>>
      tpu.enqueue_dma source(%dma_start3A_62 : memref<624x128xf32, #tpu.memory_space<hbm>>) target(%dma_start3A_60 : memref<624x128xf32, #tpu.memory_space<vmem_shared>>) target_semaphore(%run_scoped3A : memref<!tpu.dma_semaphore, #tpu.memory_space<semaphore_mem>>)
      %dma_wait3A_63 = arith.constant 0 : i32
      %dma_wait3A_64 = tpu.memref_slice %arg19[%mul3A_4, %dma_wait3A_63] : memref<10000x128xf32, #tpu.memory_space<vmem_shared>> -> memref<624x128xf32, #tpu.memory_space<vmem_shared>>
      %dma_wait3A_65 = arith.constant 0 : i32
      %dma_wait3A_66 = tpu.memref_slice %arg5[%mul3A_4, %dma_wait3A_65] : memref<10000x128xf32, #tpu.memory_space<hbm>> -> memref<624x128xf32, #tpu.memory_space<hbm>>
      tpu.wait_dma2 semaphore(%run_scoped3A : memref<!tpu.dma_semaphore, #tpu.memory_space<semaphore_mem>>) src(%dma_wait3A_66 : memref<624x128xf32, #tpu.memory_space<hbm>>) dst(%dma_wait3A_64 : memref<624x128xf32, #tpu.memory_space<vmem_shared>>)
      tpu.yield
    }) : () -> ()
    %eq3A = arith.constant 0 : i32
    %eq3A_5 = arith.cmpi eq, %arg1, %eq3A : i32
    %convert_element_type3A = arith.extui %eq3A_5 : i1 to i32
    %cond3A = arith.constant 0 : i32
    %cond3A_6 = arith.cmpi ne, %convert_element_type3A, %cond3A : i32
    scf.if %cond3A_6 {
      "tpu.region"() ({
        %run_scoped3A = tpu.sem_alloc : memref<!tpu.dma_semaphore, #tpu.memory_space<semaphore_mem>>
        %dma_start3A_59 = arith.constant 9984 : i32
        %dma_start3A_60 = arith.constant 0 : i32
        %dma_start3A_61 = tpu.memref_slice %arg19[%dma_start3A_59, %dma_start3A_60] : memref<10000x128xf32, #tpu.memory_space<vmem_shared>> -> memref<16x128xf32, #tpu.memory_space<vmem_shared>>
        %dma_start3A_62 = arith.constant 9984 : i32
        %dma_start3A_63 = arith.constant 0 : i32
        %dma_start3A_64 = tpu.memref_slice %arg5[%dma_start3A_62, %dma_start3A_63] : memref<10000x128xf32, #tpu.memory_space<hbm>> -> memref<16x128xf32, #tpu.memory_space<hbm>>
        tpu.enqueue_dma source(%dma_start3A_64 : memref<16x128xf32, #tpu.memory_space<hbm>>) target(%dma_start3A_61 : memref<16x128xf32, #tpu.memory_space<vmem_shared>>) target_semaphore(%run_scoped3A : memref<!tpu.dma_semaphore, #tpu.memory_space<semaphore_mem>>)
        %dma_wait3A_65 = arith.constant 9984 : i32
        %dma_wait3A_66 = arith.constant 0 : i32
        %dma_wait3A_67 = tpu.memref_slice %arg19[%dma_wait3A_65, %dma_wait3A_66] : memref<10000x128xf32, #tpu.memory_space<vmem_shared>> -> memref<16x128xf32, #tpu.memory_space<vmem_shared>>
        %dma_wait3A_68 = arith.constant 9984 : i32
        %dma_wait3A_69 = arith.constant 0 : i32
        %dma_wait3A_70 = tpu.memref_slice %arg5[%dma_wait3A_68, %dma_wait3A_69] : memref<10000x128xf32, #tpu.memory_space<hbm>> -> memref<16x128xf32, #tpu.memory_space<hbm>>
        tpu.wait_dma2 semaphore(%run_scoped3A : memref<!tpu.dma_semaphore, #tpu.memory_space<semaphore_mem>>) src(%dma_wait3A_70 : memref<16x128xf32, #tpu.memory_space<hbm>>) dst(%dma_wait3A_67 : memref<16x128xf32, #tpu.memory_space<vmem_shared>>)
        tpu.yield
      }) : () -> ()
    } else {
    }
    %barrier3A = arith.constant 0 : index
    tpu.barrier barrier_id(%barrier3A)
    %add3A_7 = arith.constant 0 : i32
    %add3A_8 = arith.addi %mul3A_2, %add3A_7 : i32
    "tpu.region"() ({
      %run_scoped3A = tpu.sem_alloc : memref<!tpu.dma_semaphore, #tpu.memory_space<semaphore_mem>>
      %dma_start3A_59 = tpu.memref_slice %arg3[%add3A_8] : memref<320000xi32, #tpu.memory_space<hbm>> -> memref<80xi32, #tpu.memory_space<hbm>>
      %dma_start3A_60 = tpu.memref_slice %arg3[%add3A_8] : memref<320000xi32, #tpu.memory_space<hbm>> -> memref<80xi32, #tpu.memory_space<hbm>>
      tpu.enqueue_dma source(%dma_start3A_60 : memref<80xi32, #tpu.memory_space<hbm>>) target(%arg7 : memref<80xi32, #tpu.memory_space<vmem>>) target_semaphore(%run_scoped3A : memref<!tpu.dma_semaphore, #tpu.memory_space<semaphore_mem>>)
      %dma_wait3A_61 = tpu.memref_slice %arg3[%add3A_8] : memref<320000xi32, #tpu.memory_space<hbm>> -> memref<80xi32, #tpu.memory_space<hbm>>
      %dma_wait3A_62 = tpu.memref_slice %arg3[%add3A_8] : memref<320000xi32, #tpu.memory_space<hbm>> -> memref<80xi32, #tpu.memory_space<hbm>>
      tpu.wait_dma2 semaphore(%run_scoped3A : memref<!tpu.dma_semaphore, #tpu.memory_space<semaphore_mem>>) src(%dma_wait3A_62 : memref<80xi32, #tpu.memory_space<hbm>>) dst(%arg7 : memref<80xi32, #tpu.memory_space<vmem>>)
      tpu.yield
    }) : () -> ()
    "tpu.region"() ({
      %run_scoped3A = tpu.sem_alloc : memref<!tpu.dma_semaphore, #tpu.memory_space<semaphore_mem>>
      %dma_start3A_59 = tpu.memref_slice %arg4[%add3A_8] : memref<320000xi32, #tpu.memory_space<hbm>> -> memref<80xi32, #tpu.memory_space<hbm>>
      %dma_start3A_60 = tpu.memref_slice %arg4[%add3A_8] : memref<320000xi32, #tpu.memory_space<hbm>> -> memref<80xi32, #tpu.memory_space<hbm>>
      tpu.enqueue_dma source(%dma_start3A_60 : memref<80xi32, #tpu.memory_space<hbm>>) target(%arg11 : memref<80xi32, #tpu.memory_space<vmem>>) target_semaphore(%run_scoped3A : memref<!tpu.dma_semaphore, #tpu.memory_space<semaphore_mem>>)
      %dma_wait3A_61 = tpu.memref_slice %arg4[%add3A_8] : memref<320000xi32, #tpu.memory_space<hbm>> -> memref<80xi32, #tpu.memory_space<hbm>>
      %dma_wait3A_62 = tpu.memref_slice %arg4[%add3A_8] : memref<320000xi32, #tpu.memory_space<hbm>> -> memref<80xi32, #tpu.memory_space<hbm>>
      tpu.wait_dma2 semaphore(%run_scoped3A : memref<!tpu.dma_semaphore, #tpu.memory_space<semaphore_mem>>) src(%dma_wait3A_62 : memref<80xi32, #tpu.memory_space<hbm>>) dst(%arg11 : memref<80xi32, #tpu.memory_space<vmem>>)
      tpu.yield
    }) : () -> ()
    %dma_start3A = arith.constant 0 : i32
    %dma_start3A_9 = arith.constant 0 : i32
    %dma_start3A_10 = tpu.memref_slice %arg2[%dma_start3A, %dma_start3A_9] : memref<10000x128xf32, #tpu.memory_space<hbm>> -> memref<10000x128xf32, #tpu.memory_space<hbm>>
    tpu.enqueue_indirect_dma source(%dma_start3A_10 : memref<10000x128xf32, #tpu.memory_space<hbm>>) target(%arg15 : memref<80x128xf32, #tpu.memory_space<vmem>>) offsets(%arg7 : memref<80xi32, #tpu.memory_space<vmem>>) semaphore(%arg20 : memref<!tpu.dma_semaphore, #tpu.memory_space<semaphore_mem>>)
    %add3A_11 = arith.constant 80 : i32
    %add3A_12 = arith.addi %mul3A_2, %add3A_11 : i32
    "tpu.region"() ({
      %run_scoped3A = tpu.sem_alloc : memref<!tpu.dma_semaphore, #tpu.memory_space<semaphore_mem>>
      %dma_start3A_59 = tpu.memref_slice %arg3[%add3A_12] : memref<320000xi32, #tpu.memory_space<hbm>> -> memref<80xi32, #tpu.memory_space<hbm>>
      %dma_start3A_60 = tpu.memref_slice %arg3[%add3A_12] : memref<320000xi32, #tpu.memory_space<hbm>> -> memref<80xi32, #tpu.memory_space<hbm>>
      tpu.enqueue_dma source(%dma_start3A_60 : memref<80xi32, #tpu.memory_space<hbm>>) target(%arg8 : memref<80xi32, #tpu.memory_space<vmem>>) target_semaphore(%run_scoped3A : memref<!tpu.dma_semaphore, #tpu.memory_space<semaphore_mem>>)
      %dma_wait3A_61 = tpu.memref_slice %arg3[%add3A_12] : memref<320000xi32, #tpu.memory_space<hbm>> -> memref<80xi32, #tpu.memory_space<hbm>>
      %dma_wait3A_62 = tpu.memref_slice %arg3[%add3A_12] : memref<320000xi32, #tpu.memory_space<hbm>> -> memref<80xi32, #tpu.memory_space<hbm>>
      tpu.wait_dma2 semaphore(%run_scoped3A : memref<!tpu.dma_semaphore, #tpu.memory_space<semaphore_mem>>) src(%dma_wait3A_62 : memref<80xi32, #tpu.memory_space<hbm>>) dst(%arg8 : memref<80xi32, #tpu.memory_space<vmem>>)
      tpu.yield
    }) : () -> ()
    "tpu.region"() ({
      %run_scoped3A = tpu.sem_alloc : memref<!tpu.dma_semaphore, #tpu.memory_space<semaphore_mem>>
      %dma_start3A_59 = tpu.memref_slice %arg4[%add3A_12] : memref<320000xi32, #tpu.memory_space<hbm>> -> memref<80xi32, #tpu.memory_space<hbm>>
      %dma_start3A_60 = tpu.memref_slice %arg4[%add3A_12] : memref<320000xi32, #tpu.memory_space<hbm>> -> memref<80xi32, #tpu.memory_space<hbm>>
      tpu.enqueue_dma source(%dma_start3A_60 : memref<80xi32, #tpu.memory_space<hbm>>) target(%arg12 : memref<80xi32, #tpu.memory_space<vmem>>) target_semaphore(%run_scoped3A : memref<!tpu.dma_semaphore, #tpu.memory_space<semaphore_mem>>)
      %dma_wait3A_61 = tpu.memref_slice %arg4[%add3A_12] : memref<320000xi32, #tpu.memory_space<hbm>> -> memref<80xi32, #tpu.memory_space<hbm>>
      %dma_wait3A_62 = tpu.memref_slice %arg4[%add3A_12] : memref<320000xi32, #tpu.memory_space<hbm>> -> memref<80xi32, #tpu.memory_space<hbm>>
      tpu.wait_dma2 semaphore(%run_scoped3A : memref<!tpu.dma_semaphore, #tpu.memory_space<semaphore_mem>>) src(%dma_wait3A_62 : memref<80xi32, #tpu.memory_space<hbm>>) dst(%arg12 : memref<80xi32, #tpu.memory_space<vmem>>)
      tpu.yield
    }) : () -> ()
    %dma_start3A_13 = arith.constant 0 : i32
    %dma_start3A_14 = arith.constant 0 : i32
    %dma_start3A_15 = tpu.memref_slice %arg2[%dma_start3A_13, %dma_start3A_14] : memref<10000x128xf32, #tpu.memory_space<hbm>> -> memref<10000x128xf32, #tpu.memory_space<hbm>>
    tpu.enqueue_indirect_dma source(%dma_start3A_15 : memref<10000x128xf32, #tpu.memory_space<hbm>>) target(%arg16 : memref<80x128xf32, #tpu.memory_space<vmem>>) offsets(%arg8 : memref<80xi32, #tpu.memory_space<vmem>>) semaphore(%arg21 : memref<!tpu.dma_semaphore, #tpu.memory_space<semaphore_mem>>)
    %add3A_16 = arith.constant 160 : i32
    %add3A_17 = arith.addi %mul3A_2, %add3A_16 : i32
    "tpu.region"() ({
      %run_scoped3A = tpu.sem_alloc : memref<!tpu.dma_semaphore, #tpu.memory_space<semaphore_mem>>
      %dma_start3A_59 = tpu.memref_slice %arg3[%add3A_17] : memref<320000xi32, #tpu.memory_space<hbm>> -> memref<80xi32, #tpu.memory_space<hbm>>
      %dma_start3A_60 = tpu.memref_slice %arg3[%add3A_17] : memref<320000xi32, #tpu.memory_space<hbm>> -> memref<80xi32, #tpu.memory_space<hbm>>
      tpu.enqueue_dma source(%dma_start3A_60 : memref<80xi32, #tpu.memory_space<hbm>>) target(%arg9 : memref<80xi32, #tpu.memory_space<vmem>>) target_semaphore(%run_scoped3A : memref<!tpu.dma_semaphore, #tpu.memory_space<semaphore_mem>>)
      %dma_wait3A_61 = tpu.memref_slice %arg3[%add3A_17] : memref<320000xi32, #tpu.memory_space<hbm>> -> memref<80xi32, #tpu.memory_space<hbm>>
      %dma_wait3A_62 = tpu.memref_slice %arg3[%add3A_17] : memref<320000xi32, #tpu.memory_space<hbm>> -> memref<80xi32, #tpu.memory_space<hbm>>
      tpu.wait_dma2 semaphore(%run_scoped3A : memref<!tpu.dma_semaphore, #tpu.memory_space<semaphore_mem>>) src(%dma_wait3A_62 : memref<80xi32, #tpu.memory_space<hbm>>) dst(%arg9 : memref<80xi32, #tpu.memory_space<vmem>>)
      tpu.yield
    }) : () -> ()
    "tpu.region"() ({
      %run_scoped3A = tpu.sem_alloc : memref<!tpu.dma_semaphore, #tpu.memory_space<semaphore_mem>>
      %dma_start3A_59 = tpu.memref_slice %arg4[%add3A_17] : memref<320000xi32, #tpu.memory_space<hbm>> -> memref<80xi32, #tpu.memory_space<hbm>>
      %dma_start3A_60 = tpu.memref_slice %arg4[%add3A_17] : memref<320000xi32, #tpu.memory_space<hbm>> -> memref<80xi32, #tpu.memory_space<hbm>>
      tpu.enqueue_dma source(%dma_start3A_60 : memref<80xi32, #tpu.memory_space<hbm>>) target(%arg13 : memref<80xi32, #tpu.memory_space<vmem>>) target_semaphore(%run_scoped3A : memref<!tpu.dma_semaphore, #tpu.memory_space<semaphore_mem>>)
      %dma_wait3A_61 = tpu.memref_slice %arg4[%add3A_17] : memref<320000xi32, #tpu.memory_space<hbm>> -> memref<80xi32, #tpu.memory_space<hbm>>
      %dma_wait3A_62 = tpu.memref_slice %arg4[%add3A_17] : memref<320000xi32, #tpu.memory_space<hbm>> -> memref<80xi32, #tpu.memory_space<hbm>>
      tpu.wait_dma2 semaphore(%run_scoped3A : memref<!tpu.dma_semaphore, #tpu.memory_space<semaphore_mem>>) src(%dma_wait3A_62 : memref<80xi32, #tpu.memory_space<hbm>>) dst(%arg13 : memref<80xi32, #tpu.memory_space<vmem>>)
      tpu.yield
    }) : () -> ()
    %dma_start3A_18 = arith.constant 0 : i32
    %dma_start3A_19 = arith.constant 0 : i32
    %dma_start3A_20 = tpu.memref_slice %arg2[%dma_start3A_18, %dma_start3A_19] : memref<10000x128xf32, #tpu.memory_space<hbm>> -> memref<10000x128xf32, #tpu.memory_space<hbm>>
    tpu.enqueue_indirect_dma source(%dma_start3A_20 : memref<10000x128xf32, #tpu.memory_space<hbm>>) target(%arg17 : memref<80x128xf32, #tpu.memory_space<vmem>>) offsets(%arg9 : memref<80xi32, #tpu.memory_space<vmem>>) semaphore(%arg22 : memref<!tpu.dma_semaphore, #tpu.memory_space<semaphore_mem>>)
    %add3A_21 = arith.constant 240 : i32
    %add3A_22 = arith.addi %mul3A_2, %add3A_21 : i32
    "tpu.region"() ({
      %run_scoped3A = tpu.sem_alloc : memref<!tpu.dma_semaphore, #tpu.memory_space<semaphore_mem>>
      %dma_start3A_59 = tpu.memref_slice %arg3[%add3A_22] : memref<320000xi32, #tpu.memory_space<hbm>> -> memref<80xi32, #tpu.memory_space<hbm>>
      %dma_start3A_60 = tpu.memref_slice %arg3[%add3A_22] : memref<320000xi32, #tpu.memory_space<hbm>> -> memref<80xi32, #tpu.memory_space<hbm>>
      tpu.enqueue_dma source(%dma_start3A_60 : memref<80xi32, #tpu.memory_space<hbm>>) target(%arg10 : memref<80xi32, #tpu.memory_space<vmem>>) target_semaphore(%run_scoped3A : memref<!tpu.dma_semaphore, #tpu.memory_space<semaphore_mem>>)
      %dma_wait3A_61 = tpu.memref_slice %arg3[%add3A_22] : memref<320000xi32, #tpu.memory_space<hbm>> -> memref<80xi32, #tpu.memory_space<hbm>>
      %dma_wait3A_62 = tpu.memref_slice %arg3[%add3A_22] : memref<320000xi32, #tpu.memory_space<hbm>> -> memref<80xi32, #tpu.memory_space<hbm>>
      tpu.wait_dma2 semaphore(%run_scoped3A : memref<!tpu.dma_semaphore, #tpu.memory_space<semaphore_mem>>) src(%dma_wait3A_62 : memref<80xi32, #tpu.memory_space<hbm>>) dst(%arg10 : memref<80xi32, #tpu.memory_space<vmem>>)
      tpu.yield
    }) : () -> ()
    "tpu.region"() ({
      %run_scoped3A = tpu.sem_alloc : memref<!tpu.dma_semaphore, #tpu.memory_space<semaphore_mem>>
      %dma_start3A_59 = tpu.memref_slice %arg4[%add3A_22] : memref<320000xi32, #tpu.memory_space<hbm>> -> memref<80xi32, #tpu.memory_space<hbm>>
      %dma_start3A_60 = tpu.memref_slice %arg4[%add3A_22] : memref<320000xi32, #tpu.memory_space<hbm>> -> memref<80xi32, #tpu.memory_space<hbm>>
      tpu.enqueue_dma source(%dma_start3A_60 : memref<80xi32, #tpu.memory_space<hbm>>) target(%arg14 : memref<80xi32, #tpu.memory_space<vmem>>) target_semaphore(%run_scoped3A : memref<!tpu.dma_semaphore, #tpu.memory_space<semaphore_mem>>)
      %dma_wait3A_61 = tpu.memref_slice %arg4[%add3A_22] : memref<320000xi32, #tpu.memory_space<hbm>> -> memref<80xi32, #tpu.memory_space<hbm>>
      %dma_wait3A_62 = tpu.memref_slice %arg4[%add3A_22] : memref<320000xi32, #tpu.memory_space<hbm>> -> memref<80xi32, #tpu.memory_space<hbm>>
      tpu.wait_dma2 semaphore(%run_scoped3A : memref<!tpu.dma_semaphore, #tpu.memory_space<semaphore_mem>>) src(%dma_wait3A_62 : memref<80xi32, #tpu.memory_space<hbm>>) dst(%arg14 : memref<80xi32, #tpu.memory_space<vmem>>)
      tpu.yield
    }) : () -> ()
    %dma_start3A_23 = arith.constant 0 : i32
    %dma_start3A_24 = arith.constant 0 : i32
    %dma_start3A_25 = tpu.memref_slice %arg2[%dma_start3A_23, %dma_start3A_24] : memref<10000x128xf32, #tpu.memory_space<hbm>> -> memref<10000x128xf32, #tpu.memory_space<hbm>>
    tpu.enqueue_indirect_dma source(%dma_start3A_25 : memref<10000x128xf32, #tpu.memory_space<hbm>>) target(%arg18 : memref<80x128xf32, #tpu.memory_space<vmem>>) offsets(%arg10 : memref<80xi32, #tpu.memory_space<vmem>>) semaphore(%arg23 : memref<!tpu.dma_semaphore, #tpu.memory_space<semaphore_mem>>)
    %scan3A = arith.constant 0 : i32
    %scan3A_26 = arith.constant 0 : i32
    %scan3A_27 = arith.constant 31 : i32
    %scan3A_28 = arith.addi %scan3A_26, %scan3A_27 : i32
    %scan3A_29 = arith.constant 1 : i32
    scf.for %scan3A_59 = %scan3A_26 to %scan3A_28 step %scan3A_29  : i32 {
      %dma_wait3A_60 = arith.constant 0 : i32
      %dma_wait3A_61 = arith.constant 0 : i32
      %dma_wait3A_62 = tpu.memref_slice %arg2[%dma_wait3A_60, %dma_wait3A_61] : memref<10000x128xf32, #tpu.memory_space<hbm>> -> memref<10000x128xf32, #tpu.memory_space<hbm>>
      tpu.wait_indirect_dma semaphore(%arg20 : memref<!tpu.dma_semaphore, #tpu.memory_space<semaphore_mem>>) src(%dma_wait3A_62 : memref<10000x128xf32, #tpu.memory_space<hbm>>) dst(%arg15 : memref<80x128xf32, #tpu.memory_space<vmem>>)
      %dma_start3A_63 = arith.constant 0 : i32
      %dma_start3A_64 = arith.constant 0 : i32
      %dma_start3A_65 = tpu.memref_slice %arg19[%dma_start3A_63, %dma_start3A_64] : memref<10000x128xf32, #tpu.memory_space<vmem_shared>> -> memref<10000x128xf32, #tpu.memory_space<vmem_shared>>
      tpu.enqueue_indirect_dma source(%arg15 : memref<80x128xf32, #tpu.memory_space<vmem>>) target(%dma_start3A_65 : memref<10000x128xf32, #tpu.memory_space<vmem_shared>>) offsets(%arg11 : memref<80xi32, #tpu.memory_space<vmem>>) semaphore(%arg24 : memref<!tpu.dma_semaphore, #tpu.memory_space<semaphore_mem>>) {add = true}
      %dma_wait3A_66 = arith.constant 0 : i32
      %dma_wait3A_67 = arith.constant 0 : i32
      %dma_wait3A_68 = tpu.memref_slice %arg2[%dma_wait3A_66, %dma_wait3A_67] : memref<10000x128xf32, #tpu.memory_space<hbm>> -> memref<10000x128xf32, #tpu.memory_space<hbm>>
      tpu.wait_indirect_dma semaphore(%arg21 : memref<!tpu.dma_semaphore, #tpu.memory_space<semaphore_mem>>) src(%dma_wait3A_68 : memref<10000x128xf32, #tpu.memory_space<hbm>>) dst(%arg16 : memref<80x128xf32, #tpu.memory_space<vmem>>)
      %dma_start3A_69 = arith.constant 0 : i32
      %dma_start3A_70 = arith.constant 0 : i32
      %dma_start3A_71 = tpu.memref_slice %arg19[%dma_start3A_69, %dma_start3A_70] : memref<10000x128xf32, #tpu.memory_space<vmem_shared>> -> memref<10000x128xf32, #tpu.memory_space<vmem_shared>>
      tpu.enqueue_indirect_dma source(%arg16 : memref<80x128xf32, #tpu.memory_space<vmem>>) target(%dma_start3A_71 : memref<10000x128xf32, #tpu.memory_space<vmem_shared>>) offsets(%arg12 : memref<80xi32, #tpu.memory_space<vmem>>) semaphore(%arg25 : memref<!tpu.dma_semaphore, #tpu.memory_space<semaphore_mem>>) {add = true}
      %dma_wait3A_72 = arith.constant 0 : i32
      %dma_wait3A_73 = arith.constant 0 : i32
      %dma_wait3A_74 = tpu.memref_slice %arg2[%dma_wait3A_72, %dma_wait3A_73] : memref<10000x128xf32, #tpu.memory_space<hbm>> -> memref<10000x128xf32, #tpu.memory_space<hbm>>
      tpu.wait_indirect_dma semaphore(%arg22 : memref<!tpu.dma_semaphore, #tpu.memory_space<semaphore_mem>>) src(%dma_wait3A_74 : memref<10000x128xf32, #tpu.memory_space<hbm>>) dst(%arg17 : memref<80x128xf32, #tpu.memory_space<vmem>>)
      %dma_start3A_75 = arith.constant 0 : i32
      %dma_start3A_76 = arith.constant 0 : i32
      %dma_start3A_77 = tpu.memref_slice %arg19[%dma_start3A_75, %dma_start3A_76] : memref<10000x128xf32, #tpu.memory_space<vmem_shared>> -> memref<10000x128xf32, #tpu.memory_space<vmem_shared>>
      tpu.enqueue_indirect_dma source(%arg17 : memref<80x128xf32, #tpu.memory_space<vmem>>) target(%dma_start3A_77 : memref<10000x128xf32, #tpu.memory_space<vmem_shared>>) offsets(%arg13 : memref<80xi32, #tpu.memory_space<vmem>>) semaphore(%arg26 : memref<!tpu.dma_semaphore, #tpu.memory_space<semaphore_mem>>) {add = true}
      %dma_wait3A_78 = arith.constant 0 : i32
      %dma_wait3A_79 = arith.constant 0 : i32
      %dma_wait3A_80 = tpu.memref_slice %arg2[%dma_wait3A_78, %dma_wait3A_79] : memref<10000x128xf32, #tpu.memory_space<hbm>> -> memref<10000x128xf32, #tpu.memory_space<hbm>>
      tpu.wait_indirect_dma semaphore(%arg23 : memref<!tpu.dma_semaphore, #tpu.memory_space<semaphore_mem>>) src(%dma_wait3A_80 : memref<10000x128xf32, #tpu.memory_space<hbm>>) dst(%arg18 : memref<80x128xf32, #tpu.memory_space<vmem>>)
      %dma_start3A_81 = arith.constant 0 : i32
      %dma_start3A_82 = arith.constant 0 : i32
      %dma_start3A_83 = tpu.memref_slice %arg19[%dma_start3A_81, %dma_start3A_82] : memref<10000x128xf32, #tpu.memory_space<vmem_shared>> -> memref<10000x128xf32, #tpu.memory_space<vmem_shared>>
      tpu.enqueue_indirect_dma source(%arg18 : memref<80x128xf32, #tpu.memory_space<vmem>>) target(%dma_start3A_83 : memref<10000x128xf32, #tpu.memory_space<vmem_shared>>) offsets(%arg14 : memref<80xi32, #tpu.memory_space<vmem>>) semaphore(%arg27 : memref<!tpu.dma_semaphore, #tpu.memory_space<semaphore_mem>>) {add = true}
      %add3A_84 = arith.constant 1 : i32
      %add3A_85 = arith.addi %scan3A_59, %add3A_84 : i32
      %mul3A_86 = arith.constant 4 : i32
      %mul3A_87 = arith.muli %add3A_85, %mul3A_86 : i32
      %add3A_88 = arith.constant 0 : i32
      %add3A_89 = arith.addi %mul3A_87, %add3A_88 : i32
      %lt3A = arith.constant 125 : i32
      %lt3A_90 = arith.cmpi slt, %add3A_89, %lt3A : i32
      %convert_element_type3A_91 = arith.extui %lt3A_90 : i1 to i32
      %cond3A_92 = arith.constant 0 : i32
      %cond3A_93 = arith.cmpi ne, %convert_element_type3A_91, %cond3A_92 : i32
      scf.if %cond3A_93 {
        %dma_wait3A_127 = arith.constant 0 : i32
        %dma_wait3A_128 = arith.constant 0 : i32
        %dma_wait3A_129 = tpu.memref_slice %arg19[%dma_wait3A_127, %dma_wait3A_128] : memref<10000x128xf32, #tpu.memory_space<vmem_shared>> -> memref<10000x128xf32, #tpu.memory_space<vmem_shared>>
        tpu.wait_indirect_dma semaphore(%arg24 : memref<!tpu.dma_semaphore, #tpu.memory_space<semaphore_mem>>) src(%arg15 : memref<80x128xf32, #tpu.memory_space<vmem>>) dst(%dma_wait3A_129 : memref<10000x128xf32, #tpu.memory_space<vmem_shared>>)
        %mul3A_130 = arith.constant 80 : i32
        %mul3A_131 = arith.muli %add3A_89, %mul3A_130 : i32
        %add3A_132 = arith.addi %mul3A_2, %mul3A_131 : i32
        "tpu.region"() ({
          %run_scoped3A = tpu.sem_alloc : memref<!tpu.dma_semaphore, #tpu.memory_space<semaphore_mem>>
          %dma_start3A_136 = tpu.memref_slice %arg3[%add3A_132] : memref<320000xi32, #tpu.memory_space<hbm>> -> memref<80xi32, #tpu.memory_space<hbm>>
          %dma_start3A_137 = tpu.memref_slice %arg3[%add3A_132] : memref<320000xi32, #tpu.memory_space<hbm>> -> memref<80xi32, #tpu.memory_space<hbm>>
          tpu.enqueue_dma source(%dma_start3A_137 : memref<80xi32, #tpu.memory_space<hbm>>) target(%arg7 : memref<80xi32, #tpu.memory_space<vmem>>) target_semaphore(%run_scoped3A : memref<!tpu.dma_semaphore, #tpu.memory_space<semaphore_mem>>)
          %dma_wait3A_138 = tpu.memref_slice %arg3[%add3A_132] : memref<320000xi32, #tpu.memory_space<hbm>> -> memref<80xi32, #tpu.memory_space<hbm>>
          %dma_wait3A_139 = tpu.memref_slice %arg3[%add3A_132] : memref<320000xi32, #tpu.memory_space<hbm>> -> memref<80xi32, #tpu.memory_space<hbm>>
          tpu.wait_dma2 semaphore(%run_scoped3A : memref<!tpu.dma_semaphore, #tpu.memory_space<semaphore_mem>>) src(%dma_wait3A_139 : memref<80xi32, #tpu.memory_space<hbm>>) dst(%arg7 : memref<80xi32, #tpu.memory_space<vmem>>)
          tpu.yield
        }) : () -> ()
        "tpu.region"() ({
          %run_scoped3A = tpu.sem_alloc : memref<!tpu.dma_semaphore, #tpu.memory_space<semaphore_mem>>
          %dma_start3A_136 = tpu.memref_slice %arg4[%add3A_132] : memref<320000xi32, #tpu.memory_space<hbm>> -> memref<80xi32, #tpu.memory_space<hbm>>
          %dma_start3A_137 = tpu.memref_slice %arg4[%add3A_132] : memref<320000xi32, #tpu.memory_space<hbm>> -> memref<80xi32, #tpu.memory_space<hbm>>
          tpu.enqueue_dma source(%dma_start3A_137 : memref<80xi32, #tpu.memory_space<hbm>>) target(%arg11 : memref<80xi32, #tpu.memory_space<vmem>>) target_semaphore(%run_scoped3A : memref<!tpu.dma_semaphore, #tpu.memory_space<semaphore_mem>>)
          %dma_wait3A_138 = tpu.memref_slice %arg4[%add3A_132] : memref<320000xi32, #tpu.memory_space<hbm>> -> memref<80xi32, #tpu.memory_space<hbm>>
          %dma_wait3A_139 = tpu.memref_slice %arg4[%add3A_132] : memref<320000xi32, #tpu.memory_space<hbm>> -> memref<80xi32, #tpu.memory_space<hbm>>
          tpu.wait_dma2 semaphore(%run_scoped3A : memref<!tpu.dma_semaphore, #tpu.memory_space<semaphore_mem>>) src(%dma_wait3A_139 : memref<80xi32, #tpu.memory_space<hbm>>) dst(%arg11 : memref<80xi32, #tpu.memory_space<vmem>>)
          tpu.yield
        }) : () -> ()
        %dma_start3A_133 = arith.constant 0 : i32
        %dma_start3A_134 = arith.constant 0 : i32
        %dma_start3A_135 = tpu.memref_slice %arg2[%dma_start3A_133, %dma_start3A_134] : memref<10000x128xf32, #tpu.memory_space<hbm>> -> memref<10000x128xf32, #tpu.memory_space<hbm>>
        tpu.enqueue_indirect_dma source(%dma_start3A_135 : memref<10000x128xf32, #tpu.memory_space<hbm>>) target(%arg15 : memref<80x128xf32, #tpu.memory_space<vmem>>) offsets(%arg7 : memref<80xi32, #tpu.memory_space<vmem>>) semaphore(%arg20 : memref<!tpu.dma_semaphore, #tpu.memory_space<semaphore_mem>>)
      } else {
      }
      %add3A_94 = arith.constant 1 : i32
      %add3A_95 = arith.addi %scan3A_59, %add3A_94 : i32
      %mul3A_96 = arith.constant 4 : i32
      %mul3A_97 = arith.muli %add3A_95, %mul3A_96 : i32
      %add3A_98 = arith.constant 1 : i32
      %add3A_99 = arith.addi %mul3A_97, %add3A_98 : i32
      %lt3A_100 = arith.constant 125 : i32
      %lt3A_101 = arith.cmpi slt, %add3A_99, %lt3A_100 : i32
      %convert_element_type3A_102 = arith.extui %lt3A_101 : i1 to i32
      %cond3A_103 = arith.constant 0 : i32
      %cond3A_104 = arith.cmpi ne, %convert_element_type3A_102, %cond3A_103 : i32
      scf.if %cond3A_104 {
        %dma_wait3A_127 = arith.constant 0 : i32
        %dma_wait3A_128 = arith.constant 0 : i32
        %dma_wait3A_129 = tpu.memref_slice %arg19[%dma_wait3A_127, %dma_wait3A_128] : memref<10000x128xf32, #tpu.memory_space<vmem_shared>> -> memref<10000x128xf32, #tpu.memory_space<vmem_shared>>
        tpu.wait_indirect_dma semaphore(%arg25 : memref<!tpu.dma_semaphore, #tpu.memory_space<semaphore_mem>>) src(%arg16 : memref<80x128xf32, #tpu.memory_space<vmem>>) dst(%dma_wait3A_129 : memref<10000x128xf32, #tpu.memory_space<vmem_shared>>)
        %mul3A_130 = arith.constant 80 : i32
        %mul3A_131 = arith.muli %add3A_99, %mul3A_130 : i32
        %add3A_132 = arith.addi %mul3A_2, %mul3A_131 : i32
        "tpu.region"() ({
          %run_scoped3A = tpu.sem_alloc : memref<!tpu.dma_semaphore, #tpu.memory_space<semaphore_mem>>
          %dma_start3A_136 = tpu.memref_slice %arg3[%add3A_132] : memref<320000xi32, #tpu.memory_space<hbm>> -> memref<80xi32, #tpu.memory_space<hbm>>
          %dma_start3A_137 = tpu.memref_slice %arg3[%add3A_132] : memref<320000xi32, #tpu.memory_space<hbm>> -> memref<80xi32, #tpu.memory_space<hbm>>
          tpu.enqueue_dma source(%dma_start3A_137 : memref<80xi32, #tpu.memory_space<hbm>>) target(%arg8 : memref<80xi32, #tpu.memory_space<vmem>>) target_semaphore(%run_scoped3A : memref<!tpu.dma_semaphore, #tpu.memory_space<semaphore_mem>>)
          %dma_wait3A_138 = tpu.memref_slice %arg3[%add3A_132] : memref<320000xi32, #tpu.memory_space<hbm>> -> memref<80xi32, #tpu.memory_space<hbm>>
          %dma_wait3A_139 = tpu.memref_slice %arg3[%add3A_132] : memref<320000xi32, #tpu.memory_space<hbm>> -> memref<80xi32, #tpu.memory_space<hbm>>
          tpu.wait_dma2 semaphore(%run_scoped3A : memref<!tpu.dma_semaphore, #tpu.memory_space<semaphore_mem>>) src(%dma_wait3A_139 : memref<80xi32, #tpu.memory_space<hbm>>) dst(%arg8 : memref<80xi32, #tpu.memory_space<vmem>>)
          tpu.yield
        }) : () -> ()
        "tpu.region"() ({
          %run_scoped3A = tpu.sem_alloc : memref<!tpu.dma_semaphore, #tpu.memory_space<semaphore_mem>>
          %dma_start3A_136 = tpu.memref_slice %arg4[%add3A_132] : memref<320000xi32, #tpu.memory_space<hbm>> -> memref<80xi32, #tpu.memory_space<hbm>>
          %dma_start3A_137 = tpu.memref_slice %arg4[%add3A_132] : memref<320000xi32, #tpu.memory_space<hbm>> -> memref<80xi32, #tpu.memory_space<hbm>>
          tpu.enqueue_dma source(%dma_start3A_137 : memref<80xi32, #tpu.memory_space<hbm>>) target(%arg12 : memref<80xi32, #tpu.memory_space<vmem>>) target_semaphore(%run_scoped3A : memref<!tpu.dma_semaphore, #tpu.memory_space<semaphore_mem>>)
          %dma_wait3A_138 = tpu.memref_slice %arg4[%add3A_132] : memref<320000xi32, #tpu.memory_space<hbm>> -> memref<80xi32, #tpu.memory_space<hbm>>
          %dma_wait3A_139 = tpu.memref_slice %arg4[%add3A_132] : memref<320000xi32, #tpu.memory_space<hbm>> -> memref<80xi32, #tpu.memory_space<hbm>>
          tpu.wait_dma2 semaphore(%run_scoped3A : memref<!tpu.dma_semaphore, #tpu.memory_space<semaphore_mem>>) src(%dma_wait3A_139 : memref<80xi32, #tpu.memory_space<hbm>>) dst(%arg12 : memref<80xi32, #tpu.memory_space<vmem>>)
          tpu.yield
        }) : () -> ()
        %dma_start3A_133 = arith.constant 0 : i32
        %dma_start3A_134 = arith.constant 0 : i32
        %dma_start3A_135 = tpu.memref_slice %arg2[%dma_start3A_133, %dma_start3A_134] : memref<10000x128xf32, #tpu.memory_space<hbm>> -> memref<10000x128xf32, #tpu.memory_space<hbm>>
        tpu.enqueue_indirect_dma source(%dma_start3A_135 : memref<10000x128xf32, #tpu.memory_space<hbm>>) target(%arg16 : memref<80x128xf32, #tpu.memory_space<vmem>>) offsets(%arg8 : memref<80xi32, #tpu.memory_space<vmem>>) semaphore(%arg21 : memref<!tpu.dma_semaphore, #tpu.memory_space<semaphore_mem>>)
      } else {
      }
      %add3A_105 = arith.constant 1 : i32
      %add3A_106 = arith.addi %scan3A_59, %add3A_105 : i32
      %mul3A_107 = arith.constant 4 : i32
      %mul3A_108 = arith.muli %add3A_106, %mul3A_107 : i32
      %add3A_109 = arith.constant 2 : i32
      %add3A_110 = arith.addi %mul3A_108, %add3A_109 : i32
      %lt3A_111 = arith.constant 125 : i32
      %lt3A_112 = arith.cmpi slt, %add3A_110, %lt3A_111 : i32
      %convert_element_type3A_113 = arith.extui %lt3A_112 : i1 to i32
      %cond3A_114 = arith.constant 0 : i32
      %cond3A_115 = arith.cmpi ne, %convert_element_type3A_113, %cond3A_114 : i32
      scf.if %cond3A_115 {
        %dma_wait3A_127 = arith.constant 0 : i32
        %dma_wait3A_128 = arith.constant 0 : i32
        %dma_wait3A_129 = tpu.memref_slice %arg19[%dma_wait3A_127, %dma_wait3A_128] : memref<10000x128xf32, #tpu.memory_space<vmem_shared>> -> memref<10000x128xf32, #tpu.memory_space<vmem_shared>>
        tpu.wait_indirect_dma semaphore(%arg26 : memref<!tpu.dma_semaphore, #tpu.memory_space<semaphore_mem>>) src(%arg17 : memref<80x128xf32, #tpu.memory_space<vmem>>) dst(%dma_wait3A_129 : memref<10000x128xf32, #tpu.memory_space<vmem_shared>>)
        %mul3A_130 = arith.constant 80 : i32
        %mul3A_131 = arith.muli %add3A_110, %mul3A_130 : i32
        %add3A_132 = arith.addi %mul3A_2, %mul3A_131 : i32
        "tpu.region"() ({
          %run_scoped3A = tpu.sem_alloc : memref<!tpu.dma_semaphore, #tpu.memory_space<semaphore_mem>>
          %dma_start3A_136 = tpu.memref_slice %arg3[%add3A_132] : memref<320000xi32, #tpu.memory_space<hbm>> -> memref<80xi32, #tpu.memory_space<hbm>>
          %dma_start3A_137 = tpu.memref_slice %arg3[%add3A_132] : memref<320000xi32, #tpu.memory_space<hbm>> -> memref<80xi32, #tpu.memory_space<hbm>>
          tpu.enqueue_dma source(%dma_start3A_137 : memref<80xi32, #tpu.memory_space<hbm>>) target(%arg9 : memref<80xi32, #tpu.memory_space<vmem>>) target_semaphore(%run_scoped3A : memref<!tpu.dma_semaphore, #tpu.memory_space<semaphore_mem>>)
          %dma_wait3A_138 = tpu.memref_slice %arg3[%add3A_132] : memref<320000xi32, #tpu.memory_space<hbm>> -> memref<80xi32, #tpu.memory_space<hbm>>
          %dma_wait3A_139 = tpu.memref_slice %arg3[%add3A_132] : memref<320000xi32, #tpu.memory_space<hbm>> -> memref<80xi32, #tpu.memory_space<hbm>>
          tpu.wait_dma2 semaphore(%run_scoped3A : memref<!tpu.dma_semaphore, #tpu.memory_space<semaphore_mem>>) src(%dma_wait3A_139 : memref<80xi32, #tpu.memory_space<hbm>>) dst(%arg9 : memref<80xi32, #tpu.memory_space<vmem>>)
          tpu.yield
        }) : () -> ()
        "tpu.region"() ({
          %run_scoped3A = tpu.sem_alloc : memref<!tpu.dma_semaphore, #tpu.memory_space<semaphore_mem>>
          %dma_start3A_136 = tpu.memref_slice %arg4[%add3A_132] : memref<320000xi32, #tpu.memory_space<hbm>> -> memref<80xi32, #tpu.memory_space<hbm>>
          %dma_start3A_137 = tpu.memref_slice %arg4[%add3A_132] : memref<320000xi32, #tpu.memory_space<hbm>> -> memref<80xi32, #tpu.memory_space<hbm>>
          tpu.enqueue_dma source(%dma_start3A_137 : memref<80xi32, #tpu.memory_space<hbm>>) target(%arg13 : memref<80xi32, #tpu.memory_space<vmem>>) target_semaphore(%run_scoped3A : memref<!tpu.dma_semaphore, #tpu.memory_space<semaphore_mem>>)
          %dma_wait3A_138 = tpu.memref_slice %arg4[%add3A_132] : memref<320000xi32, #tpu.memory_space<hbm>> -> memref<80xi32, #tpu.memory_space<hbm>>
          %dma_wait3A_139 = tpu.memref_slice %arg4[%add3A_132] : memref<320000xi32, #tpu.memory_space<hbm>> -> memref<80xi32, #tpu.memory_space<hbm>>
          tpu.wait_dma2 semaphore(%run_scoped3A : memref<!tpu.dma_semaphore, #tpu.memory_space<semaphore_mem>>) src(%dma_wait3A_139 : memref<80xi32, #tpu.memory_space<hbm>>) dst(%arg13 : memref<80xi32, #tpu.memory_space<vmem>>)
          tpu.yield
        }) : () -> ()
        %dma_start3A_133 = arith.constant 0 : i32
        %dma_start3A_134 = arith.constant 0 : i32
        %dma_start3A_135 = tpu.memref_slice %arg2[%dma_start3A_133, %dma_start3A_134] : memref<10000x128xf32, #tpu.memory_space<hbm>> -> memref<10000x128xf32, #tpu.memory_space<hbm>>
        tpu.enqueue_indirect_dma source(%dma_start3A_135 : memref<10000x128xf32, #tpu.memory_space<hbm>>) target(%arg17 : memref<80x128xf32, #tpu.memory_space<vmem>>) offsets(%arg9 : memref<80xi32, #tpu.memory_space<vmem>>) semaphore(%arg22 : memref<!tpu.dma_semaphore, #tpu.memory_space<semaphore_mem>>)
      } else {
      }
      %add3A_116 = arith.constant 1 : i32
      %add3A_117 = arith.addi %scan3A_59, %add3A_116 : i32
      %mul3A_118 = arith.constant 4 : i32
      %mul3A_119 = arith.muli %add3A_117, %mul3A_118 : i32
      %add3A_120 = arith.constant 3 : i32
      %add3A_121 = arith.addi %mul3A_119, %add3A_120 : i32
      %lt3A_122 = arith.constant 125 : i32
      %lt3A_123 = arith.cmpi slt, %add3A_121, %lt3A_122 : i32
      %convert_element_type3A_124 = arith.extui %lt3A_123 : i1 to i32
      %cond3A_125 = arith.constant 0 : i32
      %cond3A_126 = arith.cmpi ne, %convert_element_type3A_124, %cond3A_125 : i32
      scf.if %cond3A_126 {
        %dma_wait3A_127 = arith.constant 0 : i32
        %dma_wait3A_128 = arith.constant 0 : i32
        %dma_wait3A_129 = tpu.memref_slice %arg19[%dma_wait3A_127, %dma_wait3A_128] : memref<10000x128xf32, #tpu.memory_space<vmem_shared>> -> memref<10000x128xf32, #tpu.memory_space<vmem_shared>>
        tpu.wait_indirect_dma semaphore(%arg27 : memref<!tpu.dma_semaphore, #tpu.memory_space<semaphore_mem>>) src(%arg18 : memref<80x128xf32, #tpu.memory_space<vmem>>) dst(%dma_wait3A_129 : memref<10000x128xf32, #tpu.memory_space<vmem_shared>>)
        %mul3A_130 = arith.constant 80 : i32
        %mul3A_131 = arith.muli %add3A_121, %mul3A_130 : i32
        %add3A_132 = arith.addi %mul3A_2, %mul3A_131 : i32
        "tpu.region"() ({
          %run_scoped3A = tpu.sem_alloc : memref<!tpu.dma_semaphore, #tpu.memory_space<semaphore_mem>>
          %dma_start3A_136 = tpu.memref_slice %arg3[%add3A_132] : memref<320000xi32, #tpu.memory_space<hbm>> -> memref<80xi32, #tpu.memory_space<hbm>>
          %dma_start3A_137 = tpu.memref_slice %arg3[%add3A_132] : memref<320000xi32, #tpu.memory_space<hbm>> -> memref<80xi32, #tpu.memory_space<hbm>>
          tpu.enqueue_dma source(%dma_start3A_137 : memref<80xi32, #tpu.memory_space<hbm>>) target(%arg10 : memref<80xi32, #tpu.memory_space<vmem>>) target_semaphore(%run_scoped3A : memref<!tpu.dma_semaphore, #tpu.memory_space<semaphore_mem>>)
          %dma_wait3A_138 = tpu.memref_slice %arg3[%add3A_132] : memref<320000xi32, #tpu.memory_space<hbm>> -> memref<80xi32, #tpu.memory_space<hbm>>
          %dma_wait3A_139 = tpu.memref_slice %arg3[%add3A_132] : memref<320000xi32, #tpu.memory_space<hbm>> -> memref<80xi32, #tpu.memory_space<hbm>>
          tpu.wait_dma2 semaphore(%run_scoped3A : memref<!tpu.dma_semaphore, #tpu.memory_space<semaphore_mem>>) src(%dma_wait3A_139 : memref<80xi32, #tpu.memory_space<hbm>>) dst(%arg10 : memref<80xi32, #tpu.memory_space<vmem>>)
          tpu.yield
        }) : () -> ()
        "tpu.region"() ({
          %run_scoped3A = tpu.sem_alloc : memref<!tpu.dma_semaphore, #tpu.memory_space<semaphore_mem>>
          %dma_start3A_136 = tpu.memref_slice %arg4[%add3A_132] : memref<320000xi32, #tpu.memory_space<hbm>> -> memref<80xi32, #tpu.memory_space<hbm>>
          %dma_start3A_137 = tpu.memref_slice %arg4[%add3A_132] : memref<320000xi32, #tpu.memory_space<hbm>> -> memref<80xi32, #tpu.memory_space<hbm>>
          tpu.enqueue_dma source(%dma_start3A_137 : memref<80xi32, #tpu.memory_space<hbm>>) target(%arg14 : memref<80xi32, #tpu.memory_space<vmem>>) target_semaphore(%run_scoped3A : memref<!tpu.dma_semaphore, #tpu.memory_space<semaphore_mem>>)
          %dma_wait3A_138 = tpu.memref_slice %arg4[%add3A_132] : memref<320000xi32, #tpu.memory_space<hbm>> -> memref<80xi32, #tpu.memory_space<hbm>>
          %dma_wait3A_139 = tpu.memref_slice %arg4[%add3A_132] : memref<320000xi32, #tpu.memory_space<hbm>> -> memref<80xi32, #tpu.memory_space<hbm>>
          tpu.wait_dma2 semaphore(%run_scoped3A : memref<!tpu.dma_semaphore, #tpu.memory_space<semaphore_mem>>) src(%dma_wait3A_139 : memref<80xi32, #tpu.memory_space<hbm>>) dst(%arg14 : memref<80xi32, #tpu.memory_space<vmem>>)
          tpu.yield
        }) : () -> ()
        %dma_start3A_133 = arith.constant 0 : i32
        %dma_start3A_134 = arith.constant 0 : i32
        %dma_start3A_135 = tpu.memref_slice %arg2[%dma_start3A_133, %dma_start3A_134] : memref<10000x128xf32, #tpu.memory_space<hbm>> -> memref<10000x128xf32, #tpu.memory_space<hbm>>
        tpu.enqueue_indirect_dma source(%dma_start3A_135 : memref<10000x128xf32, #tpu.memory_space<hbm>>) target(%arg18 : memref<80x128xf32, #tpu.memory_space<vmem>>) offsets(%arg10 : memref<80xi32, #tpu.memory_space<vmem>>) semaphore(%arg23 : memref<!tpu.dma_semaphore, #tpu.memory_space<semaphore_mem>>)
      } else {
      }
    }
    %scan3A_30 = arith.constant 31 : i32
    %dma_wait3A = arith.constant 0 : i32
    %dma_wait3A_31 = arith.constant 0 : i32
    %dma_wait3A_32 = tpu.memref_slice %arg2[%dma_wait3A, %dma_wait3A_31] : memref<10000x128xf32, #tpu.memory_space<hbm>> -> memref<10000x128xf32, #tpu.memory_space<hbm>>
    tpu.wait_indirect_dma semaphore(%arg20 : memref<!tpu.dma_semaphore, #tpu.memory_space<semaphore_mem>>) src(%dma_wait3A_32 : memref<10000x128xf32, #tpu.memory_space<hbm>>) dst(%arg15 : memref<80x128xf32, #tpu.memory_space<vmem>>)
    %dma_start3A_33 = arith.constant 0 : i32
    %dma_start3A_34 = arith.constant 0 : i32
    %dma_start3A_35 = tpu.memref_slice %arg19[%dma_start3A_33, %dma_start3A_34] : memref<10000x128xf32, #tpu.memory_space<vmem_shared>> -> memref<10000x128xf32, #tpu.memory_space<vmem_shared>>
    tpu.enqueue_indirect_dma source(%arg15 : memref<80x128xf32, #tpu.memory_space<vmem>>) target(%dma_start3A_35 : memref<10000x128xf32, #tpu.memory_space<vmem_shared>>) offsets(%arg11 : memref<80xi32, #tpu.memory_space<vmem>>) semaphore(%arg24 : memref<!tpu.dma_semaphore, #tpu.memory_space<semaphore_mem>>) {add = true}
    %dma_wait3A_36 = arith.constant 0 : i32
    %dma_wait3A_37 = arith.constant 0 : i32
    %dma_wait3A_38 = tpu.memref_slice %arg19[%dma_wait3A_36, %dma_wait3A_37] : memref<10000x128xf32, #tpu.memory_space<vmem_shared>> -> memref<10000x128xf32, #tpu.memory_space<vmem_shared>>
    tpu.wait_indirect_dma semaphore(%arg24 : memref<!tpu.dma_semaphore, #tpu.memory_space<semaphore_mem>>) src(%arg15 : memref<80x128xf32, #tpu.memory_space<vmem>>) dst(%dma_wait3A_38 : memref<10000x128xf32, #tpu.memory_space<vmem_shared>>)
    %dma_wait3A_39 = arith.constant 0 : i32
    %dma_wait3A_40 = arith.constant 0 : i32
    %dma_wait3A_41 = tpu.memref_slice %arg19[%dma_wait3A_39, %dma_wait3A_40] : memref<10000x128xf32, #tpu.memory_space<vmem_shared>> -> memref<10000x128xf32, #tpu.memory_space<vmem_shared>>
    tpu.wait_indirect_dma semaphore(%arg25 : memref<!tpu.dma_semaphore, #tpu.memory_space<semaphore_mem>>) src(%arg16 : memref<80x128xf32, #tpu.memory_space<vmem>>) dst(%dma_wait3A_41 : memref<10000x128xf32, #tpu.memory_space<vmem_shared>>)
    %dma_wait3A_42 = arith.constant 0 : i32
    %dma_wait3A_43 = arith.constant 0 : i32
    %dma_wait3A_44 = tpu.memref_slice %arg19[%dma_wait3A_42, %dma_wait3A_43] : memref<10000x128xf32, #tpu.memory_space<vmem_shared>> -> memref<10000x128xf32, #tpu.memory_space<vmem_shared>>
    tpu.wait_indirect_dma semaphore(%arg26 : memref<!tpu.dma_semaphore, #tpu.memory_space<semaphore_mem>>) src(%arg17 : memref<80x128xf32, #tpu.memory_space<vmem>>) dst(%dma_wait3A_44 : memref<10000x128xf32, #tpu.memory_space<vmem_shared>>)
    %dma_wait3A_45 = arith.constant 0 : i32
    %dma_wait3A_46 = arith.constant 0 : i32
    %dma_wait3A_47 = tpu.memref_slice %arg19[%dma_wait3A_45, %dma_wait3A_46] : memref<10000x128xf32, #tpu.memory_space<vmem_shared>> -> memref<10000x128xf32, #tpu.memory_space<vmem_shared>>
    tpu.wait_indirect_dma semaphore(%arg27 : memref<!tpu.dma_semaphore, #tpu.memory_space<semaphore_mem>>) src(%arg18 : memref<80x128xf32, #tpu.memory_space<vmem>>) dst(%dma_wait3A_47 : memref<10000x128xf32, #tpu.memory_space<vmem_shared>>)
    %barrier3A_48 = arith.constant 0 : index
    tpu.barrier barrier_id(%barrier3A_48)
    %mul3A_49 = arith.constant 624 : i32
    %mul3A_50 = arith.muli %arg1, %mul3A_49 : i32
    %mul3A_51 = arith.constant 10000 : i32
    %mul3A_52 = arith.muli %arg0, %mul3A_51 : i32
    %add3A_53 = arith.addi %mul3A_52, %mul3A_50 : i32
    "tpu.region"() ({
      %run_scoped3A = tpu.sem_alloc : memref<!tpu.dma_semaphore, #tpu.memory_space<semaphore_mem>>
      %dma_start3A_59 = arith.constant 0 : i32
      %dma_start3A_60 = tpu.memref_slice %arg6[%add3A_53, %dma_start3A_59] : memref<20000x128xf32, #tpu.memory_space<hbm>> -> memref<624x128xf32, #tpu.memory_space<hbm>>
      %dma_start3A_61 = arith.constant 0 : i32
      %dma_start3A_62 = tpu.memref_slice %arg19[%mul3A_50, %dma_start3A_61] : memref<10000x128xf32, #tpu.memory_space<vmem_shared>> -> memref<624x128xf32, #tpu.memory_space<vmem_shared>>
      tpu.enqueue_dma source(%dma_start3A_62 : memref<624x128xf32, #tpu.memory_space<vmem_shared>>) target(%dma_start3A_60 : memref<624x128xf32, #tpu.memory_space<hbm>>) target_semaphore(%run_scoped3A : memref<!tpu.dma_semaphore, #tpu.memory_space<semaphore_mem>>)
      %dma_wait3A_63 = arith.constant 0 : i32
      %dma_wait3A_64 = tpu.memref_slice %arg6[%add3A_53, %dma_wait3A_63] : memref<20000x128xf32, #tpu.memory_space<hbm>> -> memref<624x128xf32, #tpu.memory_space<hbm>>
      %dma_wait3A_65 = arith.constant 0 : i32
      %dma_wait3A_66 = tpu.memref_slice %arg19[%mul3A_50, %dma_wait3A_65] : memref<10000x128xf32, #tpu.memory_space<vmem_shared>> -> memref<624x128xf32, #tpu.memory_space<vmem_shared>>
      tpu.wait_dma2 semaphore(%run_scoped3A : memref<!tpu.dma_semaphore, #tpu.memory_space<semaphore_mem>>) src(%dma_wait3A_66 : memref<624x128xf32, #tpu.memory_space<vmem_shared>>) dst(%dma_wait3A_64 : memref<624x128xf32, #tpu.memory_space<hbm>>)
      tpu.yield
    }) : () -> ()
    %eq3A_54 = arith.constant 0 : i32
    %eq3A_55 = arith.cmpi eq, %arg1, %eq3A_54 : i32
    %convert_element_type3A_56 = arith.extui %eq3A_55 : i1 to i32
    %cond3A_57 = arith.constant 0 : i32
    %cond3A_58 = arith.cmpi ne, %convert_element_type3A_56, %cond3A_57 : i32
    scf.if %cond3A_58 {
      %mul3A_59 = arith.constant 10000 : i32
      %mul3A_60 = arith.muli %arg0, %mul3A_59 : i32
      %add3A_61 = arith.constant 9984 : i32
      %add3A_62 = arith.addi %mul3A_60, %add3A_61 : i32
      "tpu.region"() ({
        %run_scoped3A = tpu.sem_alloc : memref<!tpu.dma_semaphore, #tpu.memory_space<semaphore_mem>>
        %dma_start3A_63 = arith.constant 0 : i32
        %dma_start3A_64 = tpu.memref_slice %arg6[%add3A_62, %dma_start3A_63] : memref<20000x128xf32, #tpu.memory_space<hbm>> -> memref<16x128xf32, #tpu.memory_space<hbm>>
        %dma_start3A_65 = arith.constant 9984 : i32
        %dma_start3A_66 = arith.constant 0 : i32
        %dma_start3A_67 = tpu.memref_slice %arg19[%dma_start3A_65, %dma_start3A_66] : memref<10000x128xf32, #tpu.memory_space<vmem_shared>> -> memref<16x128xf32, #tpu.memory_space<vmem_shared>>
        tpu.enqueue_dma source(%dma_start3A_67 : memref<16x128xf32, #tpu.memory_space<vmem_shared>>) target(%dma_start3A_64 : memref<16x128xf32, #tpu.memory_space<hbm>>) target_semaphore(%run_scoped3A : memref<!tpu.dma_semaphore, #tpu.memory_space<semaphore_mem>>)
        %dma_wait3A_68 = arith.constant 0 : i32
        %dma_wait3A_69 = tpu.memref_slice %arg6[%add3A_62, %dma_wait3A_68] : memref<20000x128xf32, #tpu.memory_space<hbm>> -> memref<16x128xf32, #tpu.memory_space<hbm>>
        %dma_wait3A_70 = arith.constant 9984 : i32
        %dma_wait3A_71 = arith.constant 0 : i32
        %dma_wait3A_72 = tpu.memref_slice %arg19[%dma_wait3A_70, %dma_wait3A_71] : memref<10000x128xf32, #tpu.memory_space<vmem_shared>> -> memref<16x128xf32, #tpu.memory_space<vmem_shared>>
        tpu.wait_dma2 semaphore(%run_scoped3A : memref<!tpu.dma_semaphore, #tpu.memory_space<semaphore_mem>>) src(%dma_wait3A_72 : memref<16x128xf32, #tpu.memory_space<vmem_shared>>) dst(%dma_wait3A_69 : memref<16x128xf32, #tpu.memory_space<hbm>>)
        tpu.yield
      }) : () -> ()
    } else {
    }
    return
  }
}

#map = affine_map<(d0, d1) -> (0)>
#map1 = affine_map<(d0, d1) -> (0, 0)>
module attributes {stable_mosaic.version = 14 : i64} {
  func.func @_deg_body(%arg0: i32, %arg1: i32, %arg2: memref<320000xi32, #tpu.memory_space<hbm>>, %arg3: memref<80x128xf32, #tpu.memory_space<hbm>>, %arg4: memref<10000x128xf32, #tpu.memory_space<hbm>>, %arg5: memref<20000x128xf32, #tpu.memory_space<hbm>>, %arg6: memref<80xi32, #tpu.memory_space<vmem>>, %arg7: memref<80xi32, #tpu.memory_space<vmem>>, %arg8: memref<80xi32, #tpu.memory_space<vmem>>, %arg9: memref<80xi32, #tpu.memory_space<vmem>>, %arg10: memref<80x128xf32, #tpu.memory_space<vmem>>, %arg11: memref<10000x128xf32, #tpu.memory_space<vmem_shared>>, %arg12: memref<!tpu.dma_semaphore, #tpu.memory_space<semaphore_mem>>, %arg13: memref<!tpu.dma_semaphore, #tpu.memory_space<semaphore_mem>>, %arg14: memref<!tpu.dma_semaphore, #tpu.memory_space<semaphore_mem>>, %arg15: memref<!tpu.dma_semaphore, #tpu.memory_space<semaphore_mem>>) attributes {dimension_semantics = [#tpu.dimension_semantics<core_parallel>, #tpu.dimension_semantics<subcore_parallel>], iteration_bounds = array<i64: 2, 16>, scalar_prefetch = 0 : i64, scratch_operands = 10 : i64, tpu.core_type = #tpu.core_type<sc_vector_subcore>, window_params = [{transform_indices = #map}, {transform_indices = #map1}, {transform_indices = #map1}, {transform_indices = #map1}]} {
    %mul3A = arith.constant 16 : i32
    %mul3A_0 = arith.muli %arg0, %mul3A : i32
    %add3A = arith.addi %mul3A_0, %arg1 : i32
    %mul3A_1 = arith.constant 10000 : i32
    %mul3A_2 = arith.muli %add3A, %mul3A_1 : i32
    "tpu.region"() ({
      %run_scoped3A = tpu.sem_alloc : memref<!tpu.dma_semaphore, #tpu.memory_space<semaphore_mem>>
      tpu.enqueue_dma source(%arg3 : memref<80x128xf32, #tpu.memory_space<hbm>>) target(%arg10 : memref<80x128xf32, #tpu.memory_space<vmem>>) target_semaphore(%run_scoped3A : memref<!tpu.dma_semaphore, #tpu.memory_space<semaphore_mem>>)
      tpu.wait_dma2 semaphore(%run_scoped3A : memref<!tpu.dma_semaphore, #tpu.memory_space<semaphore_mem>>) src(%arg3 : memref<80x128xf32, #tpu.memory_space<hbm>>) dst(%arg10 : memref<80x128xf32, #tpu.memory_space<vmem>>)
      tpu.yield
    }) : () -> ()
    %mul3A_3 = arith.constant 624 : i32
    %mul3A_4 = arith.muli %arg1, %mul3A_3 : i32
    "tpu.region"() ({
      %run_scoped3A = tpu.sem_alloc : memref<!tpu.dma_semaphore, #tpu.memory_space<semaphore_mem>>
      %dma_start3A_44 = arith.constant 0 : i32
      %dma_start3A_45 = tpu.memref_slice %arg11[%mul3A_4, %dma_start3A_44] : memref<10000x128xf32, #tpu.memory_space<vmem_shared>> -> memref<624x128xf32, #tpu.memory_space<vmem_shared>>
      %dma_start3A_46 = arith.constant 0 : i32
      %dma_start3A_47 = tpu.memref_slice %arg4[%mul3A_4, %dma_start3A_46] : memref<10000x128xf32, #tpu.memory_space<hbm>> -> memref<624x128xf32, #tpu.memory_space<hbm>>
      tpu.enqueue_dma source(%dma_start3A_47 : memref<624x128xf32, #tpu.memory_space<hbm>>) target(%dma_start3A_45 : memref<624x128xf32, #tpu.memory_space<vmem_shared>>) target_semaphore(%run_scoped3A : memref<!tpu.dma_semaphore, #tpu.memory_space<semaphore_mem>>)
      %dma_wait3A_48 = arith.constant 0 : i32
      %dma_wait3A_49 = tpu.memref_slice %arg11[%mul3A_4, %dma_wait3A_48] : memref<10000x128xf32, #tpu.memory_space<vmem_shared>> -> memref<624x128xf32, #tpu.memory_space<vmem_shared>>
      %dma_wait3A_50 = arith.constant 0 : i32
      %dma_wait3A_51 = tpu.memref_slice %arg4[%mul3A_4, %dma_wait3A_50] : memref<10000x128xf32, #tpu.memory_space<hbm>> -> memref<624x128xf32, #tpu.memory_space<hbm>>
      tpu.wait_dma2 semaphore(%run_scoped3A : memref<!tpu.dma_semaphore, #tpu.memory_space<semaphore_mem>>) src(%dma_wait3A_51 : memref<624x128xf32, #tpu.memory_space<hbm>>) dst(%dma_wait3A_49 : memref<624x128xf32, #tpu.memory_space<vmem_shared>>)
      tpu.yield
    }) : () -> ()
    %eq3A = arith.constant 0 : i32
    %eq3A_5 = arith.cmpi eq, %arg1, %eq3A : i32
    %convert_element_type3A = arith.extui %eq3A_5 : i1 to i32
    %cond3A = arith.constant 0 : i32
    %cond3A_6 = arith.cmpi ne, %convert_element_type3A, %cond3A : i32
    scf.if %cond3A_6 {
      "tpu.region"() ({
        %run_scoped3A = tpu.sem_alloc : memref<!tpu.dma_semaphore, #tpu.memory_space<semaphore_mem>>
        %dma_start3A_44 = arith.constant 9984 : i32
        %dma_start3A_45 = arith.constant 0 : i32
        %dma_start3A_46 = tpu.memref_slice %arg11[%dma_start3A_44, %dma_start3A_45] : memref<10000x128xf32, #tpu.memory_space<vmem_shared>> -> memref<16x128xf32, #tpu.memory_space<vmem_shared>>
        %dma_start3A_47 = arith.constant 9984 : i32
        %dma_start3A_48 = arith.constant 0 : i32
        %dma_start3A_49 = tpu.memref_slice %arg4[%dma_start3A_47, %dma_start3A_48] : memref<10000x128xf32, #tpu.memory_space<hbm>> -> memref<16x128xf32, #tpu.memory_space<hbm>>
        tpu.enqueue_dma source(%dma_start3A_49 : memref<16x128xf32, #tpu.memory_space<hbm>>) target(%dma_start3A_46 : memref<16x128xf32, #tpu.memory_space<vmem_shared>>) target_semaphore(%run_scoped3A : memref<!tpu.dma_semaphore, #tpu.memory_space<semaphore_mem>>)
        %dma_wait3A_50 = arith.constant 9984 : i32
        %dma_wait3A_51 = arith.constant 0 : i32
        %dma_wait3A_52 = tpu.memref_slice %arg11[%dma_wait3A_50, %dma_wait3A_51] : memref<10000x128xf32, #tpu.memory_space<vmem_shared>> -> memref<16x128xf32, #tpu.memory_space<vmem_shared>>
        %dma_wait3A_53 = arith.constant 9984 : i32
        %dma_wait3A_54 = arith.constant 0 : i32
        %dma_wait3A_55 = tpu.memref_slice %arg4[%dma_wait3A_53, %dma_wait3A_54] : memref<10000x128xf32, #tpu.memory_space<hbm>> -> memref<16x128xf32, #tpu.memory_space<hbm>>
        tpu.wait_dma2 semaphore(%run_scoped3A : memref<!tpu.dma_semaphore, #tpu.memory_space<semaphore_mem>>) src(%dma_wait3A_55 : memref<16x128xf32, #tpu.memory_space<hbm>>) dst(%dma_wait3A_52 : memref<16x128xf32, #tpu.memory_space<vmem_shared>>)
        tpu.yield
      }) : () -> ()
    } else {
    }
    %barrier3A = arith.constant 0 : index
    tpu.barrier barrier_id(%barrier3A)
    %add3A_7 = arith.constant 0 : i32
    %add3A_8 = arith.addi %mul3A_2, %add3A_7 : i32
    "tpu.region"() ({
      %run_scoped3A = tpu.sem_alloc : memref<!tpu.dma_semaphore, #tpu.memory_space<semaphore_mem>>
      %dma_start3A_44 = tpu.memref_slice %arg2[%add3A_8] : memref<320000xi32, #tpu.memory_space<hbm>> -> memref<80xi32, #tpu.memory_space<hbm>>
      %dma_start3A_45 = tpu.memref_slice %arg2[%add3A_8] : memref<320000xi32, #tpu.memory_space<hbm>> -> memref<80xi32, #tpu.memory_space<hbm>>
      tpu.enqueue_dma source(%dma_start3A_45 : memref<80xi32, #tpu.memory_space<hbm>>) target(%arg6 : memref<80xi32, #tpu.memory_space<vmem>>) target_semaphore(%run_scoped3A : memref<!tpu.dma_semaphore, #tpu.memory_space<semaphore_mem>>)
      %dma_wait3A_46 = tpu.memref_slice %arg2[%add3A_8] : memref<320000xi32, #tpu.memory_space<hbm>> -> memref<80xi32, #tpu.memory_space<hbm>>
      %dma_wait3A_47 = tpu.memref_slice %arg2[%add3A_8] : memref<320000xi32, #tpu.memory_space<hbm>> -> memref<80xi32, #tpu.memory_space<hbm>>
      tpu.wait_dma2 semaphore(%run_scoped3A : memref<!tpu.dma_semaphore, #tpu.memory_space<semaphore_mem>>) src(%dma_wait3A_47 : memref<80xi32, #tpu.memory_space<hbm>>) dst(%arg6 : memref<80xi32, #tpu.memory_space<vmem>>)
      tpu.yield
    }) : () -> ()
    %add3A_9 = arith.constant 80 : i32
    %add3A_10 = arith.addi %mul3A_2, %add3A_9 : i32
    "tpu.region"() ({
      %run_scoped3A = tpu.sem_alloc : memref<!tpu.dma_semaphore, #tpu.memory_space<semaphore_mem>>
      %dma_start3A_44 = tpu.memref_slice %arg2[%add3A_10] : memref<320000xi32, #tpu.memory_space<hbm>> -> memref<80xi32, #tpu.memory_space<hbm>>
      %dma_start3A_45 = tpu.memref_slice %arg2[%add3A_10] : memref<320000xi32, #tpu.memory_space<hbm>> -> memref<80xi32, #tpu.memory_space<hbm>>
      tpu.enqueue_dma source(%dma_start3A_45 : memref<80xi32, #tpu.memory_space<hbm>>) target(%arg7 : memref<80xi32, #tpu.memory_space<vmem>>) target_semaphore(%run_scoped3A : memref<!tpu.dma_semaphore, #tpu.memory_space<semaphore_mem>>)
      %dma_wait3A_46 = tpu.memref_slice %arg2[%add3A_10] : memref<320000xi32, #tpu.memory_space<hbm>> -> memref<80xi32, #tpu.memory_space<hbm>>
      %dma_wait3A_47 = tpu.memref_slice %arg2[%add3A_10] : memref<320000xi32, #tpu.memory_space<hbm>> -> memref<80xi32, #tpu.memory_space<hbm>>
      tpu.wait_dma2 semaphore(%run_scoped3A : memref<!tpu.dma_semaphore, #tpu.memory_space<semaphore_mem>>) src(%dma_wait3A_47 : memref<80xi32, #tpu.memory_space<hbm>>) dst(%arg7 : memref<80xi32, #tpu.memory_space<vmem>>)
      tpu.yield
    }) : () -> ()
    %add3A_11 = arith.constant 160 : i32
    %add3A_12 = arith.addi %mul3A_2, %add3A_11 : i32
    "tpu.region"() ({
      %run_scoped3A = tpu.sem_alloc : memref<!tpu.dma_semaphore, #tpu.memory_space<semaphore_mem>>
      %dma_start3A_44 = tpu.memref_slice %arg2[%add3A_12] : memref<320000xi32, #tpu.memory_space<hbm>> -> memref<80xi32, #tpu.memory_space<hbm>>
      %dma_start3A_45 = tpu.memref_slice %arg2[%add3A_12] : memref<320000xi32, #tpu.memory_space<hbm>> -> memref<80xi32, #tpu.memory_space<hbm>>
      tpu.enqueue_dma source(%dma_start3A_45 : memref<80xi32, #tpu.memory_space<hbm>>) target(%arg8 : memref<80xi32, #tpu.memory_space<vmem>>) target_semaphore(%run_scoped3A : memref<!tpu.dma_semaphore, #tpu.memory_space<semaphore_mem>>)
      %dma_wait3A_46 = tpu.memref_slice %arg2[%add3A_12] : memref<320000xi32, #tpu.memory_space<hbm>> -> memref<80xi32, #tpu.memory_space<hbm>>
      %dma_wait3A_47 = tpu.memref_slice %arg2[%add3A_12] : memref<320000xi32, #tpu.memory_space<hbm>> -> memref<80xi32, #tpu.memory_space<hbm>>
      tpu.wait_dma2 semaphore(%run_scoped3A : memref<!tpu.dma_semaphore, #tpu.memory_space<semaphore_mem>>) src(%dma_wait3A_47 : memref<80xi32, #tpu.memory_space<hbm>>) dst(%arg8 : memref<80xi32, #tpu.memory_space<vmem>>)
      tpu.yield
    }) : () -> ()
    %add3A_13 = arith.constant 240 : i32
    %add3A_14 = arith.addi %mul3A_2, %add3A_13 : i32
    "tpu.region"() ({
      %run_scoped3A = tpu.sem_alloc : memref<!tpu.dma_semaphore, #tpu.memory_space<semaphore_mem>>
      %dma_start3A_44 = tpu.memref_slice %arg2[%add3A_14] : memref<320000xi32, #tpu.memory_space<hbm>> -> memref<80xi32, #tpu.memory_space<hbm>>
      %dma_start3A_45 = tpu.memref_slice %arg2[%add3A_14] : memref<320000xi32, #tpu.memory_space<hbm>> -> memref<80xi32, #tpu.memory_space<hbm>>
      tpu.enqueue_dma source(%dma_start3A_45 : memref<80xi32, #tpu.memory_space<hbm>>) target(%arg9 : memref<80xi32, #tpu.memory_space<vmem>>) target_semaphore(%run_scoped3A : memref<!tpu.dma_semaphore, #tpu.memory_space<semaphore_mem>>)
      %dma_wait3A_46 = tpu.memref_slice %arg2[%add3A_14] : memref<320000xi32, #tpu.memory_space<hbm>> -> memref<80xi32, #tpu.memory_space<hbm>>
      %dma_wait3A_47 = tpu.memref_slice %arg2[%add3A_14] : memref<320000xi32, #tpu.memory_space<hbm>> -> memref<80xi32, #tpu.memory_space<hbm>>
      tpu.wait_dma2 semaphore(%run_scoped3A : memref<!tpu.dma_semaphore, #tpu.memory_space<semaphore_mem>>) src(%dma_wait3A_47 : memref<80xi32, #tpu.memory_space<hbm>>) dst(%arg9 : memref<80xi32, #tpu.memory_space<vmem>>)
      tpu.yield
    }) : () -> ()
    %scan3A = arith.constant 0 : i32
    %scan3A_15 = arith.constant 0 : i32
    %scan3A_16 = arith.constant 31 : i32
    %scan3A_17 = arith.addi %scan3A_15, %scan3A_16 : i32
    %scan3A_18 = arith.constant 1 : i32
    scf.for %scan3A_44 = %scan3A_15 to %scan3A_17 step %scan3A_18  : i32 {
      %dma_start3A_45 = arith.constant 0 : i32
      %dma_start3A_46 = arith.constant 0 : i32
      %dma_start3A_47 = tpu.memref_slice %arg11[%dma_start3A_45, %dma_start3A_46] : memref<10000x128xf32, #tpu.memory_space<vmem_shared>> -> memref<10000x128xf32, #tpu.memory_space<vmem_shared>>
      tpu.enqueue_indirect_dma source(%arg10 : memref<80x128xf32, #tpu.memory_space<vmem>>) target(%dma_start3A_47 : memref<10000x128xf32, #tpu.memory_space<vmem_shared>>) offsets(%arg6 : memref<80xi32, #tpu.memory_space<vmem>>) semaphore(%arg12 : memref<!tpu.dma_semaphore, #tpu.memory_space<semaphore_mem>>) {add = true}
      %dma_start3A_48 = arith.constant 0 : i32
      %dma_start3A_49 = arith.constant 0 : i32
      %dma_start3A_50 = tpu.memref_slice %arg11[%dma_start3A_48, %dma_start3A_49] : memref<10000x128xf32, #tpu.memory_space<vmem_shared>> -> memref<10000x128xf32, #tpu.memory_space<vmem_shared>>
      tpu.enqueue_indirect_dma source(%arg10 : memref<80x128xf32, #tpu.memory_space<vmem>>) target(%dma_start3A_50 : memref<10000x128xf32, #tpu.memory_space<vmem_shared>>) offsets(%arg7 : memref<80xi32, #tpu.memory_space<vmem>>) semaphore(%arg13 : memref<!tpu.dma_semaphore, #tpu.memory_space<semaphore_mem>>) {add = true}
      %dma_start3A_51 = arith.constant 0 : i32
      %dma_start3A_52 = arith.constant 0 : i32
      %dma_start3A_53 = tpu.memref_slice %arg11[%dma_start3A_51, %dma_start3A_52] : memref<10000x128xf32, #tpu.memory_space<vmem_shared>> -> memref<10000x128xf32, #tpu.memory_space<vmem_shared>>
      tpu.enqueue_indirect_dma source(%arg10 : memref<80x128xf32, #tpu.memory_space<vmem>>) target(%dma_start3A_53 : memref<10000x128xf32, #tpu.memory_space<vmem_shared>>) offsets(%arg8 : memref<80xi32, #tpu.memory_space<vmem>>) semaphore(%arg14 : memref<!tpu.dma_semaphore, #tpu.memory_space<semaphore_mem>>) {add = true}
      %dma_start3A_54 = arith.constant 0 : i32
      %dma_start3A_55 = arith.constant 0 : i32
      %dma_start3A_56 = tpu.memref_slice %arg11[%dma_start3A_54, %dma_start3A_55] : memref<10000x128xf32, #tpu.memory_space<vmem_shared>> -> memref<10000x128xf32, #tpu.memory_space<vmem_shared>>
      tpu.enqueue_indirect_dma source(%arg10 : memref<80x128xf32, #tpu.memory_space<vmem>>) target(%dma_start3A_56 : memref<10000x128xf32, #tpu.memory_space<vmem_shared>>) offsets(%arg9 : memref<80xi32, #tpu.memory_space<vmem>>) semaphore(%arg15 : memref<!tpu.dma_semaphore, #tpu.memory_space<semaphore_mem>>) {add = true}
      %add3A_57 = arith.constant 1 : i32
      %add3A_58 = arith.addi %scan3A_44, %add3A_57 : i32
      %mul3A_59 = arith.constant 4 : i32
      %mul3A_60 = arith.muli %add3A_58, %mul3A_59 : i32
      %add3A_61 = arith.constant 0 : i32
      %add3A_62 = arith.addi %mul3A_60, %add3A_61 : i32
      %lt3A = arith.constant 125 : i32
      %lt3A_63 = arith.cmpi slt, %add3A_62, %lt3A : i32
      %convert_element_type3A_64 = arith.extui %lt3A_63 : i1 to i32
      %cond3A_65 = arith.constant 0 : i32
      %cond3A_66 = arith.cmpi ne, %convert_element_type3A_64, %cond3A_65 : i32
      scf.if %cond3A_66 {
        %dma_wait3A_100 = arith.constant 0 : i32
        %dma_wait3A_101 = arith.constant 0 : i32
        %dma_wait3A_102 = tpu.memref_slice %arg11[%dma_wait3A_100, %dma_wait3A_101] : memref<10000x128xf32, #tpu.memory_space<vmem_shared>> -> memref<10000x128xf32, #tpu.memory_space<vmem_shared>>
        tpu.wait_indirect_dma semaphore(%arg12 : memref<!tpu.dma_semaphore, #tpu.memory_space<semaphore_mem>>) src(%arg10 : memref<80x128xf32, #tpu.memory_space<vmem>>) dst(%dma_wait3A_102 : memref<10000x128xf32, #tpu.memory_space<vmem_shared>>)
        %mul3A_103 = arith.constant 80 : i32
        %mul3A_104 = arith.muli %add3A_62, %mul3A_103 : i32
        %add3A_105 = arith.addi %mul3A_2, %mul3A_104 : i32
        "tpu.region"() ({
          %run_scoped3A = tpu.sem_alloc : memref<!tpu.dma_semaphore, #tpu.memory_space<semaphore_mem>>
          %dma_start3A_106 = tpu.memref_slice %arg2[%add3A_105] : memref<320000xi32, #tpu.memory_space<hbm>> -> memref<80xi32, #tpu.memory_space<hbm>>
          %dma_start3A_107 = tpu.memref_slice %arg2[%add3A_105] : memref<320000xi32, #tpu.memory_space<hbm>> -> memref<80xi32, #tpu.memory_space<hbm>>
          tpu.enqueue_dma source(%dma_start3A_107 : memref<80xi32, #tpu.memory_space<hbm>>) target(%arg6 : memref<80xi32, #tpu.memory_space<vmem>>) target_semaphore(%run_scoped3A : memref<!tpu.dma_semaphore, #tpu.memory_space<semaphore_mem>>)
          %dma_wait3A_108 = tpu.memref_slice %arg2[%add3A_105] : memref<320000xi32, #tpu.memory_space<hbm>> -> memref<80xi32, #tpu.memory_space<hbm>>
          %dma_wait3A_109 = tpu.memref_slice %arg2[%add3A_105] : memref<320000xi32, #tpu.memory_space<hbm>> -> memref<80xi32, #tpu.memory_space<hbm>>
          tpu.wait_dma2 semaphore(%run_scoped3A : memref<!tpu.dma_semaphore, #tpu.memory_space<semaphore_mem>>) src(%dma_wait3A_109 : memref<80xi32, #tpu.memory_space<hbm>>) dst(%arg6 : memref<80xi32, #tpu.memory_space<vmem>>)
          tpu.yield
        }) : () -> ()
      } else {
      }
      %add3A_67 = arith.constant 1 : i32
      %add3A_68 = arith.addi %scan3A_44, %add3A_67 : i32
      %mul3A_69 = arith.constant 4 : i32
      %mul3A_70 = arith.muli %add3A_68, %mul3A_69 : i32
      %add3A_71 = arith.constant 1 : i32
      %add3A_72 = arith.addi %mul3A_70, %add3A_71 : i32
      %lt3A_73 = arith.constant 125 : i32
      %lt3A_74 = arith.cmpi slt, %add3A_72, %lt3A_73 : i32
      %convert_element_type3A_75 = arith.extui %lt3A_74 : i1 to i32
      %cond3A_76 = arith.constant 0 : i32
      %cond3A_77 = arith.cmpi ne, %convert_element_type3A_75, %cond3A_76 : i32
      scf.if %cond3A_77 {
        %dma_wait3A_100 = arith.constant 0 : i32
        %dma_wait3A_101 = arith.constant 0 : i32
        %dma_wait3A_102 = tpu.memref_slice %arg11[%dma_wait3A_100, %dma_wait3A_101] : memref<10000x128xf32, #tpu.memory_space<vmem_shared>> -> memref<10000x128xf32, #tpu.memory_space<vmem_shared>>
        tpu.wait_indirect_dma semaphore(%arg13 : memref<!tpu.dma_semaphore, #tpu.memory_space<semaphore_mem>>) src(%arg10 : memref<80x128xf32, #tpu.memory_space<vmem>>) dst(%dma_wait3A_102 : memref<10000x128xf32, #tpu.memory_space<vmem_shared>>)
        %mul3A_103 = arith.constant 80 : i32
        %mul3A_104 = arith.muli %add3A_72, %mul3A_103 : i32
        %add3A_105 = arith.addi %mul3A_2, %mul3A_104 : i32
        "tpu.region"() ({
          %run_scoped3A = tpu.sem_alloc : memref<!tpu.dma_semaphore, #tpu.memory_space<semaphore_mem>>
          %dma_start3A_106 = tpu.memref_slice %arg2[%add3A_105] : memref<320000xi32, #tpu.memory_space<hbm>> -> memref<80xi32, #tpu.memory_space<hbm>>
          %dma_start3A_107 = tpu.memref_slice %arg2[%add3A_105] : memref<320000xi32, #tpu.memory_space<hbm>> -> memref<80xi32, #tpu.memory_space<hbm>>
          tpu.enqueue_dma source(%dma_start3A_107 : memref<80xi32, #tpu.memory_space<hbm>>) target(%arg7 : memref<80xi32, #tpu.memory_space<vmem>>) target_semaphore(%run_scoped3A : memref<!tpu.dma_semaphore, #tpu.memory_space<semaphore_mem>>)
          %dma_wait3A_108 = tpu.memref_slice %arg2[%add3A_105] : memref<320000xi32, #tpu.memory_space<hbm>> -> memref<80xi32, #tpu.memory_space<hbm>>
          %dma_wait3A_109 = tpu.memref_slice %arg2[%add3A_105] : memref<320000xi32, #tpu.memory_space<hbm>> -> memref<80xi32, #tpu.memory_space<hbm>>
          tpu.wait_dma2 semaphore(%run_scoped3A : memref<!tpu.dma_semaphore, #tpu.memory_space<semaphore_mem>>) src(%dma_wait3A_109 : memref<80xi32, #tpu.memory_space<hbm>>) dst(%arg7 : memref<80xi32, #tpu.memory_space<vmem>>)
          tpu.yield
        }) : () -> ()
      } else {
      }
      %add3A_78 = arith.constant 1 : i32
      %add3A_79 = arith.addi %scan3A_44, %add3A_78 : i32
      %mul3A_80 = arith.constant 4 : i32
      %mul3A_81 = arith.muli %add3A_79, %mul3A_80 : i32
      %add3A_82 = arith.constant 2 : i32
      %add3A_83 = arith.addi %mul3A_81, %add3A_82 : i32
      %lt3A_84 = arith.constant 125 : i32
      %lt3A_85 = arith.cmpi slt, %add3A_83, %lt3A_84 : i32
      %convert_element_type3A_86 = arith.extui %lt3A_85 : i1 to i32
      %cond3A_87 = arith.constant 0 : i32
      %cond3A_88 = arith.cmpi ne, %convert_element_type3A_86, %cond3A_87 : i32
      scf.if %cond3A_88 {
        %dma_wait3A_100 = arith.constant 0 : i32
        %dma_wait3A_101 = arith.constant 0 : i32
        %dma_wait3A_102 = tpu.memref_slice %arg11[%dma_wait3A_100, %dma_wait3A_101] : memref<10000x128xf32, #tpu.memory_space<vmem_shared>> -> memref<10000x128xf32, #tpu.memory_space<vmem_shared>>
        tpu.wait_indirect_dma semaphore(%arg14 : memref<!tpu.dma_semaphore, #tpu.memory_space<semaphore_mem>>) src(%arg10 : memref<80x128xf32, #tpu.memory_space<vmem>>) dst(%dma_wait3A_102 : memref<10000x128xf32, #tpu.memory_space<vmem_shared>>)
        %mul3A_103 = arith.constant 80 : i32
        %mul3A_104 = arith.muli %add3A_83, %mul3A_103 : i32
        %add3A_105 = arith.addi %mul3A_2, %mul3A_104 : i32
        "tpu.region"() ({
          %run_scoped3A = tpu.sem_alloc : memref<!tpu.dma_semaphore, #tpu.memory_space<semaphore_mem>>
          %dma_start3A_106 = tpu.memref_slice %arg2[%add3A_105] : memref<320000xi32, #tpu.memory_space<hbm>> -> memref<80xi32, #tpu.memory_space<hbm>>
          %dma_start3A_107 = tpu.memref_slice %arg2[%add3A_105] : memref<320000xi32, #tpu.memory_space<hbm>> -> memref<80xi32, #tpu.memory_space<hbm>>
          tpu.enqueue_dma source(%dma_start3A_107 : memref<80xi32, #tpu.memory_space<hbm>>) target(%arg8 : memref<80xi32, #tpu.memory_space<vmem>>) target_semaphore(%run_scoped3A : memref<!tpu.dma_semaphore, #tpu.memory_space<semaphore_mem>>)
          %dma_wait3A_108 = tpu.memref_slice %arg2[%add3A_105] : memref<320000xi32, #tpu.memory_space<hbm>> -> memref<80xi32, #tpu.memory_space<hbm>>
          %dma_wait3A_109 = tpu.memref_slice %arg2[%add3A_105] : memref<320000xi32, #tpu.memory_space<hbm>> -> memref<80xi32, #tpu.memory_space<hbm>>
          tpu.wait_dma2 semaphore(%run_scoped3A : memref<!tpu.dma_semaphore, #tpu.memory_space<semaphore_mem>>) src(%dma_wait3A_109 : memref<80xi32, #tpu.memory_space<hbm>>) dst(%arg8 : memref<80xi32, #tpu.memory_space<vmem>>)
          tpu.yield
        }) : () -> ()
      } else {
      }
      %add3A_89 = arith.constant 1 : i32
      %add3A_90 = arith.addi %scan3A_44, %add3A_89 : i32
      %mul3A_91 = arith.constant 4 : i32
      %mul3A_92 = arith.muli %add3A_90, %mul3A_91 : i32
      %add3A_93 = arith.constant 3 : i32
      %add3A_94 = arith.addi %mul3A_92, %add3A_93 : i32
      %lt3A_95 = arith.constant 125 : i32
      %lt3A_96 = arith.cmpi slt, %add3A_94, %lt3A_95 : i32
      %convert_element_type3A_97 = arith.extui %lt3A_96 : i1 to i32
      %cond3A_98 = arith.constant 0 : i32
      %cond3A_99 = arith.cmpi ne, %convert_element_type3A_97, %cond3A_98 : i32
      scf.if %cond3A_99 {
        %dma_wait3A_100 = arith.constant 0 : i32
        %dma_wait3A_101 = arith.constant 0 : i32
        %dma_wait3A_102 = tpu.memref_slice %arg11[%dma_wait3A_100, %dma_wait3A_101] : memref<10000x128xf32, #tpu.memory_space<vmem_shared>> -> memref<10000x128xf32, #tpu.memory_space<vmem_shared>>
        tpu.wait_indirect_dma semaphore(%arg15 : memref<!tpu.dma_semaphore, #tpu.memory_space<semaphore_mem>>) src(%arg10 : memref<80x128xf32, #tpu.memory_space<vmem>>) dst(%dma_wait3A_102 : memref<10000x128xf32, #tpu.memory_space<vmem_shared>>)
        %mul3A_103 = arith.constant 80 : i32
        %mul3A_104 = arith.muli %add3A_94, %mul3A_103 : i32
        %add3A_105 = arith.addi %mul3A_2, %mul3A_104 : i32
        "tpu.region"() ({
          %run_scoped3A = tpu.sem_alloc : memref<!tpu.dma_semaphore, #tpu.memory_space<semaphore_mem>>
          %dma_start3A_106 = tpu.memref_slice %arg2[%add3A_105] : memref<320000xi32, #tpu.memory_space<hbm>> -> memref<80xi32, #tpu.memory_space<hbm>>
          %dma_start3A_107 = tpu.memref_slice %arg2[%add3A_105] : memref<320000xi32, #tpu.memory_space<hbm>> -> memref<80xi32, #tpu.memory_space<hbm>>
          tpu.enqueue_dma source(%dma_start3A_107 : memref<80xi32, #tpu.memory_space<hbm>>) target(%arg9 : memref<80xi32, #tpu.memory_space<vmem>>) target_semaphore(%run_scoped3A : memref<!tpu.dma_semaphore, #tpu.memory_space<semaphore_mem>>)
          %dma_wait3A_108 = tpu.memref_slice %arg2[%add3A_105] : memref<320000xi32, #tpu.memory_space<hbm>> -> memref<80xi32, #tpu.memory_space<hbm>>
          %dma_wait3A_109 = tpu.memref_slice %arg2[%add3A_105] : memref<320000xi32, #tpu.memory_space<hbm>> -> memref<80xi32, #tpu.memory_space<hbm>>
          tpu.wait_dma2 semaphore(%run_scoped3A : memref<!tpu.dma_semaphore, #tpu.memory_space<semaphore_mem>>) src(%dma_wait3A_109 : memref<80xi32, #tpu.memory_space<hbm>>) dst(%arg9 : memref<80xi32, #tpu.memory_space<vmem>>)
          tpu.yield
        }) : () -> ()
      } else {
      }
    }
    %scan3A_19 = arith.constant 31 : i32
    %dma_start3A = arith.constant 0 : i32
    %dma_start3A_20 = arith.constant 0 : i32
    %dma_start3A_21 = tpu.memref_slice %arg11[%dma_start3A, %dma_start3A_20] : memref<10000x128xf32, #tpu.memory_space<vmem_shared>> -> memref<10000x128xf32, #tpu.memory_space<vmem_shared>>
    tpu.enqueue_indirect_dma source(%arg10 : memref<80x128xf32, #tpu.memory_space<vmem>>) target(%dma_start3A_21 : memref<10000x128xf32, #tpu.memory_space<vmem_shared>>) offsets(%arg6 : memref<80xi32, #tpu.memory_space<vmem>>) semaphore(%arg12 : memref<!tpu.dma_semaphore, #tpu.memory_space<semaphore_mem>>) {add = true}
    %dma_wait3A = arith.constant 0 : i32
    %dma_wait3A_22 = arith.constant 0 : i32
    %dma_wait3A_23 = tpu.memref_slice %arg11[%dma_wait3A, %dma_wait3A_22] : memref<10000x128xf32, #tpu.memory_space<vmem_shared>> -> memref<10000x128xf32, #tpu.memory_space<vmem_shared>>
    tpu.wait_indirect_dma semaphore(%arg12 : memref<!tpu.dma_semaphore, #tpu.memory_space<semaphore_mem>>) src(%arg10 : memref<80x128xf32, #tpu.memory_space<vmem>>) dst(%dma_wait3A_23 : memref<10000x128xf32, #tpu.memory_space<vmem_shared>>)
    %dma_wait3A_24 = arith.constant 0 : i32
    %dma_wait3A_25 = arith.constant 0 : i32
    %dma_wait3A_26 = tpu.memref_slice %arg11[%dma_wait3A_24, %dma_wait3A_25] : memref<10000x128xf32, #tpu.memory_space<vmem_shared>> -> memref<10000x128xf32, #tpu.memory_space<vmem_shared>>
    tpu.wait_indirect_dma semaphore(%arg13 : memref<!tpu.dma_semaphore, #tpu.memory_space<semaphore_mem>>) src(%arg10 : memref<80x128xf32, #tpu.memory_space<vmem>>) dst(%dma_wait3A_26 : memref<10000x128xf32, #tpu.memory_space<vmem_shared>>)
    %dma_wait3A_27 = arith.constant 0 : i32
    %dma_wait3A_28 = arith.constant 0 : i32
    %dma_wait3A_29 = tpu.memref_slice %arg11[%dma_wait3A_27, %dma_wait3A_28] : memref<10000x128xf32, #tpu.memory_space<vmem_shared>> -> memref<10000x128xf32, #tpu.memory_space<vmem_shared>>
    tpu.wait_indirect_dma semaphore(%arg14 : memref<!tpu.dma_semaphore, #tpu.memory_space<semaphore_mem>>) src(%arg10 : memref<80x128xf32, #tpu.memory_space<vmem>>) dst(%dma_wait3A_29 : memref<10000x128xf32, #tpu.memory_space<vmem_shared>>)
    %dma_wait3A_30 = arith.constant 0 : i32
    %dma_wait3A_31 = arith.constant 0 : i32
    %dma_wait3A_32 = tpu.memref_slice %arg11[%dma_wait3A_30, %dma_wait3A_31] : memref<10000x128xf32, #tpu.memory_space<vmem_shared>> -> memref<10000x128xf32, #tpu.memory_space<vmem_shared>>
    tpu.wait_indirect_dma semaphore(%arg15 : memref<!tpu.dma_semaphore, #tpu.memory_space<semaphore_mem>>) src(%arg10 : memref<80x128xf32, #tpu.memory_space<vmem>>) dst(%dma_wait3A_32 : memref<10000x128xf32, #tpu.memory_space<vmem_shared>>)
    %barrier3A_33 = arith.constant 0 : index
    tpu.barrier barrier_id(%barrier3A_33)
    %mul3A_34 = arith.constant 624 : i32
    %mul3A_35 = arith.muli %arg1, %mul3A_34 : i32
    %mul3A_36 = arith.constant 10000 : i32
    %mul3A_37 = arith.muli %arg0, %mul3A_36 : i32
    %add3A_38 = arith.addi %mul3A_37, %mul3A_35 : i32
    "tpu.region"() ({
      %run_scoped3A = tpu.sem_alloc : memref<!tpu.dma_semaphore, #tpu.memory_space<semaphore_mem>>
      %dma_start3A_44 = arith.constant 0 : i32
      %dma_start3A_45 = tpu.memref_slice %arg5[%add3A_38, %dma_start3A_44] : memref<20000x128xf32, #tpu.memory_space<hbm>> -> memref<624x128xf32, #tpu.memory_space<hbm>>
      %dma_start3A_46 = arith.constant 0 : i32
      %dma_start3A_47 = tpu.memref_slice %arg11[%mul3A_35, %dma_start3A_46] : memref<10000x128xf32, #tpu.memory_space<vmem_shared>> -> memref<624x128xf32, #tpu.memory_space<vmem_shared>>
      tpu.enqueue_dma source(%dma_start3A_47 : memref<624x128xf32, #tpu.memory_space<vmem_shared>>) target(%dma_start3A_45 : memref<624x128xf32, #tpu.memory_space<hbm>>) target_semaphore(%run_scoped3A : memref<!tpu.dma_semaphore, #tpu.memory_space<semaphore_mem>>)
      %dma_wait3A_48 = arith.constant 0 : i32
      %dma_wait3A_49 = tpu.memref_slice %arg5[%add3A_38, %dma_wait3A_48] : memref<20000x128xf32, #tpu.memory_space<hbm>> -> memref<624x128xf32, #tpu.memory_space<hbm>>
      %dma_wait3A_50 = arith.constant 0 : i32
      %dma_wait3A_51 = tpu.memref_slice %arg11[%mul3A_35, %dma_wait3A_50] : memref<10000x128xf32, #tpu.memory_space<vmem_shared>> -> memref<624x128xf32, #tpu.memory_space<vmem_shared>>
      tpu.wait_dma2 semaphore(%run_scoped3A : memref<!tpu.dma_semaphore, #tpu.memory_space<semaphore_mem>>) src(%dma_wait3A_51 : memref<624x128xf32, #tpu.memory_space<vmem_shared>>) dst(%dma_wait3A_49 : memref<624x128xf32, #tpu.memory_space<hbm>>)
      tpu.yield
    }) : () -> ()
    %eq3A_39 = arith.constant 0 : i32
    %eq3A_40 = arith.cmpi eq, %arg1, %eq3A_39 : i32
    %convert_element_type3A_41 = arith.extui %eq3A_40 : i1 to i32
    %cond3A_42 = arith.constant 0 : i32
    %cond3A_43 = arith.cmpi ne, %convert_element_type3A_41, %cond3A_42 : i32
    scf.if %cond3A_43 {
      %mul3A_44 = arith.constant 10000 : i32
      %mul3A_45 = arith.muli %arg0, %mul3A_44 : i32
      %add3A_46 = arith.constant 9984 : i32
      %add3A_47 = arith.addi %mul3A_45, %add3A_46 : i32
      "tpu.region"() ({
        %run_scoped3A = tpu.sem_alloc : memref<!tpu.dma_semaphore, #tpu.memory_space<semaphore_mem>>
        %dma_start3A_48 = arith.constant 0 : i32
        %dma_start3A_49 = tpu.memref_slice %arg5[%add3A_47, %dma_start3A_48] : memref<20000x128xf32, #tpu.memory_space<hbm>> -> memref<16x128xf32, #tpu.memory_space<hbm>>
        %dma_start3A_50 = arith.constant 9984 : i32
        %dma_start3A_51 = arith.constant 0 : i32
        %dma_start3A_52 = tpu.memref_slice %arg11[%dma_start3A_50, %dma_start3A_51] : memref<10000x128xf32, #tpu.memory_space<vmem_shared>> -> memref<16x128xf32, #tpu.memory_space<vmem_shared>>
        tpu.enqueue_dma source(%dma_start3A_52 : memref<16x128xf32, #tpu.memory_space<vmem_shared>>) target(%dma_start3A_49 : memref<16x128xf32, #tpu.memory_space<hbm>>) target_semaphore(%run_scoped3A : memref<!tpu.dma_semaphore, #tpu.memory_space<semaphore_mem>>)
        %dma_wait3A_53 = arith.constant 0 : i32
        %dma_wait3A_54 = tpu.memref_slice %arg5[%add3A_47, %dma_wait3A_53] : memref<20000x128xf32, #tpu.memory_space<hbm>> -> memref<16x128xf32, #tpu.memory_space<hbm>>
        %dma_wait3A_55 = arith.constant 9984 : i32
        %dma_wait3A_56 = arith.constant 0 : i32
        %dma_wait3A_57 = tpu.memref_slice %arg11[%dma_wait3A_55, %dma_wait3A_56] : memref<10000x128xf32, #tpu.memory_space<vmem_shared>> -> memref<16x128xf32, #tpu.memory_space<vmem_shared>>
        tpu.wait_dma2 semaphore(%run_scoped3A : memref<!tpu.dma_semaphore, #tpu.memory_space<semaphore_mem>>) src(%dma_wait3A_57 : memref<16x128xf32, #tpu.memory_space<vmem_shared>>) dst(%dma_wait3A_54 : memref<16x128xf32, #tpu.memory_space<hbm>>)
        tpu.yield
      }) : () -> ()
    } else {
    }
    return
  }
}

#map = affine_map<(d0, d1) -> (0, 0)>
#map1 = affine_map<(d0, d1) -> (0)>
module attributes {stable_mosaic.version = 14 : i64} {
  func.func @_agg_body(%arg0: i32, %arg1: i32, %arg2: memref<10000x128xf32, #tpu.memory_space<hbm>>, %arg3: memref<320000xi32, #tpu.memory_space<hbm>>, %arg4: memref<320000xi32, #tpu.memory_space<hbm>>, %arg5: memref<10000x128xf32, #tpu.memory_space<hbm>>, %arg6: memref<20000x128xf32, #tpu.memory_space<hbm>>, %arg7: memref<80xi32, #tpu.memory_space<vmem>>, %arg8: memref<80xi32, #tpu.memory_space<vmem>>, %arg9: memref<80xi32, #tpu.memory_space<vmem>>, %arg10: memref<80xi32, #tpu.memory_space<vmem>>, %arg11: memref<80xi32, #tpu.memory_space<vmem>>, %arg12: memref<80xi32, #tpu.memory_space<vmem>>, %arg13: memref<80xi32, #tpu.memory_space<vmem>>, %arg14: memref<80xi32, #tpu.memory_space<vmem>>, %arg15: memref<80x128xf32, #tpu.memory_space<vmem>>, %arg16: memref<80x128xf32, #tpu.memory_space<vmem>>, %arg17: memref<80x128xf32, #tpu.memory_space<vmem>>, %arg18: memref<80x128xf32, #tpu.memory_space<vmem>>, %arg19: memref<10000x128xf32, #tpu.memory_space<vmem_shared>>, %arg20: memref<!tpu.dma_semaphore, #tpu.memory_space<semaphore_mem>>, %arg21: memref<!tpu.dma_semaphore, #tpu.memory_space<semaphore_mem>>, %arg22: memref<!tpu.dma_semaphore, #tpu.memory_space<semaphore_mem>>, %arg23: memref<!tpu.dma_semaphore, #tpu.memory_space<semaphore_mem>>, %arg24: memref<!tpu.dma_semaphore, #tpu.memory_space<semaphore_mem>>, %arg25: memref<!tpu.dma_semaphore, #tpu.memory_space<semaphore_mem>>, %arg26: memref<!tpu.dma_semaphore, #tpu.memory_space<semaphore_mem>>, %arg27: memref<!tpu.dma_semaphore, #tpu.memory_space<semaphore_mem>>) attributes {dimension_semantics = [#tpu.dimension_semantics<core_parallel>, #tpu.dimension_semantics<subcore_parallel>], iteration_bounds = array<i64: 2, 16>, scalar_prefetch = 0 : i64, scratch_operands = 21 : i64, tpu.core_type = #tpu.core_type<sc_vector_subcore>, window_params = [{transform_indices = #map}, {transform_indices = #map1}, {transform_indices = #map1}, {transform_indices = #map}, {transform_indices = #map}]} {
    %mul3A = arith.constant 16 : i32
    %mul3A_0 = arith.muli %arg0, %mul3A : i32
    %add3A = arith.addi %mul3A_0, %arg1 : i32
    %mul3A_1 = arith.constant 10000 : i32
    %mul3A_2 = arith.muli %add3A, %mul3A_1 : i32
    %mul3A_3 = arith.constant 624 : i32
    %mul3A_4 = arith.muli %arg1, %mul3A_3 : i32
    "tpu.region"() ({
      %run_scoped3A = tpu.sem_alloc : memref<!tpu.dma_semaphore, #tpu.memory_space<semaphore_mem>>
      %dma_start3A_59 = arith.constant 0 : i32
      %dma_start3A_60 = tpu.memref_slice %arg19[%mul3A_4, %dma_start3A_59] : memref<10000x128xf32, #tpu.memory_space<vmem_shared>> -> memref<624x128xf32, #tpu.memory_space<vmem_shared>>
      %dma_start3A_61 = arith.constant 0 : i32
      %dma_start3A_62 = tpu.memref_slice %arg5[%mul3A_4, %dma_start3A_61] : memref<10000x128xf32, #tpu.memory_space<hbm>> -> memref<624x128xf32, #tpu.memory_space<hbm>>
      tpu.enqueue_dma source(%dma_start3A_62 : memref<624x128xf32, #tpu.memory_space<hbm>>) target(%dma_start3A_60 : memref<624x128xf32, #tpu.memory_space<vmem_shared>>) target_semaphore(%run_scoped3A : memref<!tpu.dma_semaphore, #tpu.memory_space<semaphore_mem>>)
      %dma_wait3A_63 = arith.constant 0 : i32
      %dma_wait3A_64 = tpu.memref_slice %arg19[%mul3A_4, %dma_wait3A_63] : memref<10000x128xf32, #tpu.memory_space<vmem_shared>> -> memref<624x128xf32, #tpu.memory_space<vmem_shared>>
      %dma_wait3A_65 = arith.constant 0 : i32
      %dma_wait3A_66 = tpu.memref_slice %arg5[%mul3A_4, %dma_wait3A_65] : memref<10000x128xf32, #tpu.memory_space<hbm>> -> memref<624x128xf32, #tpu.memory_space<hbm>>
      tpu.wait_dma2 semaphore(%run_scoped3A : memref<!tpu.dma_semaphore, #tpu.memory_space<semaphore_mem>>) src(%dma_wait3A_66 : memref<624x128xf32, #tpu.memory_space<hbm>>) dst(%dma_wait3A_64 : memref<624x128xf32, #tpu.memory_space<vmem_shared>>)
      tpu.yield
    }) : () -> ()
    %eq3A = arith.constant 0 : i32
    %eq3A_5 = arith.cmpi eq, %arg1, %eq3A : i32
    %convert_element_type3A = arith.extui %eq3A_5 : i1 to i32
    %cond3A = arith.constant 0 : i32
    %cond3A_6 = arith.cmpi ne, %convert_element_type3A, %cond3A : i32
    scf.if %cond3A_6 {
      "tpu.region"() ({
        %run_scoped3A = tpu.sem_alloc : memref<!tpu.dma_semaphore, #tpu.memory_space<semaphore_mem>>
        %dma_start3A_59 = arith.constant 9984 : i32
        %dma_start3A_60 = arith.constant 0 : i32
        %dma_start3A_61 = tpu.memref_slice %arg19[%dma_start3A_59, %dma_start3A_60] : memref<10000x128xf32, #tpu.memory_space<vmem_shared>> -> memref<16x128xf32, #tpu.memory_space<vmem_shared>>
        %dma_start3A_62 = arith.constant 9984 : i32
        %dma_start3A_63 = arith.constant 0 : i32
        %dma_start3A_64 = tpu.memref_slice %arg5[%dma_start3A_62, %dma_start3A_63] : memref<10000x128xf32, #tpu.memory_space<hbm>> -> memref<16x128xf32, #tpu.memory_space<hbm>>
        tpu.enqueue_dma source(%dma_start3A_64 : memref<16x128xf32, #tpu.memory_space<hbm>>) target(%dma_start3A_61 : memref<16x128xf32, #tpu.memory_space<vmem_shared>>) target_semaphore(%run_scoped3A : memref<!tpu.dma_semaphore, #tpu.memory_space<semaphore_mem>>)
        %dma_wait3A_65 = arith.constant 9984 : i32
        %dma_wait3A_66 = arith.constant 0 : i32
        %dma_wait3A_67 = tpu.memref_slice %arg19[%dma_wait3A_65, %dma_wait3A_66] : memref<10000x128xf32, #tpu.memory_space<vmem_shared>> -> memref<16x128xf32, #tpu.memory_space<vmem_shared>>
        %dma_wait3A_68 = arith.constant 9984 : i32
        %dma_wait3A_69 = arith.constant 0 : i32
        %dma_wait3A_70 = tpu.memref_slice %arg5[%dma_wait3A_68, %dma_wait3A_69] : memref<10000x128xf32, #tpu.memory_space<hbm>> -> memref<16x128xf32, #tpu.memory_space<hbm>>
        tpu.wait_dma2 semaphore(%run_scoped3A : memref<!tpu.dma_semaphore, #tpu.memory_space<semaphore_mem>>) src(%dma_wait3A_70 : memref<16x128xf32, #tpu.memory_space<hbm>>) dst(%dma_wait3A_67 : memref<16x128xf32, #tpu.memory_space<vmem_shared>>)
        tpu.yield
      }) : () -> ()
    } else {
    }
    %barrier3A = arith.constant 0 : index
    tpu.barrier barrier_id(%barrier3A)
    %add3A_7 = arith.constant 0 : i32
    %add3A_8 = arith.addi %mul3A_2, %add3A_7 : i32
    "tpu.region"() ({
      %run_scoped3A = tpu.sem_alloc : memref<!tpu.dma_semaphore, #tpu.memory_space<semaphore_mem>>
      %dma_start3A_59 = tpu.memref_slice %arg3[%add3A_8] : memref<320000xi32, #tpu.memory_space<hbm>> -> memref<80xi32, #tpu.memory_space<hbm>>
      %dma_start3A_60 = tpu.memref_slice %arg3[%add3A_8] : memref<320000xi32, #tpu.memory_space<hbm>> -> memref<80xi32, #tpu.memory_space<hbm>>
      tpu.enqueue_dma source(%dma_start3A_60 : memref<80xi32, #tpu.memory_space<hbm>>) target(%arg7 : memref<80xi32, #tpu.memory_space<vmem>>) target_semaphore(%run_scoped3A : memref<!tpu.dma_semaphore, #tpu.memory_space<semaphore_mem>>)
      %dma_wait3A_61 = tpu.memref_slice %arg3[%add3A_8] : memref<320000xi32, #tpu.memory_space<hbm>> -> memref<80xi32, #tpu.memory_space<hbm>>
      %dma_wait3A_62 = tpu.memref_slice %arg3[%add3A_8] : memref<320000xi32, #tpu.memory_space<hbm>> -> memref<80xi32, #tpu.memory_space<hbm>>
      tpu.wait_dma2 semaphore(%run_scoped3A : memref<!tpu.dma_semaphore, #tpu.memory_space<semaphore_mem>>) src(%dma_wait3A_62 : memref<80xi32, #tpu.memory_space<hbm>>) dst(%arg7 : memref<80xi32, #tpu.memory_space<vmem>>)
      tpu.yield
    }) : () -> ()
    "tpu.region"() ({
      %run_scoped3A = tpu.sem_alloc : memref<!tpu.dma_semaphore, #tpu.memory_space<semaphore_mem>>
      %dma_start3A_59 = tpu.memref_slice %arg4[%add3A_8] : memref<320000xi32, #tpu.memory_space<hbm>> -> memref<80xi32, #tpu.memory_space<hbm>>
      %dma_start3A_60 = tpu.memref_slice %arg4[%add3A_8] : memref<320000xi32, #tpu.memory_space<hbm>> -> memref<80xi32, #tpu.memory_space<hbm>>
      tpu.enqueue_dma source(%dma_start3A_60 : memref<80xi32, #tpu.memory_space<hbm>>) target(%arg11 : memref<80xi32, #tpu.memory_space<vmem>>) target_semaphore(%run_scoped3A : memref<!tpu.dma_semaphore, #tpu.memory_space<semaphore_mem>>)
      %dma_wait3A_61 = tpu.memref_slice %arg4[%add3A_8] : memref<320000xi32, #tpu.memory_space<hbm>> -> memref<80xi32, #tpu.memory_space<hbm>>
      %dma_wait3A_62 = tpu.memref_slice %arg4[%add3A_8] : memref<320000xi32, #tpu.memory_space<hbm>> -> memref<80xi32, #tpu.memory_space<hbm>>
      tpu.wait_dma2 semaphore(%run_scoped3A : memref<!tpu.dma_semaphore, #tpu.memory_space<semaphore_mem>>) src(%dma_wait3A_62 : memref<80xi32, #tpu.memory_space<hbm>>) dst(%arg11 : memref<80xi32, #tpu.memory_space<vmem>>)
      tpu.yield
    }) : () -> ()
    %dma_start3A = arith.constant 0 : i32
    %dma_start3A_9 = arith.constant 0 : i32
    %dma_start3A_10 = tpu.memref_slice %arg2[%dma_start3A, %dma_start3A_9] : memref<10000x128xf32, #tpu.memory_space<hbm>> -> memref<10000x128xf32, #tpu.memory_space<hbm>>
    tpu.enqueue_indirect_dma source(%dma_start3A_10 : memref<10000x128xf32, #tpu.memory_space<hbm>>) target(%arg15 : memref<80x128xf32, #tpu.memory_space<vmem>>) offsets(%arg7 : memref<80xi32, #tpu.memory_space<vmem>>) semaphore(%arg20 : memref<!tpu.dma_semaphore, #tpu.memory_space<semaphore_mem>>)
    %add3A_11 = arith.constant 80 : i32
    %add3A_12 = arith.addi %mul3A_2, %add3A_11 : i32
    "tpu.region"() ({
      %run_scoped3A = tpu.sem_alloc : memref<!tpu.dma_semaphore, #tpu.memory_space<semaphore_mem>>
      %dma_start3A_59 = tpu.memref_slice %arg3[%add3A_12] : memref<320000xi32, #tpu.memory_space<hbm>> -> memref<80xi32, #tpu.memory_space<hbm>>
      %dma_start3A_60 = tpu.memref_slice %arg3[%add3A_12] : memref<320000xi32, #tpu.memory_space<hbm>> -> memref<80xi32, #tpu.memory_space<hbm>>
      tpu.enqueue_dma source(%dma_start3A_60 : memref<80xi32, #tpu.memory_space<hbm>>) target(%arg8 : memref<80xi32, #tpu.memory_space<vmem>>) target_semaphore(%run_scoped3A : memref<!tpu.dma_semaphore, #tpu.memory_space<semaphore_mem>>)
      %dma_wait3A_61 = tpu.memref_slice %arg3[%add3A_12] : memref<320000xi32, #tpu.memory_space<hbm>> -> memref<80xi32, #tpu.memory_space<hbm>>
      %dma_wait3A_62 = tpu.memref_slice %arg3[%add3A_12] : memref<320000xi32, #tpu.memory_space<hbm>> -> memref<80xi32, #tpu.memory_space<hbm>>
      tpu.wait_dma2 semaphore(%run_scoped3A : memref<!tpu.dma_semaphore, #tpu.memory_space<semaphore_mem>>) src(%dma_wait3A_62 : memref<80xi32, #tpu.memory_space<hbm>>) dst(%arg8 : memref<80xi32, #tpu.memory_space<vmem>>)
      tpu.yield
    }) : () -> ()
    "tpu.region"() ({
      %run_scoped3A = tpu.sem_alloc : memref<!tpu.dma_semaphore, #tpu.memory_space<semaphore_mem>>
      %dma_start3A_59 = tpu.memref_slice %arg4[%add3A_12] : memref<320000xi32, #tpu.memory_space<hbm>> -> memref<80xi32, #tpu.memory_space<hbm>>
      %dma_start3A_60 = tpu.memref_slice %arg4[%add3A_12] : memref<320000xi32, #tpu.memory_space<hbm>> -> memref<80xi32, #tpu.memory_space<hbm>>
      tpu.enqueue_dma source(%dma_start3A_60 : memref<80xi32, #tpu.memory_space<hbm>>) target(%arg12 : memref<80xi32, #tpu.memory_space<vmem>>) target_semaphore(%run_scoped3A : memref<!tpu.dma_semaphore, #tpu.memory_space<semaphore_mem>>)
      %dma_wait3A_61 = tpu.memref_slice %arg4[%add3A_12] : memref<320000xi32, #tpu.memory_space<hbm>> -> memref<80xi32, #tpu.memory_space<hbm>>
      %dma_wait3A_62 = tpu.memref_slice %arg4[%add3A_12] : memref<320000xi32, #tpu.memory_space<hbm>> -> memref<80xi32, #tpu.memory_space<hbm>>
      tpu.wait_dma2 semaphore(%run_scoped3A : memref<!tpu.dma_semaphore, #tpu.memory_space<semaphore_mem>>) src(%dma_wait3A_62 : memref<80xi32, #tpu.memory_space<hbm>>) dst(%arg12 : memref<80xi32, #tpu.memory_space<vmem>>)
      tpu.yield
    }) : () -> ()
    %dma_start3A_13 = arith.constant 0 : i32
    %dma_start3A_14 = arith.constant 0 : i32
    %dma_start3A_15 = tpu.memref_slice %arg2[%dma_start3A_13, %dma_start3A_14] : memref<10000x128xf32, #tpu.memory_space<hbm>> -> memref<10000x128xf32, #tpu.memory_space<hbm>>
    tpu.enqueue_indirect_dma source(%dma_start3A_15 : memref<10000x128xf32, #tpu.memory_space<hbm>>) target(%arg16 : memref<80x128xf32, #tpu.memory_space<vmem>>) offsets(%arg8 : memref<80xi32, #tpu.memory_space<vmem>>) semaphore(%arg21 : memref<!tpu.dma_semaphore, #tpu.memory_space<semaphore_mem>>)
    %add3A_16 = arith.constant 160 : i32
    %add3A_17 = arith.addi %mul3A_2, %add3A_16 : i32
    "tpu.region"() ({
      %run_scoped3A = tpu.sem_alloc : memref<!tpu.dma_semaphore, #tpu.memory_space<semaphore_mem>>
      %dma_start3A_59 = tpu.memref_slice %arg3[%add3A_17] : memref<320000xi32, #tpu.memory_space<hbm>> -> memref<80xi32, #tpu.memory_space<hbm>>
      %dma_start3A_60 = tpu.memref_slice %arg3[%add3A_17] : memref<320000xi32, #tpu.memory_space<hbm>> -> memref<80xi32, #tpu.memory_space<hbm>>
      tpu.enqueue_dma source(%dma_start3A_60 : memref<80xi32, #tpu.memory_space<hbm>>) target(%arg9 : memref<80xi32, #tpu.memory_space<vmem>>) target_semaphore(%run_scoped3A : memref<!tpu.dma_semaphore, #tpu.memory_space<semaphore_mem>>)
      %dma_wait3A_61 = tpu.memref_slice %arg3[%add3A_17] : memref<320000xi32, #tpu.memory_space<hbm>> -> memref<80xi32, #tpu.memory_space<hbm>>
      %dma_wait3A_62 = tpu.memref_slice %arg3[%add3A_17] : memref<320000xi32, #tpu.memory_space<hbm>> -> memref<80xi32, #tpu.memory_space<hbm>>
      tpu.wait_dma2 semaphore(%run_scoped3A : memref<!tpu.dma_semaphore, #tpu.memory_space<semaphore_mem>>) src(%dma_wait3A_62 : memref<80xi32, #tpu.memory_space<hbm>>) dst(%arg9 : memref<80xi32, #tpu.memory_space<vmem>>)
      tpu.yield
    }) : () -> ()
    "tpu.region"() ({
      %run_scoped3A = tpu.sem_alloc : memref<!tpu.dma_semaphore, #tpu.memory_space<semaphore_mem>>
      %dma_start3A_59 = tpu.memref_slice %arg4[%add3A_17] : memref<320000xi32, #tpu.memory_space<hbm>> -> memref<80xi32, #tpu.memory_space<hbm>>
      %dma_start3A_60 = tpu.memref_slice %arg4[%add3A_17] : memref<320000xi32, #tpu.memory_space<hbm>> -> memref<80xi32, #tpu.memory_space<hbm>>
      tpu.enqueue_dma source(%dma_start3A_60 : memref<80xi32, #tpu.memory_space<hbm>>) target(%arg13 : memref<80xi32, #tpu.memory_space<vmem>>) target_semaphore(%run_scoped3A : memref<!tpu.dma_semaphore, #tpu.memory_space<semaphore_mem>>)
      %dma_wait3A_61 = tpu.memref_slice %arg4[%add3A_17] : memref<320000xi32, #tpu.memory_space<hbm>> -> memref<80xi32, #tpu.memory_space<hbm>>
      %dma_wait3A_62 = tpu.memref_slice %arg4[%add3A_17] : memref<320000xi32, #tpu.memory_space<hbm>> -> memref<80xi32, #tpu.memory_space<hbm>>
      tpu.wait_dma2 semaphore(%run_scoped3A : memref<!tpu.dma_semaphore, #tpu.memory_space<semaphore_mem>>) src(%dma_wait3A_62 : memref<80xi32, #tpu.memory_space<hbm>>) dst(%arg13 : memref<80xi32, #tpu.memory_space<vmem>>)
      tpu.yield
    }) : () -> ()
    %dma_start3A_18 = arith.constant 0 : i32
    %dma_start3A_19 = arith.constant 0 : i32
    %dma_start3A_20 = tpu.memref_slice %arg2[%dma_start3A_18, %dma_start3A_19] : memref<10000x128xf32, #tpu.memory_space<hbm>> -> memref<10000x128xf32, #tpu.memory_space<hbm>>
    tpu.enqueue_indirect_dma source(%dma_start3A_20 : memref<10000x128xf32, #tpu.memory_space<hbm>>) target(%arg17 : memref<80x128xf32, #tpu.memory_space<vmem>>) offsets(%arg9 : memref<80xi32, #tpu.memory_space<vmem>>) semaphore(%arg22 : memref<!tpu.dma_semaphore, #tpu.memory_space<semaphore_mem>>)
    %add3A_21 = arith.constant 240 : i32
    %add3A_22 = arith.addi %mul3A_2, %add3A_21 : i32
    "tpu.region"() ({
      %run_scoped3A = tpu.sem_alloc : memref<!tpu.dma_semaphore, #tpu.memory_space<semaphore_mem>>
      %dma_start3A_59 = tpu.memref_slice %arg3[%add3A_22] : memref<320000xi32, #tpu.memory_space<hbm>> -> memref<80xi32, #tpu.memory_space<hbm>>
      %dma_start3A_60 = tpu.memref_slice %arg3[%add3A_22] : memref<320000xi32, #tpu.memory_space<hbm>> -> memref<80xi32, #tpu.memory_space<hbm>>
      tpu.enqueue_dma source(%dma_start3A_60 : memref<80xi32, #tpu.memory_space<hbm>>) target(%arg10 : memref<80xi32, #tpu.memory_space<vmem>>) target_semaphore(%run_scoped3A : memref<!tpu.dma_semaphore, #tpu.memory_space<semaphore_mem>>)
      %dma_wait3A_61 = tpu.memref_slice %arg3[%add3A_22] : memref<320000xi32, #tpu.memory_space<hbm>> -> memref<80xi32, #tpu.memory_space<hbm>>
      %dma_wait3A_62 = tpu.memref_slice %arg3[%add3A_22] : memref<320000xi32, #tpu.memory_space<hbm>> -> memref<80xi32, #tpu.memory_space<hbm>>
      tpu.wait_dma2 semaphore(%run_scoped3A : memref<!tpu.dma_semaphore, #tpu.memory_space<semaphore_mem>>) src(%dma_wait3A_62 : memref<80xi32, #tpu.memory_space<hbm>>) dst(%arg10 : memref<80xi32, #tpu.memory_space<vmem>>)
      tpu.yield
    }) : () -> ()
    "tpu.region"() ({
      %run_scoped3A = tpu.sem_alloc : memref<!tpu.dma_semaphore, #tpu.memory_space<semaphore_mem>>
      %dma_start3A_59 = tpu.memref_slice %arg4[%add3A_22] : memref<320000xi32, #tpu.memory_space<hbm>> -> memref<80xi32, #tpu.memory_space<hbm>>
      %dma_start3A_60 = tpu.memref_slice %arg4[%add3A_22] : memref<320000xi32, #tpu.memory_space<hbm>> -> memref<80xi32, #tpu.memory_space<hbm>>
      tpu.enqueue_dma source(%dma_start3A_60 : memref<80xi32, #tpu.memory_space<hbm>>) target(%arg14 : memref<80xi32, #tpu.memory_space<vmem>>) target_semaphore(%run_scoped3A : memref<!tpu.dma_semaphore, #tpu.memory_space<semaphore_mem>>)
      %dma_wait3A_61 = tpu.memref_slice %arg4[%add3A_22] : memref<320000xi32, #tpu.memory_space<hbm>> -> memref<80xi32, #tpu.memory_space<hbm>>
      %dma_wait3A_62 = tpu.memref_slice %arg4[%add3A_22] : memref<320000xi32, #tpu.memory_space<hbm>> -> memref<80xi32, #tpu.memory_space<hbm>>
      tpu.wait_dma2 semaphore(%run_scoped3A : memref<!tpu.dma_semaphore, #tpu.memory_space<semaphore_mem>>) src(%dma_wait3A_62 : memref<80xi32, #tpu.memory_space<hbm>>) dst(%arg14 : memref<80xi32, #tpu.memory_space<vmem>>)
      tpu.yield
    }) : () -> ()
    %dma_start3A_23 = arith.constant 0 : i32
    %dma_start3A_24 = arith.constant 0 : i32
    %dma_start3A_25 = tpu.memref_slice %arg2[%dma_start3A_23, %dma_start3A_24] : memref<10000x128xf32, #tpu.memory_space<hbm>> -> memref<10000x128xf32, #tpu.memory_space<hbm>>
    tpu.enqueue_indirect_dma source(%dma_start3A_25 : memref<10000x128xf32, #tpu.memory_space<hbm>>) target(%arg18 : memref<80x128xf32, #tpu.memory_space<vmem>>) offsets(%arg10 : memref<80xi32, #tpu.memory_space<vmem>>) semaphore(%arg23 : memref<!tpu.dma_semaphore, #tpu.memory_space<semaphore_mem>>)
    %scan3A = arith.constant 0 : i32
    %scan3A_26 = arith.constant 0 : i32
    %scan3A_27 = arith.constant 31 : i32
    %scan3A_28 = arith.addi %scan3A_26, %scan3A_27 : i32
    %scan3A_29 = arith.constant 1 : i32
    scf.for %scan3A_59 = %scan3A_26 to %scan3A_28 step %scan3A_29  : i32 {
      %dma_wait3A_60 = arith.constant 0 : i32
      %dma_wait3A_61 = arith.constant 0 : i32
      %dma_wait3A_62 = tpu.memref_slice %arg2[%dma_wait3A_60, %dma_wait3A_61] : memref<10000x128xf32, #tpu.memory_space<hbm>> -> memref<10000x128xf32, #tpu.memory_space<hbm>>
      tpu.wait_indirect_dma semaphore(%arg20 : memref<!tpu.dma_semaphore, #tpu.memory_space<semaphore_mem>>) src(%dma_wait3A_62 : memref<10000x128xf32, #tpu.memory_space<hbm>>) dst(%arg15 : memref<80x128xf32, #tpu.memory_space<vmem>>)
      %dma_start3A_63 = arith.constant 0 : i32
      %dma_start3A_64 = arith.constant 0 : i32
      %dma_start3A_65 = tpu.memref_slice %arg19[%dma_start3A_63, %dma_start3A_64] : memref<10000x128xf32, #tpu.memory_space<vmem_shared>> -> memref<10000x128xf32, #tpu.memory_space<vmem_shared>>
      tpu.enqueue_indirect_dma source(%arg15 : memref<80x128xf32, #tpu.memory_space<vmem>>) target(%dma_start3A_65 : memref<10000x128xf32, #tpu.memory_space<vmem_shared>>) offsets(%arg11 : memref<80xi32, #tpu.memory_space<vmem>>) semaphore(%arg24 : memref<!tpu.dma_semaphore, #tpu.memory_space<semaphore_mem>>) {add = true}
      %dma_wait3A_66 = arith.constant 0 : i32
      %dma_wait3A_67 = arith.constant 0 : i32
      %dma_wait3A_68 = tpu.memref_slice %arg2[%dma_wait3A_66, %dma_wait3A_67] : memref<10000x128xf32, #tpu.memory_space<hbm>> -> memref<10000x128xf32, #tpu.memory_space<hbm>>
      tpu.wait_indirect_dma semaphore(%arg21 : memref<!tpu.dma_semaphore, #tpu.memory_space<semaphore_mem>>) src(%dma_wait3A_68 : memref<10000x128xf32, #tpu.memory_space<hbm>>) dst(%arg16 : memref<80x128xf32, #tpu.memory_space<vmem>>)
      %dma_start3A_69 = arith.constant 0 : i32
      %dma_start3A_70 = arith.constant 0 : i32
      %dma_start3A_71 = tpu.memref_slice %arg19[%dma_start3A_69, %dma_start3A_70] : memref<10000x128xf32, #tpu.memory_space<vmem_shared>> -> memref<10000x128xf32, #tpu.memory_space<vmem_shared>>
      tpu.enqueue_indirect_dma source(%arg16 : memref<80x128xf32, #tpu.memory_space<vmem>>) target(%dma_start3A_71 : memref<10000x128xf32, #tpu.memory_space<vmem_shared>>) offsets(%arg12 : memref<80xi32, #tpu.memory_space<vmem>>) semaphore(%arg25 : memref<!tpu.dma_semaphore, #tpu.memory_space<semaphore_mem>>) {add = true}
      %dma_wait3A_72 = arith.constant 0 : i32
      %dma_wait3A_73 = arith.constant 0 : i32
      %dma_wait3A_74 = tpu.memref_slice %arg2[%dma_wait3A_72, %dma_wait3A_73] : memref<10000x128xf32, #tpu.memory_space<hbm>> -> memref<10000x128xf32, #tpu.memory_space<hbm>>
      tpu.wait_indirect_dma semaphore(%arg22 : memref<!tpu.dma_semaphore, #tpu.memory_space<semaphore_mem>>) src(%dma_wait3A_74 : memref<10000x128xf32, #tpu.memory_space<hbm>>) dst(%arg17 : memref<80x128xf32, #tpu.memory_space<vmem>>)
      %dma_start3A_75 = arith.constant 0 : i32
      %dma_start3A_76 = arith.constant 0 : i32
      %dma_start3A_77 = tpu.memref_slice %arg19[%dma_start3A_75, %dma_start3A_76] : memref<10000x128xf32, #tpu.memory_space<vmem_shared>> -> memref<10000x128xf32, #tpu.memory_space<vmem_shared>>
      tpu.enqueue_indirect_dma source(%arg17 : memref<80x128xf32, #tpu.memory_space<vmem>>) target(%dma_start3A_77 : memref<10000x128xf32, #tpu.memory_space<vmem_shared>>) offsets(%arg13 : memref<80xi32, #tpu.memory_space<vmem>>) semaphore(%arg26 : memref<!tpu.dma_semaphore, #tpu.memory_space<semaphore_mem>>) {add = true}
      %dma_wait3A_78 = arith.constant 0 : i32
      %dma_wait3A_79 = arith.constant 0 : i32
      %dma_wait3A_80 = tpu.memref_slice %arg2[%dma_wait3A_78, %dma_wait3A_79] : memref<10000x128xf32, #tpu.memory_space<hbm>> -> memref<10000x128xf32, #tpu.memory_space<hbm>>
      tpu.wait_indirect_dma semaphore(%arg23 : memref<!tpu.dma_semaphore, #tpu.memory_space<semaphore_mem>>) src(%dma_wait3A_80 : memref<10000x128xf32, #tpu.memory_space<hbm>>) dst(%arg18 : memref<80x128xf32, #tpu.memory_space<vmem>>)
      %dma_start3A_81 = arith.constant 0 : i32
      %dma_start3A_82 = arith.constant 0 : i32
      %dma_start3A_83 = tpu.memref_slice %arg19[%dma_start3A_81, %dma_start3A_82] : memref<10000x128xf32, #tpu.memory_space<vmem_shared>> -> memref<10000x128xf32, #tpu.memory_space<vmem_shared>>
      tpu.enqueue_indirect_dma source(%arg18 : memref<80x128xf32, #tpu.memory_space<vmem>>) target(%dma_start3A_83 : memref<10000x128xf32, #tpu.memory_space<vmem_shared>>) offsets(%arg14 : memref<80xi32, #tpu.memory_space<vmem>>) semaphore(%arg27 : memref<!tpu.dma_semaphore, #tpu.memory_space<semaphore_mem>>) {add = true}
      %add3A_84 = arith.constant 1 : i32
      %add3A_85 = arith.addi %scan3A_59, %add3A_84 : i32
      %mul3A_86 = arith.constant 4 : i32
      %mul3A_87 = arith.muli %add3A_85, %mul3A_86 : i32
      %add3A_88 = arith.constant 0 : i32
      %add3A_89 = arith.addi %mul3A_87, %add3A_88 : i32
      %lt3A = arith.constant 125 : i32
      %lt3A_90 = arith.cmpi slt, %add3A_89, %lt3A : i32
      %convert_element_type3A_91 = arith.extui %lt3A_90 : i1 to i32
      %cond3A_92 = arith.constant 0 : i32
      %cond3A_93 = arith.cmpi ne, %convert_element_type3A_91, %cond3A_92 : i32
      scf.if %cond3A_93 {
        %dma_wait3A_127 = arith.constant 0 : i32
        %dma_wait3A_128 = arith.constant 0 : i32
        %dma_wait3A_129 = tpu.memref_slice %arg19[%dma_wait3A_127, %dma_wait3A_128] : memref<10000x128xf32, #tpu.memory_space<vmem_shared>> -> memref<10000x128xf32, #tpu.memory_space<vmem_shared>>
        tpu.wait_indirect_dma semaphore(%arg24 : memref<!tpu.dma_semaphore, #tpu.memory_space<semaphore_mem>>) src(%arg15 : memref<80x128xf32, #tpu.memory_space<vmem>>) dst(%dma_wait3A_129 : memref<10000x128xf32, #tpu.memory_space<vmem_shared>>)
        %mul3A_130 = arith.constant 80 : i32
        %mul3A_131 = arith.muli %add3A_89, %mul3A_130 : i32
        %add3A_132 = arith.addi %mul3A_2, %mul3A_131 : i32
        "tpu.region"() ({
          %run_scoped3A = tpu.sem_alloc : memref<!tpu.dma_semaphore, #tpu.memory_space<semaphore_mem>>
          %dma_start3A_136 = tpu.memref_slice %arg3[%add3A_132] : memref<320000xi32, #tpu.memory_space<hbm>> -> memref<80xi32, #tpu.memory_space<hbm>>
          %dma_start3A_137 = tpu.memref_slice %arg3[%add3A_132] : memref<320000xi32, #tpu.memory_space<hbm>> -> memref<80xi32, #tpu.memory_space<hbm>>
          tpu.enqueue_dma source(%dma_start3A_137 : memref<80xi32, #tpu.memory_space<hbm>>) target(%arg7 : memref<80xi32, #tpu.memory_space<vmem>>) target_semaphore(%run_scoped3A : memref<!tpu.dma_semaphore, #tpu.memory_space<semaphore_mem>>)
          %dma_wait3A_138 = tpu.memref_slice %arg3[%add3A_132] : memref<320000xi32, #tpu.memory_space<hbm>> -> memref<80xi32, #tpu.memory_space<hbm>>
          %dma_wait3A_139 = tpu.memref_slice %arg3[%add3A_132] : memref<320000xi32, #tpu.memory_space<hbm>> -> memref<80xi32, #tpu.memory_space<hbm>>
          tpu.wait_dma2 semaphore(%run_scoped3A : memref<!tpu.dma_semaphore, #tpu.memory_space<semaphore_mem>>) src(%dma_wait3A_139 : memref<80xi32, #tpu.memory_space<hbm>>) dst(%arg7 : memref<80xi32, #tpu.memory_space<vmem>>)
          tpu.yield
        }) : () -> ()
        "tpu.region"() ({
          %run_scoped3A = tpu.sem_alloc : memref<!tpu.dma_semaphore, #tpu.memory_space<semaphore_mem>>
          %dma_start3A_136 = tpu.memref_slice %arg4[%add3A_132] : memref<320000xi32, #tpu.memory_space<hbm>> -> memref<80xi32, #tpu.memory_space<hbm>>
          %dma_start3A_137 = tpu.memref_slice %arg4[%add3A_132] : memref<320000xi32, #tpu.memory_space<hbm>> -> memref<80xi32, #tpu.memory_space<hbm>>
          tpu.enqueue_dma source(%dma_start3A_137 : memref<80xi32, #tpu.memory_space<hbm>>) target(%arg11 : memref<80xi32, #tpu.memory_space<vmem>>) target_semaphore(%run_scoped3A : memref<!tpu.dma_semaphore, #tpu.memory_space<semaphore_mem>>)
          %dma_wait3A_138 = tpu.memref_slice %arg4[%add3A_132] : memref<320000xi32, #tpu.memory_space<hbm>> -> memref<80xi32, #tpu.memory_space<hbm>>
          %dma_wait3A_139 = tpu.memref_slice %arg4[%add3A_132] : memref<320000xi32, #tpu.memory_space<hbm>> -> memref<80xi32, #tpu.memory_space<hbm>>
          tpu.wait_dma2 semaphore(%run_scoped3A : memref<!tpu.dma_semaphore, #tpu.memory_space<semaphore_mem>>) src(%dma_wait3A_139 : memref<80xi32, #tpu.memory_space<hbm>>) dst(%arg11 : memref<80xi32, #tpu.memory_space<vmem>>)
          tpu.yield
        }) : () -> ()
        %dma_start3A_133 = arith.constant 0 : i32
        %dma_start3A_134 = arith.constant 0 : i32
        %dma_start3A_135 = tpu.memref_slice %arg2[%dma_start3A_133, %dma_start3A_134] : memref<10000x128xf32, #tpu.memory_space<hbm>> -> memref<10000x128xf32, #tpu.memory_space<hbm>>
        tpu.enqueue_indirect_dma source(%dma_start3A_135 : memref<10000x128xf32, #tpu.memory_space<hbm>>) target(%arg15 : memref<80x128xf32, #tpu.memory_space<vmem>>) offsets(%arg7 : memref<80xi32, #tpu.memory_space<vmem>>) semaphore(%arg20 : memref<!tpu.dma_semaphore, #tpu.memory_space<semaphore_mem>>)
      } else {
      }
      %add3A_94 = arith.constant 1 : i32
      %add3A_95 = arith.addi %scan3A_59, %add3A_94 : i32
      %mul3A_96 = arith.constant 4 : i32
      %mul3A_97 = arith.muli %add3A_95, %mul3A_96 : i32
      %add3A_98 = arith.constant 1 : i32
      %add3A_99 = arith.addi %mul3A_97, %add3A_98 : i32
      %lt3A_100 = arith.constant 125 : i32
      %lt3A_101 = arith.cmpi slt, %add3A_99, %lt3A_100 : i32
      %convert_element_type3A_102 = arith.extui %lt3A_101 : i1 to i32
      %cond3A_103 = arith.constant 0 : i32
      %cond3A_104 = arith.cmpi ne, %convert_element_type3A_102, %cond3A_103 : i32
      scf.if %cond3A_104 {
        %dma_wait3A_127 = arith.constant 0 : i32
        %dma_wait3A_128 = arith.constant 0 : i32
        %dma_wait3A_129 = tpu.memref_slice %arg19[%dma_wait3A_127, %dma_wait3A_128] : memref<10000x128xf32, #tpu.memory_space<vmem_shared>> -> memref<10000x128xf32, #tpu.memory_space<vmem_shared>>
        tpu.wait_indirect_dma semaphore(%arg25 : memref<!tpu.dma_semaphore, #tpu.memory_space<semaphore_mem>>) src(%arg16 : memref<80x128xf32, #tpu.memory_space<vmem>>) dst(%dma_wait3A_129 : memref<10000x128xf32, #tpu.memory_space<vmem_shared>>)
        %mul3A_130 = arith.constant 80 : i32
        %mul3A_131 = arith.muli %add3A_99, %mul3A_130 : i32
        %add3A_132 = arith.addi %mul3A_2, %mul3A_131 : i32
        "tpu.region"() ({
          %run_scoped3A = tpu.sem_alloc : memref<!tpu.dma_semaphore, #tpu.memory_space<semaphore_mem>>
          %dma_start3A_136 = tpu.memref_slice %arg3[%add3A_132] : memref<320000xi32, #tpu.memory_space<hbm>> -> memref<80xi32, #tpu.memory_space<hbm>>
          %dma_start3A_137 = tpu.memref_slice %arg3[%add3A_132] : memref<320000xi32, #tpu.memory_space<hbm>> -> memref<80xi32, #tpu.memory_space<hbm>>
          tpu.enqueue_dma source(%dma_start3A_137 : memref<80xi32, #tpu.memory_space<hbm>>) target(%arg8 : memref<80xi32, #tpu.memory_space<vmem>>) target_semaphore(%run_scoped3A : memref<!tpu.dma_semaphore, #tpu.memory_space<semaphore_mem>>)
          %dma_wait3A_138 = tpu.memref_slice %arg3[%add3A_132] : memref<320000xi32, #tpu.memory_space<hbm>> -> memref<80xi32, #tpu.memory_space<hbm>>
          %dma_wait3A_139 = tpu.memref_slice %arg3[%add3A_132] : memref<320000xi32, #tpu.memory_space<hbm>> -> memref<80xi32, #tpu.memory_space<hbm>>
          tpu.wait_dma2 semaphore(%run_scoped3A : memref<!tpu.dma_semaphore, #tpu.memory_space<semaphore_mem>>) src(%dma_wait3A_139 : memref<80xi32, #tpu.memory_space<hbm>>) dst(%arg8 : memref<80xi32, #tpu.memory_space<vmem>>)
          tpu.yield
        }) : () -> ()
        "tpu.region"() ({
          %run_scoped3A = tpu.sem_alloc : memref<!tpu.dma_semaphore, #tpu.memory_space<semaphore_mem>>
          %dma_start3A_136 = tpu.memref_slice %arg4[%add3A_132] : memref<320000xi32, #tpu.memory_space<hbm>> -> memref<80xi32, #tpu.memory_space<hbm>>
          %dma_start3A_137 = tpu.memref_slice %arg4[%add3A_132] : memref<320000xi32, #tpu.memory_space<hbm>> -> memref<80xi32, #tpu.memory_space<hbm>>
          tpu.enqueue_dma source(%dma_start3A_137 : memref<80xi32, #tpu.memory_space<hbm>>) target(%arg12 : memref<80xi32, #tpu.memory_space<vmem>>) target_semaphore(%run_scoped3A : memref<!tpu.dma_semaphore, #tpu.memory_space<semaphore_mem>>)
          %dma_wait3A_138 = tpu.memref_slice %arg4[%add3A_132] : memref<320000xi32, #tpu.memory_space<hbm>> -> memref<80xi32, #tpu.memory_space<hbm>>
          %dma_wait3A_139 = tpu.memref_slice %arg4[%add3A_132] : memref<320000xi32, #tpu.memory_space<hbm>> -> memref<80xi32, #tpu.memory_space<hbm>>
          tpu.wait_dma2 semaphore(%run_scoped3A : memref<!tpu.dma_semaphore, #tpu.memory_space<semaphore_mem>>) src(%dma_wait3A_139 : memref<80xi32, #tpu.memory_space<hbm>>) dst(%arg12 : memref<80xi32, #tpu.memory_space<vmem>>)
          tpu.yield
        }) : () -> ()
        %dma_start3A_133 = arith.constant 0 : i32
        %dma_start3A_134 = arith.constant 0 : i32
        %dma_start3A_135 = tpu.memref_slice %arg2[%dma_start3A_133, %dma_start3A_134] : memref<10000x128xf32, #tpu.memory_space<hbm>> -> memref<10000x128xf32, #tpu.memory_space<hbm>>
        tpu.enqueue_indirect_dma source(%dma_start3A_135 : memref<10000x128xf32, #tpu.memory_space<hbm>>) target(%arg16 : memref<80x128xf32, #tpu.memory_space<vmem>>) offsets(%arg8 : memref<80xi32, #tpu.memory_space<vmem>>) semaphore(%arg21 : memref<!tpu.dma_semaphore, #tpu.memory_space<semaphore_mem>>)
      } else {
      }
      %add3A_105 = arith.constant 1 : i32
      %add3A_106 = arith.addi %scan3A_59, %add3A_105 : i32
      %mul3A_107 = arith.constant 4 : i32
      %mul3A_108 = arith.muli %add3A_106, %mul3A_107 : i32
      %add3A_109 = arith.constant 2 : i32
      %add3A_110 = arith.addi %mul3A_108, %add3A_109 : i32
      %lt3A_111 = arith.constant 125 : i32
      %lt3A_112 = arith.cmpi slt, %add3A_110, %lt3A_111 : i32
      %convert_element_type3A_113 = arith.extui %lt3A_112 : i1 to i32
      %cond3A_114 = arith.constant 0 : i32
      %cond3A_115 = arith.cmpi ne, %convert_element_type3A_113, %cond3A_114 : i32
      scf.if %cond3A_115 {
        %dma_wait3A_127 = arith.constant 0 : i32
        %dma_wait3A_128 = arith.constant 0 : i32
        %dma_wait3A_129 = tpu.memref_slice %arg19[%dma_wait3A_127, %dma_wait3A_128] : memref<10000x128xf32, #tpu.memory_space<vmem_shared>> -> memref<10000x128xf32, #tpu.memory_space<vmem_shared>>
        tpu.wait_indirect_dma semaphore(%arg26 : memref<!tpu.dma_semaphore, #tpu.memory_space<semaphore_mem>>) src(%arg17 : memref<80x128xf32, #tpu.memory_space<vmem>>) dst(%dma_wait3A_129 : memref<10000x128xf32, #tpu.memory_space<vmem_shared>>)
        %mul3A_130 = arith.constant 80 : i32
        %mul3A_131 = arith.muli %add3A_110, %mul3A_130 : i32
        %add3A_132 = arith.addi %mul3A_2, %mul3A_131 : i32
        "tpu.region"() ({
          %run_scoped3A = tpu.sem_alloc : memref<!tpu.dma_semaphore, #tpu.memory_space<semaphore_mem>>
          %dma_start3A_136 = tpu.memref_slice %arg3[%add3A_132] : memref<320000xi32, #tpu.memory_space<hbm>> -> memref<80xi32, #tpu.memory_space<hbm>>
          %dma_start3A_137 = tpu.memref_slice %arg3[%add3A_132] : memref<320000xi32, #tpu.memory_space<hbm>> -> memref<80xi32, #tpu.memory_space<hbm>>
          tpu.enqueue_dma source(%dma_start3A_137 : memref<80xi32, #tpu.memory_space<hbm>>) target(%arg9 : memref<80xi32, #tpu.memory_space<vmem>>) target_semaphore(%run_scoped3A : memref<!tpu.dma_semaphore, #tpu.memory_space<semaphore_mem>>)
          %dma_wait3A_138 = tpu.memref_slice %arg3[%add3A_132] : memref<320000xi32, #tpu.memory_space<hbm>> -> memref<80xi32, #tpu.memory_space<hbm>>
          %dma_wait3A_139 = tpu.memref_slice %arg3[%add3A_132] : memref<320000xi32, #tpu.memory_space<hbm>> -> memref<80xi32, #tpu.memory_space<hbm>>
          tpu.wait_dma2 semaphore(%run_scoped3A : memref<!tpu.dma_semaphore, #tpu.memory_space<semaphore_mem>>) src(%dma_wait3A_139 : memref<80xi32, #tpu.memory_space<hbm>>) dst(%arg9 : memref<80xi32, #tpu.memory_space<vmem>>)
          tpu.yield
        }) : () -> ()
        "tpu.region"() ({
          %run_scoped3A = tpu.sem_alloc : memref<!tpu.dma_semaphore, #tpu.memory_space<semaphore_mem>>
          %dma_start3A_136 = tpu.memref_slice %arg4[%add3A_132] : memref<320000xi32, #tpu.memory_space<hbm>> -> memref<80xi32, #tpu.memory_space<hbm>>
          %dma_start3A_137 = tpu.memref_slice %arg4[%add3A_132] : memref<320000xi32, #tpu.memory_space<hbm>> -> memref<80xi32, #tpu.memory_space<hbm>>
          tpu.enqueue_dma source(%dma_start3A_137 : memref<80xi32, #tpu.memory_space<hbm>>) target(%arg13 : memref<80xi32, #tpu.memory_space<vmem>>) target_semaphore(%run_scoped3A : memref<!tpu.dma_semaphore, #tpu.memory_space<semaphore_mem>>)
          %dma_wait3A_138 = tpu.memref_slice %arg4[%add3A_132] : memref<320000xi32, #tpu.memory_space<hbm>> -> memref<80xi32, #tpu.memory_space<hbm>>
          %dma_wait3A_139 = tpu.memref_slice %arg4[%add3A_132] : memref<320000xi32, #tpu.memory_space<hbm>> -> memref<80xi32, #tpu.memory_space<hbm>>
          tpu.wait_dma2 semaphore(%run_scoped3A : memref<!tpu.dma_semaphore, #tpu.memory_space<semaphore_mem>>) src(%dma_wait3A_139 : memref<80xi32, #tpu.memory_space<hbm>>) dst(%arg13 : memref<80xi32, #tpu.memory_space<vmem>>)
          tpu.yield
        }) : () -> ()
        %dma_start3A_133 = arith.constant 0 : i32
        %dma_start3A_134 = arith.constant 0 : i32
        %dma_start3A_135 = tpu.memref_slice %arg2[%dma_start3A_133, %dma_start3A_134] : memref<10000x128xf32, #tpu.memory_space<hbm>> -> memref<10000x128xf32, #tpu.memory_space<hbm>>
        tpu.enqueue_indirect_dma source(%dma_start3A_135 : memref<10000x128xf32, #tpu.memory_space<hbm>>) target(%arg17 : memref<80x128xf32, #tpu.memory_space<vmem>>) offsets(%arg9 : memref<80xi32, #tpu.memory_space<vmem>>) semaphore(%arg22 : memref<!tpu.dma_semaphore, #tpu.memory_space<semaphore_mem>>)
      } else {
      }
      %add3A_116 = arith.constant 1 : i32
      %add3A_117 = arith.addi %scan3A_59, %add3A_116 : i32
      %mul3A_118 = arith.constant 4 : i32
      %mul3A_119 = arith.muli %add3A_117, %mul3A_118 : i32
      %add3A_120 = arith.constant 3 : i32
      %add3A_121 = arith.addi %mul3A_119, %add3A_120 : i32
      %lt3A_122 = arith.constant 125 : i32
      %lt3A_123 = arith.cmpi slt, %add3A_121, %lt3A_122 : i32
      %convert_element_type3A_124 = arith.extui %lt3A_123 : i1 to i32
      %cond3A_125 = arith.constant 0 : i32
      %cond3A_126 = arith.cmpi ne, %convert_element_type3A_124, %cond3A_125 : i32
      scf.if %cond3A_126 {
        %dma_wait3A_127 = arith.constant 0 : i32
        %dma_wait3A_128 = arith.constant 0 : i32
        %dma_wait3A_129 = tpu.memref_slice %arg19[%dma_wait3A_127, %dma_wait3A_128] : memref<10000x128xf32, #tpu.memory_space<vmem_shared>> -> memref<10000x128xf32, #tpu.memory_space<vmem_shared>>
        tpu.wait_indirect_dma semaphore(%arg27 : memref<!tpu.dma_semaphore, #tpu.memory_space<semaphore_mem>>) src(%arg18 : memref<80x128xf32, #tpu.memory_space<vmem>>) dst(%dma_wait3A_129 : memref<10000x128xf32, #tpu.memory_space<vmem_shared>>)
        %mul3A_130 = arith.constant 80 : i32
        %mul3A_131 = arith.muli %add3A_121, %mul3A_130 : i32
        %add3A_132 = arith.addi %mul3A_2, %mul3A_131 : i32
        "tpu.region"() ({
          %run_scoped3A = tpu.sem_alloc : memref<!tpu.dma_semaphore, #tpu.memory_space<semaphore_mem>>
          %dma_start3A_136 = tpu.memref_slice %arg3[%add3A_132] : memref<320000xi32, #tpu.memory_space<hbm>> -> memref<80xi32, #tpu.memory_space<hbm>>
          %dma_start3A_137 = tpu.memref_slice %arg3[%add3A_132] : memref<320000xi32, #tpu.memory_space<hbm>> -> memref<80xi32, #tpu.memory_space<hbm>>
          tpu.enqueue_dma source(%dma_start3A_137 : memref<80xi32, #tpu.memory_space<hbm>>) target(%arg10 : memref<80xi32, #tpu.memory_space<vmem>>) target_semaphore(%run_scoped3A : memref<!tpu.dma_semaphore, #tpu.memory_space<semaphore_mem>>)
          %dma_wait3A_138 = tpu.memref_slice %arg3[%add3A_132] : memref<320000xi32, #tpu.memory_space<hbm>> -> memref<80xi32, #tpu.memory_space<hbm>>
          %dma_wait3A_139 = tpu.memref_slice %arg3[%add3A_132] : memref<320000xi32, #tpu.memory_space<hbm>> -> memref<80xi32, #tpu.memory_space<hbm>>
          tpu.wait_dma2 semaphore(%run_scoped3A : memref<!tpu.dma_semaphore, #tpu.memory_space<semaphore_mem>>) src(%dma_wait3A_139 : memref<80xi32, #tpu.memory_space<hbm>>) dst(%arg10 : memref<80xi32, #tpu.memory_space<vmem>>)
          tpu.yield
        }) : () -> ()
        "tpu.region"() ({
          %run_scoped3A = tpu.sem_alloc : memref<!tpu.dma_semaphore, #tpu.memory_space<semaphore_mem>>
          %dma_start3A_136 = tpu.memref_slice %arg4[%add3A_132] : memref<320000xi32, #tpu.memory_space<hbm>> -> memref<80xi32, #tpu.memory_space<hbm>>
          %dma_start3A_137 = tpu.memref_slice %arg4[%add3A_132] : memref<320000xi32, #tpu.memory_space<hbm>> -> memref<80xi32, #tpu.memory_space<hbm>>
          tpu.enqueue_dma source(%dma_start3A_137 : memref<80xi32, #tpu.memory_space<hbm>>) target(%arg14 : memref<80xi32, #tpu.memory_space<vmem>>) target_semaphore(%run_scoped3A : memref<!tpu.dma_semaphore, #tpu.memory_space<semaphore_mem>>)
          %dma_wait3A_138 = tpu.memref_slice %arg4[%add3A_132] : memref<320000xi32, #tpu.memory_space<hbm>> -> memref<80xi32, #tpu.memory_space<hbm>>
          %dma_wait3A_139 = tpu.memref_slice %arg4[%add3A_132] : memref<320000xi32, #tpu.memory_space<hbm>> -> memref<80xi32, #tpu.memory_space<hbm>>
          tpu.wait_dma2 semaphore(%run_scoped3A : memref<!tpu.dma_semaphore, #tpu.memory_space<semaphore_mem>>) src(%dma_wait3A_139 : memref<80xi32, #tpu.memory_space<hbm>>) dst(%arg14 : memref<80xi32, #tpu.memory_space<vmem>>)
          tpu.yield
        }) : () -> ()
        %dma_start3A_133 = arith.constant 0 : i32
        %dma_start3A_134 = arith.constant 0 : i32
        %dma_start3A_135 = tpu.memref_slice %arg2[%dma_start3A_133, %dma_start3A_134] : memref<10000x128xf32, #tpu.memory_space<hbm>> -> memref<10000x128xf32, #tpu.memory_space<hbm>>
        tpu.enqueue_indirect_dma source(%dma_start3A_135 : memref<10000x128xf32, #tpu.memory_space<hbm>>) target(%arg18 : memref<80x128xf32, #tpu.memory_space<vmem>>) offsets(%arg10 : memref<80xi32, #tpu.memory_space<vmem>>) semaphore(%arg23 : memref<!tpu.dma_semaphore, #tpu.memory_space<semaphore_mem>>)
      } else {
      }
    }
    %scan3A_30 = arith.constant 31 : i32
    %dma_wait3A = arith.constant 0 : i32
    %dma_wait3A_31 = arith.constant 0 : i32
    %dma_wait3A_32 = tpu.memref_slice %arg2[%dma_wait3A, %dma_wait3A_31] : memref<10000x128xf32, #tpu.memory_space<hbm>> -> memref<10000x128xf32, #tpu.memory_space<hbm>>
    tpu.wait_indirect_dma semaphore(%arg20 : memref<!tpu.dma_semaphore, #tpu.memory_space<semaphore_mem>>) src(%dma_wait3A_32 : memref<10000x128xf32, #tpu.memory_space<hbm>>) dst(%arg15 : memref<80x128xf32, #tpu.memory_space<vmem>>)
    %dma_start3A_33 = arith.constant 0 : i32
    %dma_start3A_34 = arith.constant 0 : i32
    %dma_start3A_35 = tpu.memref_slice %arg19[%dma_start3A_33, %dma_start3A_34] : memref<10000x128xf32, #tpu.memory_space<vmem_shared>> -> memref<10000x128xf32, #tpu.memory_space<vmem_shared>>
    tpu.enqueue_indirect_dma source(%arg15 : memref<80x128xf32, #tpu.memory_space<vmem>>) target(%dma_start3A_35 : memref<10000x128xf32, #tpu.memory_space<vmem_shared>>) offsets(%arg11 : memref<80xi32, #tpu.memory_space<vmem>>) semaphore(%arg24 : memref<!tpu.dma_semaphore, #tpu.memory_space<semaphore_mem>>) {add = true}
    %dma_wait3A_36 = arith.constant 0 : i32
    %dma_wait3A_37 = arith.constant 0 : i32
    %dma_wait3A_38 = tpu.memref_slice %arg19[%dma_wait3A_36, %dma_wait3A_37] : memref<10000x128xf32, #tpu.memory_space<vmem_shared>> -> memref<10000x128xf32, #tpu.memory_space<vmem_shared>>
    tpu.wait_indirect_dma semaphore(%arg24 : memref<!tpu.dma_semaphore, #tpu.memory_space<semaphore_mem>>) src(%arg15 : memref<80x128xf32, #tpu.memory_space<vmem>>) dst(%dma_wait3A_38 : memref<10000x128xf32, #tpu.memory_space<vmem_shared>>)
    %dma_wait3A_39 = arith.constant 0 : i32
    %dma_wait3A_40 = arith.constant 0 : i32
    %dma_wait3A_41 = tpu.memref_slice %arg19[%dma_wait3A_39, %dma_wait3A_40] : memref<10000x128xf32, #tpu.memory_space<vmem_shared>> -> memref<10000x128xf32, #tpu.memory_space<vmem_shared>>
    tpu.wait_indirect_dma semaphore(%arg25 : memref<!tpu.dma_semaphore, #tpu.memory_space<semaphore_mem>>) src(%arg16 : memref<80x128xf32, #tpu.memory_space<vmem>>) dst(%dma_wait3A_41 : memref<10000x128xf32, #tpu.memory_space<vmem_shared>>)
    %dma_wait3A_42 = arith.constant 0 : i32
    %dma_wait3A_43 = arith.constant 0 : i32
    %dma_wait3A_44 = tpu.memref_slice %arg19[%dma_wait3A_42, %dma_wait3A_43] : memref<10000x128xf32, #tpu.memory_space<vmem_shared>> -> memref<10000x128xf32, #tpu.memory_space<vmem_shared>>
    tpu.wait_indirect_dma semaphore(%arg26 : memref<!tpu.dma_semaphore, #tpu.memory_space<semaphore_mem>>) src(%arg17 : memref<80x128xf32, #tpu.memory_space<vmem>>) dst(%dma_wait3A_44 : memref<10000x128xf32, #tpu.memory_space<vmem_shared>>)
    %dma_wait3A_45 = arith.constant 0 : i32
    %dma_wait3A_46 = arith.constant 0 : i32
    %dma_wait3A_47 = tpu.memref_slice %arg19[%dma_wait3A_45, %dma_wait3A_46] : memref<10000x128xf32, #tpu.memory_space<vmem_shared>> -> memref<10000x128xf32, #tpu.memory_space<vmem_shared>>
    tpu.wait_indirect_dma semaphore(%arg27 : memref<!tpu.dma_semaphore, #tpu.memory_space<semaphore_mem>>) src(%arg18 : memref<80x128xf32, #tpu.memory_space<vmem>>) dst(%dma_wait3A_47 : memref<10000x128xf32, #tpu.memory_space<vmem_shared>>)
    %barrier3A_48 = arith.constant 0 : index
    tpu.barrier barrier_id(%barrier3A_48)
    %mul3A_49 = arith.constant 624 : i32
    %mul3A_50 = arith.muli %arg1, %mul3A_49 : i32
    %mul3A_51 = arith.constant 10000 : i32
    %mul3A_52 = arith.muli %arg0, %mul3A_51 : i32
    %add3A_53 = arith.addi %mul3A_52, %mul3A_50 : i32
    "tpu.region"() ({
      %run_scoped3A = tpu.sem_alloc : memref<!tpu.dma_semaphore, #tpu.memory_space<semaphore_mem>>
      %dma_start3A_59 = arith.constant 0 : i32
      %dma_start3A_60 = tpu.memref_slice %arg6[%add3A_53, %dma_start3A_59] : memref<20000x128xf32, #tpu.memory_space<hbm>> -> memref<624x128xf32, #tpu.memory_space<hbm>>
      %dma_start3A_61 = arith.constant 0 : i32
      %dma_start3A_62 = tpu.memref_slice %arg19[%mul3A_50, %dma_start3A_61] : memref<10000x128xf32, #tpu.memory_space<vmem_shared>> -> memref<624x128xf32, #tpu.memory_space<vmem_shared>>
      tpu.enqueue_dma source(%dma_start3A_62 : memref<624x128xf32, #tpu.memory_space<vmem_shared>>) target(%dma_start3A_60 : memref<624x128xf32, #tpu.memory_space<hbm>>) target_semaphore(%run_scoped3A : memref<!tpu.dma_semaphore, #tpu.memory_space<semaphore_mem>>)
      %dma_wait3A_63 = arith.constant 0 : i32
      %dma_wait3A_64 = tpu.memref_slice %arg6[%add3A_53, %dma_wait3A_63] : memref<20000x128xf32, #tpu.memory_space<hbm>> -> memref<624x128xf32, #tpu.memory_space<hbm>>
      %dma_wait3A_65 = arith.constant 0 : i32
      %dma_wait3A_66 = tpu.memref_slice %arg19[%mul3A_50, %dma_wait3A_65] : memref<10000x128xf32, #tpu.memory_space<vmem_shared>> -> memref<624x128xf32, #tpu.memory_space<vmem_shared>>
      tpu.wait_dma2 semaphore(%run_scoped3A : memref<!tpu.dma_semaphore, #tpu.memory_space<semaphore_mem>>) src(%dma_wait3A_66 : memref<624x128xf32, #tpu.memory_space<vmem_shared>>) dst(%dma_wait3A_64 : memref<624x128xf32, #tpu.memory_space<hbm>>)
      tpu.yield
    }) : () -> ()
    %eq3A_54 = arith.constant 0 : i32
    %eq3A_55 = arith.cmpi eq, %arg1, %eq3A_54 : i32
    %convert_element_type3A_56 = arith.extui %eq3A_55 : i1 to i32
    %cond3A_57 = arith.constant 0 : i32
    %cond3A_58 = arith.cmpi ne, %convert_element_type3A_56, %cond3A_57 : i32
    scf.if %cond3A_58 {
      %mul3A_59 = arith.constant 10000 : i32
      %mul3A_60 = arith.muli %arg0, %mul3A_59 : i32
      %add3A_61 = arith.constant 9984 : i32
      %add3A_62 = arith.addi %mul3A_60, %add3A_61 : i32
      "tpu.region"() ({
        %run_scoped3A = tpu.sem_alloc : memref<!tpu.dma_semaphore, #tpu.memory_space<semaphore_mem>>
        %dma_start3A_63 = arith.constant 0 : i32
        %dma_start3A_64 = tpu.memref_slice %arg6[%add3A_62, %dma_start3A_63] : memref<20000x128xf32, #tpu.memory_space<hbm>> -> memref<16x128xf32, #tpu.memory_space<hbm>>
        %dma_start3A_65 = arith.constant 9984 : i32
        %dma_start3A_66 = arith.constant 0 : i32
        %dma_start3A_67 = tpu.memref_slice %arg19[%dma_start3A_65, %dma_start3A_66] : memref<10000x128xf32, #tpu.memory_space<vmem_shared>> -> memref<16x128xf32, #tpu.memory_space<vmem_shared>>
        tpu.enqueue_dma source(%dma_start3A_67 : memref<16x128xf32, #tpu.memory_space<vmem_shared>>) target(%dma_start3A_64 : memref<16x128xf32, #tpu.memory_space<hbm>>) target_semaphore(%run_scoped3A : memref<!tpu.dma_semaphore, #tpu.memory_space<semaphore_mem>>)
        %dma_wait3A_68 = arith.constant 0 : i32
        %dma_wait3A_69 = tpu.memref_slice %arg6[%add3A_62, %dma_wait3A_68] : memref<20000x128xf32, #tpu.memory_space<hbm>> -> memref<16x128xf32, #tpu.memory_space<hbm>>
        %dma_wait3A_70 = arith.constant 9984 : i32
        %dma_wait3A_71 = arith.constant 0 : i32
        %dma_wait3A_72 = tpu.memref_slice %arg19[%dma_wait3A_70, %dma_wait3A_71] : memref<10000x128xf32, #tpu.memory_space<vmem_shared>> -> memref<16x128xf32, #tpu.memory_space<vmem_shared>>
        tpu.wait_dma2 semaphore(%run_scoped3A : memref<!tpu.dma_semaphore, #tpu.memory_space<semaphore_mem>>) src(%dma_wait3A_72 : memref<16x128xf32, #tpu.memory_space<vmem_shared>>) dst(%dma_wait3A_69 : memref<16x128xf32, #tpu.memory_space<hbm>>)
        tpu.yield
      }) : () -> ()
    } else {
    }
    return
  }
}

module attributes {stable_mosaic.version = 14 : i64} {
  func.func @_layer2_body(%arg0: i32, %arg1: memref<1000x128xf32, #tpu.memory_space<vmem>>, %arg2: memref<1000x128xf32, #tpu.memory_space<vmem>>, %arg3: memref<1000x128xf32, #tpu.memory_space<vmem>>, %arg4: memref<1000x128xf32, #tpu.memory_space<vmem>>, %arg5: memref<1000x128xf32, #tpu.memory_space<vmem>>, %arg6: memref<1x128xf32, #tpu.memory_space<vmem>>, %arg7: memref<128x128xf32, #tpu.memory_space<vmem>>, %arg8: memref<1000x128xf32, #tpu.memory_space<vmem>>) attributes {dimension_semantics = [#tpu.dimension_semantics<arbitrary>], iteration_bounds = array<i64: 10>, scalar_prefetch = 0 : i64, scratch_operands = 0 : i64, tpu.core_type = #tpu.core_type<tc>, window_params = [{transform_indices = @transform_0, window_bounds = array<i64: 1000, 128>}, {transform_indices = @transform_1, window_bounds = array<i64: 1000, 128>}, {transform_indices = @transform_2, window_bounds = array<i64: 1000, 128>}, {transform_indices = @transform_3, window_bounds = array<i64: 1000, 128>}, {transform_indices = @transform_4, window_bounds = array<i64: 1000, 128>}, {pipeline_mode = #tpu.pipeline_mode<synchronous>, transform_indices = @transform_5, window_bounds = array<i64: 1, 128>}, {pipeline_mode = #tpu.pipeline_mode<synchronous>, transform_indices = @transform_6, window_bounds = array<i64: 128, 128>}, {transform_indices = @transform_7, window_bounds = array<i64: 1000, 128>}]} {
    %get3A = arith.constant 0 : index
    %get3A_0 = arith.constant 0 : index
    %get3A_1 = vector.load %arg4[%get3A, %get3A_0] : memref<1000x128xf32, #tpu.memory_space<vmem>>, vector<1000x128xf32>
    %get3A_2 = arith.constant 0 : index
    %get3A_3 = arith.constant 0 : index
    %get3A_4 = vector.load %arg5[%get3A_2, %get3A_3] : memref<1000x128xf32, #tpu.memory_space<vmem>>, vector<1000x128xf32>
    %slice3A = vector.extract_strided_slice %get3A_1 {offsets = [0, 0], sizes = [1000, 1], strides = [1, 1]} : vector<1000x128xf32> to vector<1000x1xf32>
    %slice3A_5 = vector.extract_strided_slice %get3A_4 {offsets = [0, 0], sizes = [1000, 1], strides = [1, 1]} : vector<1000x128xf32> to vector<1000x1xf32>
    %add3A = arith.addf %slice3A, %slice3A_5 : vector<1000x1xf32>
    %add3A_6 = arith.constant 1.000000e+00 : f32
    %add3A_7 = vector.broadcast %add3A_6 : f32 to vector<1000x1xf32>
    %add3A_8 = arith.addf %add3A, %add3A_7 : vector<1000x1xf32>
    %rsqrt3A = math.rsqrt %add3A_8 : vector<1000x1xf32>
    %get3A_9 = arith.constant 0 : index
    %get3A_10 = arith.constant 0 : index
    %get3A_11 = vector.load %arg1[%get3A_9, %get3A_10] : memref<1000x128xf32, #tpu.memory_space<vmem>>, vector<1000x128xf32>
    %get3A_12 = arith.constant 0 : index
    %get3A_13 = arith.constant 0 : index
    %get3A_14 = vector.load %arg2[%get3A_12, %get3A_13] : memref<1000x128xf32, #tpu.memory_space<vmem>>, vector<1000x128xf32>
    %add3A_15 = arith.addf %get3A_11, %get3A_14 : vector<1000x128xf32>
    %get3A_16 = arith.constant 0 : index
    %get3A_17 = arith.constant 0 : index
    %get3A_18 = vector.load %arg3[%get3A_16, %get3A_17] : memref<1000x128xf32, #tpu.memory_space<vmem>>, vector<1000x128xf32>
    %add3A_19 = arith.addf %add3A_15, %get3A_18 : vector<1000x128xf32>
    %mul3A = vector.broadcast %rsqrt3A : vector<1000x1xf32> to vector<1000x128xf32>
    %mul3A_20 = arith.mulf %mul3A, %add3A_19 : vector<1000x128xf32>
    %get3A_21 = arith.constant 0 : index
    %get3A_22 = arith.constant 0 : index
    %get3A_23 = vector.load %arg6[%get3A_21, %get3A_22] : memref<1x128xf32, #tpu.memory_space<vmem>>, vector<1x128xf32>
    %add3A_24 = vector.broadcast %get3A_23 : vector<1x128xf32> to vector<1000x128xf32>
    %add3A_25 = arith.addf %mul3A_20, %add3A_24 : vector<1000x128xf32>
    %max3A = arith.constant 0.000000e+00 : f32
    %max3A_26 = vector.broadcast %max3A : f32 to vector<1000x128xf32>
    %max3A_27 = arith.maximumf %add3A_25, %max3A_26 : vector<1000x128xf32>
    %get3A_28 = arith.constant 0 : index
    %get3A_29 = arith.constant 0 : index
    %get3A_30 = vector.load %arg7[%get3A_28, %get3A_29] : memref<128x128xf32, #tpu.memory_space<vmem>>, vector<128x128xf32>
    %dot_general3A = arith.constant dense<0.000000e+00> : vector<1000x128xf32>
    %dot_general3A_31 = tpu.matmul %max3A_27, %get3A_30, %dot_general3A {dimension_numbers = #tpu.dot_dimension_numbers<[1], [0], [0], [1], [0, 0, 1, 1], [], []>, transpose_lhs_hint = false} : vector<1000x128xf32>, vector<128x128xf32>, vector<1000x128xf32> -> vector<1000x128xf32>
    %mul3A_32 = vector.broadcast %rsqrt3A : vector<1000x1xf32> to vector<1000x128xf32>
    %mul3A_33 = arith.mulf %dot_general3A_31, %mul3A_32 : vector<1000x128xf32>
    %swap3A = arith.constant 0 : index
    %swap3A_34 = arith.constant 0 : index
    %swap3A_35 = vector.load %arg8[%swap3A, %swap3A_34] : memref<1000x128xf32, #tpu.memory_space<vmem>>, vector<1000x128xf32>
    tpu.vector_store %arg8[%swap3A, %swap3A_34], %mul3A_33 {strides = array<i32>} : memref<1000x128xf32, #tpu.memory_space<vmem>>, vector<1000x128xf32>,
    return
  }
  func.func @transform_0(%arg0: i32) -> (i32, i32) {
    %c0_i32 = arith.constant 0 : i32
    %c0_i32_0 = arith.constant 0 : i32
    return %arg0, %c0_i32 : i32, i32
  }
  func.func @transform_1(%arg0: i32) -> (i32, i32) {
    %add3A = arith.constant 10 : i32
    %add3A_0 = arith.addi %arg0, %add3A : i32
    %c0_i32 = arith.constant 0 : i32
    %c0_i32_1 = arith.constant 0 : i32
    return %add3A_0, %c0_i32 : i32, i32
  }
  func.func @transform_2(%arg0: i32) -> (i32, i32) {
    %c0_i32 = arith.constant 0 : i32
    %c0_i32_0 = arith.constant 0 : i32
    return %arg0, %c0_i32 : i32, i32
  }
  func.func @transform_3(%arg0: i32) -> (i32, i32) {
    %c0_i32 = arith.constant 0 : i32
    %c0_i32_0 = arith.constant 0 : i32
    return %arg0, %c0_i32 : i32, i32
  }
  func.func @transform_4(%arg0: i32) -> (i32, i32) {
    %add3A = arith.constant 10 : i32
    %add3A_0 = arith.addi %arg0, %add3A : i32
    %c0_i32 = arith.constant 0 : i32
    %c0_i32_1 = arith.constant 0 : i32
    return %add3A_0, %c0_i32 : i32, i32
  }
  func.func @transform_5(%arg0: i32) -> (i32, i32) {
    %c0_i32 = arith.constant 0 : i32
    %c0_i32_0 = arith.constant 0 : i32
    %c0_i32_1 = arith.constant 0 : i32
    return %c0_i32, %c0_i32_0 : i32, i32
  }
  func.func @transform_6(%arg0: i32) -> (i32, i32) {
    %c0_i32 = arith.constant 0 : i32
    %c0_i32_0 = arith.constant 0 : i32
    %c0_i32_1 = arith.constant 0 : i32
    return %c0_i32, %c0_i32_0 : i32, i32
  }
  func.func @transform_7(%arg0: i32) -> (i32, i32) {
    %c0_i32 = arith.constant 0 : i32
    %c0_i32_0 = arith.constant 0 : i32
    return %arg0, %c0_i32 : i32, i32
  }
}

module attributes {stable_mosaic.version = 14 : i64} {
  func.func @_layer1_body(%arg0: i32, %arg1: memref<1000x128xf32, #tpu.memory_space<vmem>>, %arg2: memref<128x128xf32, #tpu.memory_space<vmem>>, %arg3: memref<1000x128xf32, #tpu.memory_space<vmem>>, %arg4: memref<1000x128xf32, #tpu.memory_space<vmem>>, %arg5: memref<1000x128xf32, #tpu.memory_space<vmem>>) attributes {dimension_semantics = [#tpu.dimension_semantics<arbitrary>], iteration_bounds = array<i64: 10>, scalar_prefetch = 0 : i64, scratch_operands = 0 : i64, tpu.core_type = #tpu.core_type<tc>, window_params = [{transform_indices = @transform_0, window_bounds = array<i64: 1000, 128>}, {pipeline_mode = #tpu.pipeline_mode<synchronous>, transform_indices = @transform_1, window_bounds = array<i64: 128, 128>}, {transform_indices = @transform_2, window_bounds = array<i64: 1000, 128>}, {transform_indices = @transform_3, window_bounds = array<i64: 1000, 128>}, {transform_indices = @transform_4, window_bounds = array<i64: 1000, 128>}]} {
    %get3A = arith.constant 0 : index
    %get3A_0 = arith.constant 0 : index
    %get3A_1 = vector.load %arg3[%get3A, %get3A_0] : memref<1000x128xf32, #tpu.memory_space<vmem>>, vector<1000x128xf32>
    %get3A_2 = arith.constant 0 : index
    %get3A_3 = arith.constant 0 : index
    %get3A_4 = vector.load %arg4[%get3A_2, %get3A_3] : memref<1000x128xf32, #tpu.memory_space<vmem>>, vector<1000x128xf32>
    %slice3A = vector.extract_strided_slice %get3A_1 {offsets = [0, 0], sizes = [1000, 1], strides = [1, 1]} : vector<1000x128xf32> to vector<1000x1xf32>
    %slice3A_5 = vector.extract_strided_slice %get3A_4 {offsets = [0, 0], sizes = [1000, 1], strides = [1, 1]} : vector<1000x128xf32> to vector<1000x1xf32>
    %add3A = arith.addf %slice3A, %slice3A_5 : vector<1000x1xf32>
    %add3A_6 = arith.constant 1.000000e+00 : f32
    %add3A_7 = vector.broadcast %add3A_6 : f32 to vector<1000x1xf32>
    %add3A_8 = arith.addf %add3A, %add3A_7 : vector<1000x1xf32>
    %rsqrt3A = math.rsqrt %add3A_8 : vector<1000x1xf32>
    %get3A_9 = arith.constant 0 : index
    %get3A_10 = arith.constant 0 : index
    %get3A_11 = vector.load %arg1[%get3A_9, %get3A_10] : memref<1000x128xf32, #tpu.memory_space<vmem>>, vector<1000x128xf32>
    %get3A_12 = arith.constant 0 : index
    %get3A_13 = arith.constant 0 : index
    %get3A_14 = vector.load %arg2[%get3A_12, %get3A_13] : memref<128x128xf32, #tpu.memory_space<vmem>>, vector<128x128xf32>
    %dot_general3A = arith.constant dense<0.000000e+00> : vector<1000x128xf32>
    %dot_general3A_15 = tpu.matmul %get3A_11, %get3A_14, %dot_general3A {dimension_numbers = #tpu.dot_dimension_numbers<[1], [0], [0], [1], [0, 0, 1, 1], [], []>, transpose_lhs_hint = false} : vector<1000x128xf32>, vector<128x128xf32>, vector<1000x128xf32> -> vector<1000x128xf32>
    %mul3A = vector.broadcast %rsqrt3A : vector<1000x1xf32> to vector<1000x128xf32>
    %mul3A_16 = arith.mulf %dot_general3A_15, %mul3A : vector<1000x128xf32>
    %swap3A = arith.constant 0 : index
    %swap3A_17 = arith.constant 0 : index
    %swap3A_18 = vector.load %arg5[%swap3A, %swap3A_17] : memref<1000x128xf32, #tpu.memory_space<vmem>>, vector<1000x128xf32>
    tpu.vector_store %arg5[%swap3A, %swap3A_17], %mul3A_16 {strides = array<i32>} : memref<1000x128xf32, #tpu.memory_space<vmem>>, vector<1000x128xf32>,
    return
  }
  func.func @transform_0(%arg0: i32) -> (i32, i32) {
    %c0_i32 = arith.constant 0 : i32
    %c0_i32_0 = arith.constant 0 : i32
    return %arg0, %c0_i32 : i32, i32
  }
  func.func @transform_1(%arg0: i32) -> (i32, i32) {
    %c0_i32 = arith.constant 0 : i32
    %c0_i32_0 = arith.constant 0 : i32
    %c0_i32_1 = arith.constant 0 : i32
    return %c0_i32, %c0_i32_0 : i32, i32
  }
  func.func @transform_2(%arg0: i32) -> (i32, i32) {
    %c0_i32 = arith.constant 0 : i32
    %c0_i32_0 = arith.constant 0 : i32
    return %arg0, %c0_i32 : i32, i32
  }
  func.func @transform_3(%arg0: i32) -> (i32, i32) {
    %add3A = arith.constant 10 : i32
    %add3A_0 = arith.addi %arg0, %add3A : i32
    %c0_i32 = arith.constant 0 : i32
    %c0_i32_1 = arith.constant 0 : i32
    return %add3A_0, %c0_i32 : i32, i32
  }
  func.func @transform_4(%arg0: i32) -> (i32, i32) {
    %c0_i32 = arith.constant 0 : i32
    %c0_i32_0 = arith.constant 0 : i32
    return %arg0, %c0_i32 : i32, i32
  }
}

module attributes {stable_mosaic.version = 14 : i64} {
  func.func @_head_body(%arg0: memref<20000x128xf32, #tpu.memory_space<vmem>>, %arg1: memref<10000x128xf32, #tpu.memory_space<vmem>>, %arg2: memref<20000x128xf32, #tpu.memory_space<vmem>>, %arg3: memref<1x128xf32, #tpu.memory_space<vmem>>, %arg4: memref<128x128xf32, #tpu.memory_space<vmem>>, %arg5: memref<1x128xf32, #tpu.memory_space<vmem>>, %arg6: memref<128x128xf32, #tpu.memory_space<vmem>>, %arg7: memref<1x128xf32, #tpu.memory_space<vmem>>, %arg8: memref<128x1xf32, #tpu.memory_space<vmem>>, %arg9: memref<1x1xf32, #tpu.memory_space<vmem>>, %arg10: memref<1x1xf32, #tpu.memory_space<vmem>>) attributes {dimension_semantics = [], scalar_prefetch = 0 : i64, scratch_operands = 0 : i64, tpu.core_type = #tpu.core_type<tc>} {
    %get3A = arith.constant 0 : index
    %get3A_0 = arith.constant 0 : index
    %get3A_1 = vector.load %arg2[%get3A, %get3A_0] : memref<20000x128xf32, #tpu.memory_space<vmem>>, vector<10000x1xf32>
    %get3A_2 = arith.constant 10000 : index
    %get3A_3 = arith.constant 0 : index
    %get3A_4 = vector.load %arg2[%get3A_2, %get3A_3] : memref<20000x128xf32, #tpu.memory_space<vmem>>, vector<10000x1xf32>
    %add3A = arith.addf %get3A_1, %get3A_4 : vector<10000x1xf32>
    %add3A_5 = arith.constant 1.000000e+00 : f32
    %add3A_6 = vector.broadcast %add3A_5 : f32 to vector<10000x1xf32>
    %add3A_7 = arith.addf %add3A, %add3A_6 : vector<10000x1xf32>
    %rsqrt3A = math.rsqrt %add3A_7 : vector<10000x1xf32>
    %get3A_8 = arith.constant 0 : index
    %get3A_9 = arith.constant 0 : index
    %get3A_10 = vector.load %arg0[%get3A_8, %get3A_9] : memref<20000x128xf32, #tpu.memory_space<vmem>>, vector<10000x128xf32>
    %get3A_11 = arith.constant 10000 : index
    %get3A_12 = arith.constant 0 : index
    %get3A_13 = vector.load %arg0[%get3A_11, %get3A_12] : memref<20000x128xf32, #tpu.memory_space<vmem>>, vector<10000x128xf32>
    %add3A_14 = arith.addf %get3A_10, %get3A_13 : vector<10000x128xf32>
    %get3A_15 = arith.constant 0 : index
    %get3A_16 = arith.constant 0 : index
    %get3A_17 = vector.load %arg1[%get3A_15, %get3A_16] : memref<10000x128xf32, #tpu.memory_space<vmem>>, vector<10000x128xf32>
    %add3A_18 = arith.addf %add3A_14, %get3A_17 : vector<10000x128xf32>
    %mul3A = vector.broadcast %rsqrt3A : vector<10000x1xf32> to vector<10000x128xf32>
    %mul3A_19 = arith.mulf %mul3A, %add3A_18 : vector<10000x128xf32>
    %get3A_20 = arith.constant 0 : index
    %get3A_21 = arith.constant 0 : index
    %get3A_22 = vector.load %arg3[%get3A_20, %get3A_21] : memref<1x128xf32, #tpu.memory_space<vmem>>, vector<1x128xf32>
    %add3A_23 = vector.broadcast %get3A_22 : vector<1x128xf32> to vector<10000x128xf32>
    %add3A_24 = arith.addf %mul3A_19, %add3A_23 : vector<10000x128xf32>
    %max3A = arith.constant 0.000000e+00 : f32
    %max3A_25 = vector.broadcast %max3A : f32 to vector<10000x128xf32>
    %max3A_26 = arith.maximumf %add3A_24, %max3A_25 : vector<10000x128xf32>
    %reduce_sum3A = arith.constant dense<0.000000e+00> : vector<128xf32>
    %reduce_sum3A_27 = vector.multi_reduction <add>, %max3A_26, %reduce_sum3A [0] : vector<10000x128xf32> to vector<128xf32>
    %broadcast_in_dim3A = vector.shape_cast %reduce_sum3A_27 : vector<128xf32> to vector<1x128xf32>
    %div3A = arith.constant 1.000000e+04 : f32
    %div3A_28 = vector.broadcast %div3A : f32 to vector<1x128xf32>
    %div3A_29 = arith.divf %broadcast_in_dim3A, %div3A_28 : vector<1x128xf32>
    %get3A_30 = arith.constant 0 : index
    %get3A_31 = arith.constant 0 : index
    %get3A_32 = vector.load %arg4[%get3A_30, %get3A_31] : memref<128x128xf32, #tpu.memory_space<vmem>>, vector<128x128xf32>
    %dot_general3A = arith.constant dense<0.000000e+00> : vector<1x128xf32>
    %dot_general3A_33 = tpu.matmul %div3A_29, %get3A_32, %dot_general3A {dimension_numbers = #tpu.dot_dimension_numbers<[1], [0], [0], [1], [0, 0, 1, 1], [], []>, transpose_lhs_hint = false} : vector<1x128xf32>, vector<128x128xf32>, vector<1x128xf32> -> vector<1x128xf32>
    %get3A_34 = arith.constant 0 : index
    %get3A_35 = arith.constant 0 : index
    %get3A_36 = vector.load %arg5[%get3A_34, %get3A_35] : memref<1x128xf32, #tpu.memory_space<vmem>>, vector<1x128xf32>
    %add3A_37 = arith.addf %dot_general3A_33, %get3A_36 : vector<1x128xf32>
    %max3A_38 = arith.constant 0.000000e+00 : f32
    %max3A_39 = vector.broadcast %max3A_38 : f32 to vector<1x128xf32>
    %max3A_40 = arith.maximumf %add3A_37, %max3A_39 : vector<1x128xf32>
    %get3A_41 = arith.constant 0 : index
    %get3A_42 = arith.constant 0 : index
    %get3A_43 = vector.load %arg6[%get3A_41, %get3A_42] : memref<128x128xf32, #tpu.memory_space<vmem>>, vector<128x128xf32>
    %dot_general3A_44 = arith.constant dense<0.000000e+00> : vector<1x128xf32>
    %dot_general3A_45 = tpu.matmul %max3A_40, %get3A_43, %dot_general3A_44 {dimension_numbers = #tpu.dot_dimension_numbers<[1], [0], [0], [1], [0, 0, 1, 1], [], []>, transpose_lhs_hint = false} : vector<1x128xf32>, vector<128x128xf32>, vector<1x128xf32> -> vector<1x128xf32>
    %get3A_46 = arith.constant 0 : index
    %get3A_47 = arith.constant 0 : index
    %get3A_48 = vector.load %arg7[%get3A_46, %get3A_47] : memref<1x128xf32, #tpu.memory_space<vmem>>, vector<1x128xf32>
    %add3A_49 = arith.addf %dot_general3A_45, %get3A_48 : vector<1x128xf32>
    %max3A_50 = arith.constant 0.000000e+00 : f32
    %max3A_51 = vector.broadcast %max3A_50 : f32 to vector<1x128xf32>
    %max3A_52 = arith.maximumf %add3A_49, %max3A_51 : vector<1x128xf32>
    %get3A_53 = arith.constant 0 : index
    %get3A_54 = arith.constant 0 : index
    %get3A_55 = vector.load %arg8[%get3A_53, %get3A_54] : memref<128x1xf32, #tpu.memory_space<vmem>>, vector<128x1xf32>
    %dot_general3A_56 = arith.constant dense<0.000000e+00> : vector<1x1xf32>
    %dot_general3A_57 = tpu.matmul %max3A_52, %get3A_55, %dot_general3A_56 {dimension_numbers = #tpu.dot_dimension_numbers<[1], [0], [0], [1], [0, 0, 1, 1], [], []>, transpose_lhs_hint = false} : vector<1x128xf32>, vector<128x1xf32>, vector<1x1xf32> -> vector<1x1xf32>
    %get3A_58 = arith.constant 0 : index
    %get3A_59 = arith.constant 0 : index
    %get3A_60 = vector.load %arg9[%get3A_58, %get3A_59] : memref<1x1xf32, #tpu.memory_space<vmem>>, vector<1x1xf32>
    %add3A_61 = arith.addf %dot_general3A_57, %get3A_60 : vector<1x1xf32>
    %swap3A = arith.constant 0 : index
    %swap3A_62 = arith.constant 0 : index
    %swap3A_63 = vector.load %arg10[%swap3A, %swap3A_62] : memref<1x1xf32, #tpu.memory_space<vmem>>, vector<1x1xf32>
    tpu.vector_store %arg10[%swap3A, %swap3A_62], %add3A_61 {strides = array<i32>} : memref<1x1xf32, #tpu.memory_space<vmem>>, vector<1x1xf32>,
    return
  }
}

</mosaic_0001>

<sc_bundles>
// kernel: kernel.11.cloned.1.call-start
scs
__scs_entry_jumppad:
0x0: {  	(pc) =	sbr.rel $0x88, $3  }
0x1: {  	(tag) =	ssettag $0x0;
	lr =	simm.s32 $0x1  }
0x2: {  	[smem:$0x3F95] =	sst lr;
	_ =	strace $0xD0000000  }
0x3: {  	_ = 	snop  }
0x4: {  	_ = 	snop  }
0x5: {  	_ = 	snop  }
0x6: {  	_ = 	snop  }
0x7: {  	_ = 	snop  }
__scs_overlays_trampoline_lowered:
0x8: {  	[smem:$0x3FA4] =	sst s0  }
0x9: {  	[smem:$0x3FA5] =	sst s1  }
0xa: {  	[smem:$0x3FA6] =	sst s2  }
0xb: {  	[smem:$0x3FA7] =	sst s3  }
0xc: {  	[smem:$0x3FA8] =	sst s4  }
0xd: {  	[smem:$0x3FA9] =	sst s5  }
0xe: {  	[smem:$0x3FAA] =	sst s6  }
0xf: {  	[smem:$0x3FAB] =	sst s7  }
0x10: {  	[smem:$0x3FAC] =	sst s8  }
0x11: {  	[smem:$0x3FAD] =	sst s9;
	s0 =	simm.s32 @!p0 $0x0  }
0x12: {  	s1 =	sld [smem:$0x3F93];
	s0 =	simm.s32 @p0 $0x1  }
0x13: {  	[smem:$0x3FAE] =	sst s0;
	s0 =	simm.s32 @!p1 $0x0  }
0x14: {  	s2 =	sld [smem:$0x3F92];
	s0 =	simm.s32 @p1 $0x1  }
0x15: {  	[smem:$0x3FAF] =	sst s0;
	s0 =	simm.s32 @!p2 $0x0  }
0x16: {  	s3 =	sld [smem:$0x3FDB];
	s0 =	simm.s32 @p2 $0x1  }
0x17: {  	s4 =	simm.s32 $0x1BF5;
	[smem:$0x3FB1] =	sst s0  }
0x18: {  	s0 =	sld [smem:$0x3F94];
	_ =	swait.ge [sflag:s4], $0x0  }
0x19: {  	s7 =	sld [smem:$0x3F95]  }
0x1a: {  	s8 =	sadd.s32 $0xFFFFE003, lr  }
0x1b: {  	s9 =	sadd.s32 $0xFFFFFEF7, lr;
	s5 =	simm.s32 $0xFFFFFFFF;
	p2 =	slt.u32 s8, $0xFFFFF086  }
0x1c: {  	p1 =	slt.u32 s9, $0xF7A;
	s5 =	simm.s32 @!p2 $0x0  }
0x1d: {  	s5 =	simm.s32 @p1 $0x1;
	p0 =	seq.s32 s7, s2  }
0x1e: {  	s7 =	smul.u32 @!p0 $0xF7A, s2;
	p2 =	seq.s32 @!p0 s5, $0x0  }
0x1f: {  	s9 =	smul.u32 $0xF7A, s1;
	s8 =	simm.s32 @!p0 $0x1BF5;
	p2 =	por !p2, p0  }
0x20: {  	[sflag:s8] =	ssyncset.s32 @!p0 $0xFFFFF086;
	s6 =	sadd.s32 @!p0 s3, s7;
	s7 =	simm.s32 @!p0 $0x108  }
0x21: {  	s3 =	sadd.s32 s3, s9;
	s6 =	sadd.s32 @!p0 $0x88, s6;
	s7 =	simm.s32 @p2 $0x1082  }
0x22: {  	[simem:s7], [sflag:s8] =	dma.local @!p0 [hbm:s6], $0xF7A  }
0x23: {  	s9 =	sor.u32 $0xD0000000, s2;
	s6 =	simm.s32 $0x108;
	_ =	swait.ge @!p0 [sflag:s8], $0x0  }
0x24: {  	s3 =	sadd.s32 $0x88, s3;
	s6 =	simm.s32 @!p1 $0x1082;
	[sflag:s4] =	ssyncset.s32 $0xFFFFF086  }
0x25: {  	[simem:s6], [sflag:s4] =	dma.local [hbm:s3], $0xF7A  }
0x26: {  	[smem:$0x3F95] =	sst s1;
	(tag) =	ssettag s2;
	_ =	strace s9  }
0x27: {  	s1 =	sld [smem:$0x3FA5]  }
0x28: {  	s2 =	sld [smem:$0x3FA6]  }
0x29: {  	s4 =	sld [smem:$0x3FA8]  }
0x2a: {  	p0 =	seq.s32 s5, $0x0;
	s5 =	sld [smem:$0x3FA9]  }
0x2b: {  	s6 =	sld [smem:$0x3FAA]  }
0x2c: {  	s7 =	sld [smem:$0x3FAB]  }
0x2d: {  	s3 =	simm.s32 $0x108;
	s8 =	sld [smem:$0x3FAC]  }
0x2e: {  	s3 =	simm.s32 @!p0 $0x1082;
	s9 =	sld [smem:$0x3FAD]  }
0x2f: {  	lr =	sadd.s32 s0, s3;
	s0 =	sld [smem:$0x3FA4]  }
0x30: {  	s3 =	sld [smem:$0x3FA7]  }
0x31: {  	[smem:$0x3FB0] =	sst s10  }
0x32: {  	s10 =	sld [smem:$0x3FAE];
	_ =	sdelay $0x3  }
0x33: {  	p0 =	seq.s32 s10, $0x1;
	s10 =	sld [smem:$0x3FB0];
	_ =	sdelay $0x3  }
0x34: {  	[smem:$0x3FB0] =	sst s10  }
0x35: {  	s10 =	sld [smem:$0x3FAF];
	_ =	sdelay $0x3  }
0x36: {  	p1 =	seq.s32 s10, $0x1;
	s10 =	sld [smem:$0x3FB0];
	_ =	sdelay $0x3  }
0x37: {  	[smem:$0x3FB0] =	sst s10  }
0x38: {  	s10 =	sld [smem:$0x3FB1]  }
0x39: {  	_ = 	snop;
	(pc) =	sbr.ind lr, $3  }
0x3a: {  	_ = 	snop  }
0x3b: {  	_ = 	snop  }
0x3c: {  	p2 =	seq.s32 s10, $0x1;
	s10 =	sld [smem:$0x3FB0]  }
0x3d: {  	_ =	shalt  }
0x3e: {  	_ =	shalt  }
0x3f: {  	_ =	shalt  }
0x40: {  	_ =	shalt  }
0x41: {  	_ =	shalt  }
0x42: {  	_ =	shalt  }
0x43: {  	_ =	shalt  }
0x44: {  	_ =	shalt  }
0x45: {  	_ =	shalt  }
0x46: {  	_ =	shalt  }
0x47: {  	_ =	shalt  }
0x48: {  	_ =	shalt  }
0x49: {  	_ =	shalt  }
0x4a: {  	_ =	shalt  }
0x4b: {  	_ =	shalt  }
0x4c: {  	_ =	shalt  }
0x4d: {  	_ =	shalt  }
0x4e: {  	_ =	shalt  }
0x4f: {  	_ =	shalt  }
0x50: {  	_ =	shalt  }
0x51: {  	_ =	shalt  }
0x52: {  	_ =	shalt  }
0x53: {  	_ =	shalt  }
0x54: {  	_ =	shalt  }
0x55: {  	_ =	shalt  }
0x56: {  	_ =	shalt  }
0x57: {  	_ =	shalt  }
0x58: {  	_ =	shalt  }
0x59: {  	_ =	shalt  }
0x5a: {  	_ =	shalt  }
0x5b: {  	_ =	shalt  }
0x5c: {  	_ =	shalt  }
0x5d: {  	_ =	shalt  }
0x5e: {  	_ =	shalt  }
0x5f: {  	_ =	shalt  }
0x60: {  	_ =	shalt  }
0x61: {  	_ =	shalt  }
0x62: {  	_ =	shalt  }
0x63: {  	_ =	shalt  }
0x64: {  	_ =	shalt  }
0x65: {  	_ =	shalt  }
0x66: {  	_ =	shalt  }
0x67: {  	_ =	shalt  }
0x68: {  	_ =	shalt  }
0x69: {  	_ =	shalt  }
0x6a: {  	_ =	shalt  }
0x6b: {  	_ =	shalt  }
0x6c: {  	_ =	shalt  }
0x6d: {  	_ =	shalt  }
0x6e: {  	_ =	shalt  }
0x6f: {  	_ =	shalt  }
0x70: {  	_ =	shalt  }
0x71: {  	_ =	shalt  }
0x72: {  	_ =	shalt  }
0x73: {  	_ =	shalt  }
0x74: {  	_ =	shalt  }
0x75: {  	_ =	shalt  }
0x76: {  	_ =	shalt  }
0x77: {  	_ =	shalt  }
0x78: {  	_ =	shalt  }
0x79: {  	_ =	shalt  }
0x7a: {  	_ =	shalt  }
0x7b: {  	_ =	shalt  }
0x7c: {  	_ =	shalt  }
0x7d: {  	_ =	shalt  }
0x7e: {  	_ =	shalt  }
0x7f: {  	_ =	shalt  }
0x80: {  	_ =	shalt  }
0x81: {  	_ =	shalt  }
0x82: {  	_ =	shalt  }
0x83: {  	_ =	shalt  }
0x84: {  	_ =	shalt  }
0x85: {  	_ =	shalt  }
0x86: {  	_ =	shalt  }
0x87: {  	_ =	shalt  }
.Lfunc_end0:
.L_simem_size_0:
called_computation.1_lowered:
.L_overlay_start_0:
0x88: {  	s2 =	sld [smem:$0x3FD9]  }
0x89: {  	s3 =	sld [smem:$0x3FFE];
	_ =	sdelay $0x1  }
0x8a: {  	s1 =	srdreg.scid  }
0x8b: {  	s0 =	sand.u32 $0x1, s1  }
0x8c: {  	s16 =	sshll.u32 s0, $0xA;
	s2 =	sadd.s32 s3, s2  }
0x8d: {  	s2 =	sadd.s32 s2, s16  }
0x8e: {  	[smem:$0x3FBC] =	sst s2  }
0x8f: {  	_ = 	snop  }
0x90: {  	(tm) =	ssettm $0x1  }
0x91: {  	s17 =	sld [smem:$0x3FFB];
	_ =	sdelay $0x3  }
0x92: {  	_ =	strace s17  }
0x93: {  	s2 =	sld [smem:$0x3FFC];
	_ =	sdelay $0x3  }
0x94: {  	_ =	strace s2  }
0x95: {  	s2 =	sld [smem:$0x3FFD];
	_ =	sdelay $0x3  }
0x96: {  	_ =	strace s2  }
0x97: {  	_ =	strace $0x8FFFFFFF  }
0x98: {  	s18 =	sld [smem:$0x3FDB];
	_ =	sdelay $0x1  }
0x99: {  	s19 =	simm.s32 $_scs_section_size  }
0x9a: {  	s4 =	simm.s32 $_size__tile_overlayer_lowered;
	s5 =	simm.s32 $_tile_overlayer_lowered  }
0x9b: {  	s22 =	simm.s32 $0x1BFF;
	s21 =	sshll.u32 s5, $0x1;
	s2 =	sadd.s32 s19, s18  }
0x9c: {  	s6 =	simm.s32 $0x0;
	s20 =	sshll.u32 s4, $0x1;
	s4 =	sadd.s32 s21, s2  }
0x9d: {  	[timem:s6], [sflag:s22] =	dma.local [hbm:s4], s20  }
0x9e: {  	_ =	swait.ge [sflag:s22], s20  }
0x9f: {  	s3 =	ssub.s32 $0x0, s20;
	[sflag:s22] =	ssyncset.done $0x0  }
0xa0: {  	[sflag:s22] =	ssyncadd.s32 s3;
	_ =	sdelay $0x1  }
0xa1: {  	s23 =	simm.s32 $0x1B8B  }
0xa2: {  	_ =	swait.ge [sflag:s23], $0x1  }
0xa3: {  	[sflag:s23] =	ssyncset.done $0x0  }
0xa4: {  	s25 =	simm.s32 $0x1B8E;
	s24 =	sld [smem:$0x3FFE];
	[sflag:s23] =	ssyncadd.s32 $0xFFFFFFFF  }
0xa5: {  	s26 =	simm.s32 $execute0_lowered;
	[smem:$0x3FD2] =	sst s25  }
0xa6: {  	s4 =	sshll.u32 s26, $0x1;
	_ =	strace $0x80000049;
	[dreg:$0x1] =	wrdreg $0xFFFFFFFF  }
0xa7: {  	s28 =	simm.s32 $_size_execute0_lowered;
	s2 =	sadd.s32 s2, s4;
	[dreg:$0x0] =	wrdreg $0x0  }
0xa8: {  	s4 =	sshll.u32 s28, $0x1;
	[dreg:$0x2] =	wrdreg s2  }
0xa9: {  	[dreg:$0x3] =	wrdreg s4  }
0xaa: {  	[dreg:$0x4] =	wrdreg $0xC0  }
0xab: {  	_ =	task [dreg:s6], $0x5FFFF  }
0xac: {  	[dreg:$0x1] =	wrdreg $0xFFFFFFFF  }
0xad: {  	[dreg:$0x0] =	wrdreg $0x60  }
0xae: {  	[dreg:$0x2] =	wrdreg s24  }
0xaf: {  	[dreg:$0x3] =	wrdreg $0xA4000  }
0xb0: {  	[dreg:$0x4] =	wrdreg $0x9  }
0xb1: {  	_ =	task.clear_ibuf [dreg:s6], $0x5FFFF;
	_ =	strace $0x90000049  }
0xb2: {  	s29 =	simm.s32 $0x9;
	_ =	strace $0x8000004B  }
0xb3: {  	_ =	swait.ge [sflag:s29], $0x1  }
0xb4: {  	[sflag:s29] =	ssyncadd.s32 $0xFFFFFFFF  }
0xb5: {  	_ =	strace $0x9000004B  }
0xb6: {  	_ =	sfence  }
0xb7: {  	s30 =	sld [smem:$0x0];
	_ =	sdelay $0x2  }
0xb8: {  	s31 =	sshll.u32 s1, $0xD;
	s1 =	sshrl.u32 s1, $0x2  }
0xb9: {  	s3 =	sand.u32 $0x4000, s31;
	s1 =	sadd.s32 s1, s30  }
0xba: {  	s0 =	sor.u32 s3, s0;
	s1 =	sshll.u32 s1, $0x11  }
0xbb: {  	s0 =	sor.u32 s1, s0  }
0xbc: {  	s0 =	sadd.s32 $0x8F2B, s0  }
0xbd: {  	[sflag:s0] =	ssyncadd.remote.s32 $0x1  }
0xbe: {  	_ =	sfence.sel $0xFFFF  }
0xbf: {  	[dreg:$0x0] =	wrdreg $0xFFFFFFFF;
	(pc) =	sbr.abs _section_cstart, $3  }
0xc0: {  	[dreg:$0x1] =	wrdreg $0xFFFFFFFF  }
0xc1: {  	_ =	task.clear_ibuf [dreg:s6], $0x2FFFF;
	_ =	strace $0x9FFFFFFF  }
0xc2: {  	(tm) =	ssettm $0x7FFFFFFF  }
0xc3: {  	_ =	shalt  }
tec
execute0_lowered:
.L_overlay_start_1:
0x0: {  	(tag) =	ssettag $0x1  }
0x1: {  	s6 =	rddreg [dreg:$0x0]  }
0x2: {  	s1 =	rddreg [dreg:$0x1];
	s2 =	simm.s32 $0x0;
	s0 =	stileid.u32  }
0x3: {  	s5 =	srdreg.scid;
	s29 =	simm.s32 $0x280;
	s30 =	simm.s32 $0x2C00  }
0x4: {  	[smem:$0x7FF] =	sst s2;
	s7 =	smul.u32 $0x2700, s0;
	s3 =	sadd.s32 $0x8C800, s6  }
0x5: {  	s4 =	sadd.s32 $0x3200, s6;
	s9 =	sand.u32 $0x1, s5;
	s5 =	sadd.s32 $0xD000, s6  }
0x6: {  	s13 =	smul.u32 $0x4E000, s0;
	s14 =	sadd.s32 $0xB3A00, s6;
	s19 =	sshll.u32 s0, $0x6  }
0x7: {  	s20 =	sadd.s32 $0x138000, s1;
	s15 =	smul.u32 $0x2710, s0;
	p0 =	sne.s32 s0, $0x0  }
0x8: {  	_ =	strace $0x8000004A;
	s10 =	ssub.s32 $0x2, s9;
	s23 =	smul.u32 $0x27100, s9  }
0x9: {  	s12 =	sshll.u32 s9, $0x4;
	[dreg:$0xc] =	wrdreg s20;
	s9 =	smul.u32 $0x138800, s9  }
0xa: {  	s8 =	sadd.s32 s7, s6;
	s11 =	sshrl.u32 s10, $0x1;
	s17 =	sor.u32 s0, s12  }
0xb: {  	s18 =	sshrl.u32 s13, $0x2;
	s6 =	sadd.s32 $0x3DE00, s6;
	s10 =	ssub.s32 s10, s11  }
0xc: {  	s11 =	smul.u32 $0x2710, s17;
	s12 =	sadd.s32 s18, s1;
	[dreg:$0xd] =	wrdreg s6  }
0xd: {  	s8 =	sadd.s32 $0x16E00, s8;
	s31 =	sadd.s32 s15, s23;
	[dreg:$0x9] =	wrdreg s12  }
0xe: {  	s7 =	sadd.s32 s7, s23;
	[dreg:$0xa] =	wrdreg s8;
	s8 =	sor.u32 $0x1C09, s19  }
0xf: {  	s15 =	sadd.s32 $0x190, s31;
	s7 =	sadd.s32 s14, s7;
	s18 =	sadd.s32 $0x230, s31  }
0x10: {  	s21 =	sshrl.u32 s11, $0x3;
	[dreg:$0x14] =	wrdreg s7;
	s19 =	sshrl.u32 s18, $0x3  }
0x11: {  	[dreg:$0xb] =	wrdreg s8;
	s11 =	sadd.s32 s4, s21;
	s22 =	sadd.s32 s5, s21  }
0x12: {  	s24 =	sadd.s32 $0xA, s21;
	s25 =	sadd.s32 $0x14, s21;
	[dreg:$0xe] =	wrdreg s11  }
0x13: {  	s6 =	sadd.s32 $0x1E, s21;
	s20 =	sadd.s32 s19, s5;
	[dreg:$0xf] =	wrdreg s22  }
0x14: {  	s21 =	sadd.s32 $0x1E0, s31;
	s31 =	sadd.s32 $0x140, s31;
	[dreg:$0x5] =	wrdreg s20  }
0x15: {  	s0 =	simm.s32 $0x300;
	s16 =	sadd.s32 s4, s24;
	[dreg:$0x19] =	wrdreg s31  }
0x16: {  	s13 =	simm.s32 $0x3;
	s12 =	sadd.s32 s5, s24;
	[dreg:$0x10] =	wrdreg s16  }
0x17: {  	s17 =	sshrl.u32 s15, $0x3;
	s26 =	sadd.s32 s4, s25;
	[dreg:$0x11] =	wrdreg s12  }
0x18: {  	s15 =	simm.s32 $0x5;
	s28 =	sadd.s32 s5, s25;
	[dreg:$0x12] =	wrdreg s26  }
0x19: {  	s11 =	sadd.s32 s17, s5;
	s22 =	sadd.s32 s19, s4;
	[dreg:$0x13] =	wrdreg s28  }
0x1a: {  	s23 =	sshrl.u32 s21, $0x3;
	s24 =	sadd.s32 s4, s6;
	[dreg:$0x3] =	wrdreg s11  }
0x1b: {  	s6 =	sadd.s32 s5, s6;
	s19 =	simm.s32 $0x0;
	[dreg:$0x15] =	wrdreg s24  }
0x1c: {  	s16 =	sshrl.u32 s9, $0x3;
	s9 =	sadd.s32 s17, s4;
	[dreg:$0x6] =	wrdreg s22  }
0x1d: {  	s25 =	sadd.s32 s23, s5;
	[dreg:$0x16] =	wrdreg s6;
	s26 =	sadd.s32 s23, s4  }
0x1e: {  	s28 =	smax.u32 s10, $0x1;
	s23 =	simm.s32 $0x9;
	[dreg:$0x4] =	wrdreg s9  }
0x1f: {  	s24 =	simm.s32 $0x200;
	s6 =	simm.s32 $0x5400;
	[dreg:$0x7] =	wrdreg s25  }
0x20: {  	s10 =	simm.s32 $0x7C00;
	s11 =	simm.s32 $0x1;
	[dreg:$0x18] =	wrdreg s28  }
0x21: {  	s12 =	simm.s32 $0x2;
	s7 =	sadd.s32 s14, s16;
	[dreg:$0x8] =	wrdreg s26  }
0x22: {  	s25 =	simm.s32 $0x50;
	s26 =	simm.s32 $0x400;
	s7 =	sadd.s32 $0x27000, s7  }
0x23: {  	s9 =	simm.s32 $0x380;
	s14 =	simm.s32 $0x4;
	[dreg:$0x17] =	wrdreg s7  }
.LBB2_1:
0x24: {  	s7 =	rddreg [dreg:$0x9]  }
0x25: {  	s22 =	rddreg [dreg:$0xa];
	s16 =	sshrl.u32 s7, $0x3  }
0x26: {  	[dreg:$0x1a] =	wrdreg s16  }
0x27: {  	[spmem:s16], [sflag:s8] =	dma.local [hbm:s22], $0x2700  }
0x28: {  	_ =	swait.ge [sflag:s23], $0x2700  }
0x29: {  	s7 =	rddreg [dreg:$0xc]  }
0x2a: {  	[sflag:s23] =	ssyncset.done $0x0;
	s16 =	sshrl.u32 @!p0 s7, $0x3;
	s7 =	rddreg [dreg:$0xd]  }
0x2b: {  	[sflag:s23] =	ssyncadd.s32 $0xFFFFD900;
	[dreg:$0x1b] =	wrdreg s16  }
0x2c: {  	[spmem:s16], [sflag:s8] =	dma.local @!p0 [hbm:s7], $0x100  }
0x2d: {  	s7 =	simm.s32 @!p0 $0x9  }
0x2e: {  	_ =	swait.ge @!p0 [sflag:s7], $0x100  }
0x2f: {  	[sflag:s7] =	ssyncset.done @!p0 $0x0  }
0x30: {  	[sflag:s7] =	ssyncadd.s32 @!p0 $0xFFFFFF00  }
0x31: {  	[bflag:$0x0] =	sbarrier.arrive $0xFFFF  }
0x32: {  	s8 =	rddreg [dreg:$0xe]  }
0x33: {  	[tilespmem:s2], [sflag:$0x9] =	stream.linear.gather [hbm4b:s8+s2], $0x50, $0x38;
	[tilespmem:$0x1DC80] =	vst v63  }
0x34: {  	_ =	swait.ge [sflag:s23], $0x50  }
0x35: {  	[sflag:s23] =	ssyncset.done $0x0  }
0x36: {  	s16 =	rddreg [dreg:$0xf];
	[sflag:s23] =	ssyncadd.s32 $0xFFFFFFB0  }
0x37: {  	[tilespmem:s24], [sflag:$0x9] =	stream.linear.gather [hbm4b:s16+s2], $0x50, $0x38;
	[tilespmem:$0x1DC80] =	vst v63  }
0x38: {  	_ =	swait.ge [sflag:s23], $0x50  }
0x39: {  	[sflag:s23] =	ssyncset.done $0x0  }
0x3a: {  	[sflag:s23] =	ssyncadd.s32 $0xFFFFFFB0  }
0x3b: {  	[tilespmem:s26], [sflag:$0x1] =	stream.indirect.gather [hbm4b:s3+s25], $0x80, s2, s25, $0xb8;
	[tilespmem:$0x1DC80] =	vst v63  }
0x3c: {  	s18 =	simm.s32 $0x80;
	s17 =	rddreg [dreg:$0x10]  }
0x3d: {  	[tilespmem:s18], [sflag:$0x9] =	stream.linear.gather [hbm4b:s17+s2], $0x50, $0x38;
	[tilespmem:$0x1DC80] =	vst v63  }
0x3e: {  	_ =	swait.ge [sflag:s23], $0x50  }
0x3f: {  	[sflag:s23] =	ssyncset.done $0x0  }
0x40: {  	s20 =	rddreg [dreg:$0x11];
	[sflag:s23] =	ssyncadd.s32 $0xFFFFFFB0  }
0x41: {  	[tilespmem:s29], [sflag:$0x9] =	stream.linear.gather [hbm4b:s20+s2], $0x50, $0x38;
	[tilespmem:$0x1DC80] =	vst v63  }
0x42: {  	_ =	swait.ge [sflag:s23], $0x50  }
0x43: {  	[sflag:s23] =	ssyncset.done $0x0  }
0x44: {  	[sflag:s23] =	ssyncadd.s32 $0xFFFFFFB0  }
0x45: {  	[tilespmem:s30], [sflag:$0x2] =	stream.indirect.gather [hbm4b:s3+s25], $0x80, s18, s25, $0xb8;
	[tilespmem:$0x1DC80] =	vst v63  }
0x46: {  	s22 =	simm.s32 $0x100;
	s21 =	rddreg [dreg:$0x12]  }
0x47: {  	[tilespmem:s22], [sflag:$0x9] =	stream.linear.gather [hbm4b:s21+s2], $0x50, $0x38;
	[tilespmem:$0x1DC80] =	vst v63  }
0x48: {  	_ =	swait.ge [sflag:s23], $0x50  }
0x49: {  	[sflag:s23] =	ssyncset.done $0x0  }
0x4a: {  	s16 =	rddreg [dreg:$0x13];
	[sflag:s23] =	ssyncadd.s32 $0xFFFFFFB0  }
0x4b: {  	[tilespmem:s0], [sflag:$0x9] =	stream.linear.gather [hbm4b:s16+s2], $0x50, $0x38;
	[tilespmem:$0x1DC80] =	vst v63  }
0x4c: {  	_ =	swait.ge [sflag:s23], $0x50  }
0x4d: {  	[sflag:s23] =	ssyncset.done $0x0  }
0x4e: {  	[sflag:s23] =	ssyncadd.s32 $0xFFFFFFB0  }
0x4f: {  	[tilespmem:s6], [sflag:$0x3] =	stream.indirect.gather [hbm4b:s3+s25], $0x80, s22, s25, $0xb8;
	[tilespmem:$0x1DC80] =	vst v63  }
0x50: {  	s18 =	simm.s32 $0x180;
	s17 =	rddreg [dreg:$0x15]  }
0x51: {  	[tilespmem:s18], [sflag:$0x9] =	stream.linear.gather [hbm4b:s17+s2], $0x50, $0x38;
	[tilespmem:$0x1DC80] =	vst v63  }
0x52: {  	_ =	swait.ge [sflag:s23], $0x50  }
0x53: {  	[sflag:s23] =	ssyncset.done $0x0  }
0x54: {  	s20 =	rddreg [dreg:$0x16];
	[sflag:s23] =	ssyncadd.s32 $0xFFFFFFB0  }
0x55: {  	[tilespmem:s9], [sflag:$0x9] =	stream.linear.gather [hbm4b:s20+s2], $0x50, $0x38;
	[tilespmem:$0x1DC80] =	vst v63  }
0x56: {  	_ =	swait.ge [sflag:s23], $0x50  }
0x57: {  	[sflag:s23] =	ssyncset.done $0x0  }
0x58: {  	[sflag:s23] =	ssyncadd.s32 $0xFFFFFFB0  }
0x59: {  	[tilespmem:s10], [sflag:$0x4] =	stream.indirect.gather [hbm4b:s3+s25], $0x80, s18, s25, $0xb8;
	[tilespmem:$0x1DC80] =	vst v63  }
0x5a: {  	_ =	swait.ge [sflag:s11], $0x2800  }
0x5b: {  	[sflag:s11] =	ssyncset.done $0x0  }
0x5c: {  	[sflag:s11] =	ssyncadd.s32 $0xFFFFD800  }
0x5d: {  	[spmem:s1] =	stream.indirect.scatter.add.f32 [tilespmem:s26], [sflag:$0x5], $0x80, s24, s25, $0xb8;
	[tilespmem:$0x1DC80] =	vst v63  }
0x5e: {  	_ =	swait.ge [sflag:s12], $0x2800  }
0x5f: {  	[sflag:s12] =	ssyncset.done $0x0  }
0x60: {  	[sflag:s12] =	ssyncadd.s32 $0xFFFFD800  }
0x61: {  	[spmem:s1] =	stream.indirect.scatter.add.f32 [tilespmem:s30], [sflag:$0x6], $0x80, s29, s25, $0xb8;
	[tilespmem:$0x1DC80] =	vst v63  }
0x62: {  	_ =	swait.ge [sflag:s13], $0x2800  }
0x63: {  	[sflag:s13] =	ssyncset.done $0x0  }
0x64: {  	[sflag:s13] =	ssyncadd.s32 $0xFFFFD800  }
0x65: {  	[spmem:s1] =	stream.indirect.scatter.add.f32 [tilespmem:s6], [sflag:$0x7], $0x80, s0, s25, $0xb8;
	[tilespmem:$0x1DC80] =	vst v63  }
0x66: {  	_ =	swait.ge [sflag:s14], $0x2800  }
0x67: {  	[sflag:s14] =	ssyncset.done $0x0  }
0x68: {  	[sflag:s14] =	ssyncadd.s32 $0xFFFFD800  }
0x69: {  	[spmem:s1] =	stream.indirect.scatter.add.f32 [tilespmem:s10], [sflag:$0x8], $0x80, s9, s25, $0xb8;
	[tilespmem:$0x1DC80] =	vst v63  }
0x6a: {  	_ =	swait.ge [sflag:s15], $0x2800  }
0x6b: {  	s8 =	rddreg [dreg:$0x19]  }
0x6c: {  	[sflag:s15] =	ssyncset.done $0x0;
	s21 =	sshrl.u32 s8, $0x3  }
0x6d: {  	[sflag:s15] =	ssyncadd.s32 $0xFFFFD800;
	s22 =	sadd.s32 s4, s21  }
0x6e: {  	[tilespmem:s2], [sflag:$0x9] =	stream.linear.gather [hbm4b:s22+s2], $0x50, $0x38;
	[tilespmem:$0x1DC80] =	vst v63  }
0x6f: {  	_ =	swait.ge [sflag:s23], $0x50  }
0x70: {  	[sflag:s23] =	ssyncset.done $0x0  }
0x71: {  	s7 =	sadd.s32 s5, s21;
	[sflag:s23] =	ssyncadd.s32 $0xFFFFFFB0  }
0x72: {  	[tilespmem:s24], [sflag:$0x9] =	stream.linear.gather [hbm4b:s7+s2], $0x50, $0x38;
	[tilespmem:$0x1DC80] =	vst v63  }
0x73: {  	_ =	swait.ge [sflag:s23], $0x50  }
0x74: {  	p1 =	por $0x0, $0x0;
	[sflag:s23] =	ssyncset.done $0x0  }
0x75: {  	s7 =	simm.s32 @!p1 $0x6;
	[sflag:s23] =	ssyncadd.s32 $0xFFFFFFB0  }
0x76: {  	[tilespmem:s26], [sflag:$0x1] =	stream.indirect.gather [hbm4b:s3+s25], $0x80, s2, s25, $0xb8;
	[tilespmem:$0x1DC80] =	vst v63  }
0x77: {  	s17 =	simm.s32 @!p1 $0x9;
	_ =	swait.ge @!p1 [sflag:s7], $0x2800  }
0x78: {  	s20 =	simm.s32 @!p1 $0x80;
	s16 =	rddreg [dreg:$0x4];
	[sflag:s7] =	ssyncset.done @!p1 $0x0  }
0x79: {  	[sflag:s7] =	ssyncadd.s32 @!p1 $0xFFFFD800;
	s7 =	simm.s32 @!p1 $0x0;
	s16 =	sadd.s32 @!p1 $0x0, s16  }
0x7a: {  	[tilespmem:s20], [sflag:$0x9] =	stream.linear.gather @!p1 [hbm4b:s16+s7], $0x50, $0x38;
	[tilespmem:$0x1DC80] =	vst v63  }
0x7b: {  	_ =	swait.ge @!p1 [sflag:s17], $0x50  }
0x7c: {  	s16 =	rddreg [dreg:$0x3];
	[sflag:s17] =	ssyncset.done @!p1 $0x0  }
0x7d: {  	s18 =	simm.s32 @!p1 $0x280;
	[sflag:s17] =	ssyncadd.s32 @!p1 $0xFFFFFFB0;
	s16 =	sadd.s32 @!p1 $0x0, s16  }
0x7e: {  	[tilespmem:s18], [sflag:$0x9] =	stream.linear.gather @!p1 [hbm4b:s16+s7], $0x50, $0x38;
	[tilespmem:$0x1DC80] =	vst v63  }
0x7f: {  	_ =	swait.ge @!p1 [sflag:s17], $0x50  }
0x80: {  	s22 =	simm.s32 @!p1 $0x7;
	[sflag:s17] =	ssyncset.done @!p1 $0x0  }
0x81: {  	s18 =	simm.s32 @!p1 $0x50;
	s16 =	simm.s32 @!p1 $0x2C00;
	[sflag:s17] =	ssyncadd.s32 @!p1 $0xFFFFFFB0  }
0x82: {  	[tilespmem:s16], [sflag:$0x2] =	stream.indirect.gather @!p1 [hbm4b:s3+s18], $0x80, s20, s18, $0xb8;
	[tilespmem:$0x1DC80] =	vst v63  }
0x83: {  	_ =	swait.ge @!p1 [sflag:s22], $0x2800  }
0x84: {  	s16 =	rddreg [dreg:$0x8];
	[sflag:s22] =	ssyncset.done @!p1 $0x0  }
0x85: {  	s20 =	simm.s32 @!p1 $0x100;
	[sflag:s22] =	ssyncadd.s32 @!p1 $0xFFFFD800;
	s16 =	sadd.s32 @!p1 $0x0, s16  }
0x86: {  	[tilespmem:s20], [sflag:$0x9] =	stream.linear.gather @!p1 [hbm4b:s16+s7], $0x50, $0x38;
	[tilespmem:$0x1DC80] =	vst v63  }
0x87: {  	_ =	swait.ge @!p1 [sflag:s17], $0x50  }
0x88: {  	s16 =	rddreg [dreg:$0x7];
	[sflag:s17] =	ssyncset.done @!p1 $0x0  }
0x89: {  	s22 =	simm.s32 @!p1 $0x300;
	[sflag:s17] =	ssyncadd.s32 @!p1 $0xFFFFFFB0;
	s16 =	sadd.s32 @!p1 $0x0, s16  }
0x8a: {  	[tilespmem:s22], [sflag:$0x9] =	stream.linear.gather @!p1 [hbm4b:s16+s7], $0x50, $0x38;
	[tilespmem:$0x1DC80] =	vst v63  }
0x8b: {  	_ =	swait.ge @!p1 [sflag:s17], $0x50  }
0x8c: {  	[sflag:s17] =	ssyncset.done @!p1 $0x0  }
0x8d: {  	s16 =	simm.s32 @!p1 $0x5400;
	s22 =	simm.s32 @!p1 $0x8;
	[sflag:s17] =	ssyncadd.s32 @!p1 $0xFFFFFFB0  }
0x8e: {  	[tilespmem:s16], [sflag:$0x3] =	stream.indirect.gather @!p1 [hbm4b:s3+s18], $0x80, s20, s18, $0xb8;
	[tilespmem:$0x1DC80] =	vst v63  }
0x8f: {  	_ =	swait.ge @!p1 [sflag:s22], $0x2800  }
0x90: {  	s16 =	rddreg [dreg:$0x6];
	[sflag:s22] =	ssyncset.done @!p1 $0x0  }
0x91: {  	s20 =	simm.s32 @!p1 $0x180;
	[sflag:s22] =	ssyncadd.s32 @!p1 $0xFFFFD800;
	s16 =	sadd.s32 @!p1 $0x0, s16  }
0x92: {  	[tilespmem:s20], [sflag:$0x9] =	stream.linear.gather @!p1 [hbm4b:s16+s7], $0x50, $0x38;
	[tilespmem:$0x1DC80] =	vst v63  }
0x93: {  	_ =	swait.ge @!p1 [sflag:s17], $0x50  }
0x94: {  	s16 =	rddreg [dreg:$0x5];
	[sflag:s17] =	ssyncset.done @!p1 $0x0  }
0x95: {  	s22 =	simm.s32 @!p1 $0x380;
	[sflag:s17] =	ssyncadd.s32 @!p1 $0xFFFFFFB0;
	s16 =	sadd.s32 @!p1 $0x0, s16  }
0x96: {  	[tilespmem:s22], [sflag:$0x9] =	stream.linear.gather @!p1 [hbm4b:s16+s7], $0x50, $0x38;
	[tilespmem:$0x1DC80] =	vst v63  }
0x97: {  	s28 =	simm.s32 $0x28;
	s31 =	sadd.s32 $0x140, s8;
	_ =	swait.ge @!p1 [sflag:s17], $0x50  }
0x98: {  	s22 =	simm.s32 @!p1 $0x7C00;
	s7 =	simm.s32 $0x5;
	[sflag:s17] =	ssyncset.done @!p1 $0x0  }
.LBB2_2:
0x99: {  	[sflag:s17] =	ssyncadd.s32 @!p1 $0xFFFFFFB0  }
0x9a: {  	[tilespmem:s22], [sflag:$0x4] =	stream.indirect.gather @!p1 [hbm4b:s3+s18], $0x80, s20, s18, $0xb8;
	[tilespmem:$0x1DC80] =	vst v63  }
0x9b: {  	_ =	swait.ge [sflag:s11], $0x2800  }
0x9c: {  	[sflag:s11] =	ssyncset.done $0x0  }
0x9d: {  	[sflag:s11] =	ssyncadd.s32 $0xFFFFD800  }
0x9e: {  	[spmem:s1] =	stream.indirect.scatter.add.f32 [tilespmem:s26], [sflag:$0x5], $0x80, s24, s25, $0xb8;
	[tilespmem:$0x1DC80] =	vst v63  }
0x9f: {  	_ =	swait.ge [sflag:s12], $0x2800  }
0xa0: {  	[sflag:s12] =	ssyncset.done $0x0  }
0xa1: {  	[sflag:s12] =	ssyncadd.s32 $0xFFFFD800  }
0xa2: {  	[spmem:s1] =	stream.indirect.scatter.add.f32 [tilespmem:s30], [sflag:$0x6], $0x80, s29, s25, $0xb8;
	[tilespmem:$0x1DC80] =	vst v63  }
0xa3: {  	_ =	swait.ge [sflag:s13], $0x2800  }
0xa4: {  	[sflag:s13] =	ssyncset.done $0x0  }
0xa5: {  	[sflag:s13] =	ssyncadd.s32 $0xFFFFD800  }
0xa6: {  	[spmem:s1] =	stream.indirect.scatter.add.f32 [tilespmem:s6], [sflag:$0x7], $0x80, s0, s25, $0xb8;
	[tilespmem:$0x1DC80] =	vst v63  }
0xa7: {  	_ =	swait.ge [sflag:s14], $0x2800  }
0xa8: {  	[sflag:s14] =	ssyncset.done $0x0  }
0xa9: {  	[sflag:s14] =	ssyncadd.s32 $0xFFFFD800  }
0xaa: {  	[spmem:s1] =	stream.indirect.scatter.add.f32 [tilespmem:s10], [sflag:$0x8], $0x80, s9, s25, $0xb8;
	[tilespmem:$0x1DC80] =	vst v63  }
0xab: {  	_ =	swait.ge [sflag:s15], $0x2800  }
0xac: {  	s21 =	sshrl.u32 s31, $0x3;
	[sflag:s15] =	ssyncset.done $0x0  }
0xad: {  	s22 =	sadd.s32 s4, s21;
	[sflag:s15] =	ssyncadd.s32 $0xFFFFD800  }
0xae: {  	[tilespmem:s2], [sflag:$0x9] =	stream.linear.gather [hbm4b:s22+s2], $0x50, $0x38;
	[tilespmem:$0x1DC80] =	vst v63  }
0xaf: {  	_ =	swait.ge [sflag:s23], $0x50  }
0xb0: {  	[sflag:s23] =	ssyncset.done $0x0  }
0xb1: {  	s17 =	sadd.s32 s5, s21;
	[sflag:s23] =	ssyncadd.s32 $0xFFFFFFB0  }
0xb2: {  	[tilespmem:s24], [sflag:$0x9] =	stream.linear.gather [hbm4b:s17+s2], $0x50, $0x38;
	[tilespmem:$0x1DC80] =	vst v63  }
0xb3: {  	s7 =	sadd.s32 $0x4, s7;
	_ =	swait.ge [sflag:s23], $0x50  }
0xb4: {  	p1 =	sgt.u32 s7, $0x7C;
	[sflag:s23] =	ssyncset.done $0x0  }
0xb5: {  	s17 =	simm.s32 @!p1 $0x6;
	[sflag:s23] =	ssyncadd.s32 $0xFFFFFFB0  }
0xb6: {  	[tilespmem:s26], [sflag:$0x1] =	stream.indirect.gather [hbm4b:s3+s25], $0x80, s2, s25, $0xb8;
	[tilespmem:$0x1DC80] =	vst v63  }
0xb7: {  	s16 =	smov.u32 s28;
	s20 =	simm.s32 @!p1 $0x80;
	_ =	swait.ge @!p1 [sflag:s17], $0x2800  }
0xb8: {  	s22 =	simm.s32 @!p1 $0x0;
	[sflag:s17] =	ssyncset.done @!p1 $0x0;
	s18 =	rddreg [dreg:$0x4]  }
0xb9: {  	[sflag:s17] =	ssyncadd.s32 @!p1 $0xFFFFD800;
	s18 =	sadd.s32 @!p1 s16, s18;
	s17 =	simm.s32 @!p1 $0x9  }
0xba: {  	[tilespmem:s20], [sflag:$0x9] =	stream.linear.gather @!p1 [hbm4b:s18+s22], $0x50, $0x38;
	[tilespmem:$0x1DC80] =	vst v63  }
0xbb: {  	_ =	swait.ge @!p1 [sflag:s17], $0x50  }
0xbc: {  	[sflag:s17] =	ssyncset.done @!p1 $0x0;
	s18 =	rddreg [dreg:$0x3]  }
0xbd: {  	s21 =	simm.s32 @!p1 $0x280;
	[sflag:s17] =	ssyncadd.s32 @!p1 $0xFFFFFFB0;
	s18 =	sadd.s32 @!p1 s16, s18  }
0xbe: {  	[tilespmem:s21], [sflag:$0x9] =	stream.linear.gather @!p1 [hbm4b:s18+s22], $0x50, $0x38;
	[tilespmem:$0x1DC80] =	vst v63  }
0xbf: {  	_ =	swait.ge @!p1 [sflag:s17], $0x50  }
0xc0: {  	s8 =	simm.s32 @!p1 $0x7;
	[sflag:s17] =	ssyncset.done @!p1 $0x0  }
0xc1: {  	s18 =	simm.s32 @!p1 $0x50;
	s21 =	simm.s32 @!p1 $0x2C00;
	[sflag:s17] =	ssyncadd.s32 @!p1 $0xFFFFFFB0  }
0xc2: {  	[tilespmem:s21], [sflag:$0x2] =	stream.indirect.gather @!p1 [hbm4b:s3+s18], $0x80, s20, s18, $0xb8;
	[tilespmem:$0x1DC80] =	vst v63  }
0xc3: {  	_ =	swait.ge @!p1 [sflag:s8], $0x2800  }
0xc4: {  	[sflag:s8] =	ssyncset.done @!p1 $0x0;
	s20 =	rddreg [dreg:$0x8]  }
0xc5: {  	[sflag:s8] =	ssyncadd.s32 @!p1 $0xFFFFD800;
	s8 =	simm.s32 @!p1 $0x100;
	s20 =	sadd.s32 @!p1 s16, s20  }
0xc6: {  	[tilespmem:s8], [sflag:$0x9] =	stream.linear.gather @!p1 [hbm4b:s20+s22], $0x50, $0x38;
	[tilespmem:$0x1DC80] =	vst v63  }
0xc7: {  	_ =	swait.ge @!p1 [sflag:s17], $0x50  }
0xc8: {  	[sflag:s17] =	ssyncset.done @!p1 $0x0;
	s20 =	rddreg [dreg:$0x7]  }
0xc9: {  	s21 =	simm.s32 @!p1 $0x300;
	[sflag:s17] =	ssyncadd.s32 @!p1 $0xFFFFFFB0;
	s20 =	sadd.s32 @!p1 s16, s20  }
0xca: {  	[tilespmem:s21], [sflag:$0x9] =	stream.linear.gather @!p1 [hbm4b:s20+s22], $0x50, $0x38;
	[tilespmem:$0x1DC80] =	vst v63  }
0xcb: {  	_ =	swait.ge @!p1 [sflag:s17], $0x50  }
0xcc: {  	[sflag:s17] =	ssyncset.done @!p1 $0x0  }
0xcd: {  	s20 =	simm.s32 @!p1 $0x5400;
	s21 =	simm.s32 @!p1 $0x8;
	[sflag:s17] =	ssyncadd.s32 @!p1 $0xFFFFFFB0  }
0xce: {  	[tilespmem:s20], [sflag:$0x3] =	stream.indirect.gather @!p1 [hbm4b:s3+s18], $0x80, s8, s18, $0xb8;
	[tilespmem:$0x1DC80] =	vst v63  }
0xcf: {  	_ =	swait.ge @!p1 [sflag:s21], $0x2800  }
0xd0: {  	s28 =	sadd.s32 $0x28, s28;
	[sflag:s21] =	ssyncset.done @!p1 $0x0;
	s8 =	rddreg [dreg:$0x6]  }
0xd1: {  	s20 =	simm.s32 @!p1 $0x180;
	[sflag:s21] =	ssyncadd.s32 @!p1 $0xFFFFD800;
	s8 =	sadd.s32 @!p1 s16, s8  }
0xd2: {  	[tilespmem:s20], [sflag:$0x9] =	stream.linear.gather @!p1 [hbm4b:s8+s22], $0x50, $0x38;
	[tilespmem:$0x1DC80] =	vst v63  }
0xd3: {  	p2 =	sne.s32 s28, $0x4D8;
	_ =	swait.ge @!p1 [sflag:s17], $0x50  }
.Ltmp0:
0xd4: {  	[sflag:s17] =	ssyncset.done @!p1 $0x0;
	s8 =	rddreg [dreg:$0x5];
	(pc) =	sbr.rel @p2 .LBB2_2-.Ltmp0, $4  }
0xd5: {  	s21 =	simm.s32 @!p1 $0x380;
	[sflag:s17] =	ssyncadd.s32 @!p1 $0xFFFFFFB0;
	s8 =	sadd.s32 @!p1 s16, s8  }
0xd6: {  	[tilespmem:s21], [sflag:$0x9] =	stream.linear.gather @!p1 [hbm4b:s8+s22], $0x50, $0x38;
	[tilespmem:$0x1DC80] =	vst v63  }
0xd7: {  	_ =	swait.ge @!p1 [sflag:s17], $0x50  }
0xd8: {  	s31 =	sadd.s32 $0x140, s31;
	s22 =	simm.s32 @!p1 $0x7C00;
	[sflag:s17] =	ssyncset.done @!p1 $0x0  }
0xd9: {  	[sflag:s17] =	ssyncadd.s32 @!p1 $0xFFFFFFB0  }
0xda: {  	[tilespmem:s22], [sflag:$0x4] =	stream.indirect.gather @!p1 [hbm4b:s3+s18], $0x80, s20, s18, $0xb8;
	[tilespmem:$0x1DC80] =	vst v63  }
0xdb: {  	_ =	swait.ge [sflag:s11], $0x2800  }
0xdc: {  	[sflag:s11] =	ssyncset.done $0x0  }
0xdd: {  	[sflag:s11] =	ssyncadd.s32 $0xFFFFD800  }
0xde: {  	[spmem:s1] =	stream.indirect.scatter.add.f32 [tilespmem:s26], [sflag:$0x5], $0x80, s24, s25, $0xb8;
	[tilespmem:$0x1DC80] =	vst v63  }
0xdf: {  	_ =	swait.ge [sflag:s15], $0x2800  }
0xe0: {  	[sflag:s15] =	ssyncset.done $0x0  }
0xe1: {  	s7 =	simm.s32 $0x6;
	[sflag:s15] =	ssyncadd.s32 $0xFFFFD800  }
0xe2: {  	_ =	swait.ge [sflag:s7], $0x2800  }
0xe3: {  	[sflag:s7] =	ssyncset.done $0x0  }
0xe4: {  	s21 =	simm.s32 $0x7;
	[sflag:s7] =	ssyncadd.s32 $0xFFFFD800  }
0xe5: {  	_ =	swait.ge [sflag:s21], $0x2800  }
0xe6: {  	[sflag:s21] =	ssyncset.done $0x0  }
0xe7: {  	s22 =	simm.s32 $0x8;
	[sflag:s21] =	ssyncadd.s32 $0xFFFFD800  }
0xe8: {  	_ =	swait.ge [sflag:s22], $0x2800  }
0xe9: {  	[sflag:s22] =	ssyncset.done $0x0  }
0xea: {  	[sflag:s22] =	ssyncadd.s32 $0xFFFFD800  }
0xeb: {  	[bflag:$0x0] =	sbarrier.arrive $0xFFFF  }
0xec: {  	s8 =	rddreg [dreg:$0xb]  }
0xed: {  	s28 =	rddreg [dreg:$0x14]  }
0xee: {  	s16 =	rddreg [dreg:$0x1a]  }
0xef: {  	[hbm:s28], [sflag:s8] =	dma.local [spmem:s16], $0x2700  }
0xf0: {  	_ =	swait.ge [sflag:s23], $0x2700  }
0xf1: {  	[sflag:s23] =	ssyncset.done $0x0;
	s7 =	rddreg [dreg:$0x17]  }
0xf2: {  	s16 =	rddreg [dreg:$0x1b];
	[sflag:s23] =	ssyncadd.s32 $0xFFFFD900  }
0xf3: {  	[hbm:s7], [sflag:s8] =	dma.local @!p0 [spmem:s16], $0x100  }
0xf4: {  	s7 =	simm.s32 @!p0 $0x9  }
0xf5: {  	_ =	swait.ge @!p0 [sflag:s7], $0x100  }
0xf6: {  	s19 =	sadd.s32 $0x1, s19;
	s31 =	rddreg [dreg:$0x18]  }
0xf7: {  	p1 =	sne.s32 s19, s31  }
.Ltmp1:
0xf8: {  	_ = 	snop;
	(pc) =	sbr.rel @p1 .LBB2_1-.Ltmp1, $3  }
0xf9: {  	_ =	sdelay $0x1  }
0xfa: {  	[sflag:s7] =	ssyncset.done @!p0 $0x0  }
0xfb: {  	[sflag:s7] =	ssyncadd.s32 @!p0 $0xFFFFFF00  }
0xfc: {  	_ =	sfence.sel $0x180000  }
0xfd: {  	[bflag:$0x0] =	sbarrier.arrive $0xFFFF  }
0xfe: {  	_ =	strace $0x9000004A  }
0xff: {  	[bflag:$0x2] =	sbarrier.arrive $0xFFFF  }
0x100: {  	s0 =	rddreg [dreg:$0x2]  }
0x101: {  	s0 =	sadd.s32 @!p0 $0x100000, s0  }
0x102: {  	[sflag:s0] =	ssyncadd.tile.s32 @!p0 $0x1;
	_ =	shalt  }
.Lfunc_end2:
_tile_overlayer_lowered:
.L_overlay_start_2:
0x103: {  	(tag) =	ssettag $0x2  }
0x104: {  	s0 =	rddreg [dreg:$0x0];
	s2 =	stileid.u32  }
0x105: {  	s1 =	rddreg [dreg:$0x1];
	p0 =	sne.s32 s2, $0x0  }
0x106: {  	s3 =	rddreg [dreg:$0x2];
	[bflag:$0x3] =	sbarrier.arrive $0xFFFF;
	s2 =	simm.s32 @!p0 $0x1C09  }
0x107: {  	[timem:s3], [sflag:s2] =	dma.local @!p0 [hbm:s0], s1  }
0x108: {  	s0 =	simm.s32 @!p0 $0x9  }
0x109: {  	_ =	swait.ge @!p0 [sflag:s0], s1  }
0x10a: {  	s1 =	ssub.s32 @!p0 $0x0, s1;
	[sflag:s0] =	ssyncset.done @!p0 $0x0  }
0x10b: {  	[sflag:s0] =	ssyncadd.s32 @!p0 s1  }
0x10c: {  	[bflag:$0x3] =	sbarrier.arrive $0xFFFF  }
0x10d: {  	_ =	shalt  }

// kernel: kernel.14.cloned.1.call-start
scs
__scs_entry_jumppad:
0x0: {  	(pc) =	sbr.rel $0x88, $3  }
0x1: {  	(tag) =	ssettag $0x0;
	lr =	simm.s32 $0x1  }
0x2: {  	[smem:$0x3F95] =	sst lr;
	_ =	strace $0xD0000000  }
0x3: {  	_ = 	snop  }
0x4: {  	_ = 	snop  }
0x5: {  	_ = 	snop  }
0x6: {  	_ = 	snop  }
0x7: {  	_ = 	snop  }
__scs_overlays_trampoline_lowered:
0x8: {  	[smem:$0x3FA4] =	sst s0  }
0x9: {  	[smem:$0x3FA5] =	sst s1  }
0xa: {  	[smem:$0x3FA6] =	sst s2  }
0xb: {  	[smem:$0x3FA7] =	sst s3  }
0xc: {  	[smem:$0x3FA8] =	sst s4  }
0xd: {  	[smem:$0x3FA9] =	sst s5  }
0xe: {  	[smem:$0x3FAA] =	sst s6  }
0xf: {  	[smem:$0x3FAB] =	sst s7  }
0x10: {  	[smem:$0x3FAC] =	sst s8  }
0x11: {  	[smem:$0x3FAD] =	sst s9;
	s0 =	simm.s32 @!p0 $0x0  }
0x12: {  	s1 =	sld [smem:$0x3F93];
	s0 =	simm.s32 @p0 $0x1  }
0x13: {  	[smem:$0x3FAE] =	sst s0;
	s0 =	simm.s32 @!p1 $0x0  }
0x14: {  	s2 =	sld [smem:$0x3F92];
	s0 =	simm.s32 @p1 $0x1  }
0x15: {  	[smem:$0x3FAF] =	sst s0;
	s0 =	simm.s32 @!p2 $0x0  }
0x16: {  	s3 =	sld [smem:$0x3FDB];
	s0 =	simm.s32 @p2 $0x1  }
0x17: {  	s4 =	simm.s32 $0x1BF5;
	[smem:$0x3FB1] =	sst s0  }
0x18: {  	s0 =	sld [smem:$0x3F94];
	_ =	swait.ge [sflag:s4], $0x0  }
0x19: {  	s7 =	sld [smem:$0x3F95]  }
0x1a: {  	s8 =	sadd.s32 $0xFFFFE003, lr  }
0x1b: {  	s9 =	sadd.s32 $0xFFFFFEF7, lr;
	s5 =	simm.s32 $0xFFFFFFFF;
	p2 =	slt.u32 s8, $0xFFFFF086  }
0x1c: {  	p1 =	slt.u32 s9, $0xF7A;
	s5 =	simm.s32 @!p2 $0x0  }
0x1d: {  	s5 =	simm.s32 @p1 $0x1;
	p0 =	seq.s32 s7, s2  }
0x1e: {  	s7 =	smul.u32 @!p0 $0xF7A, s2;
	p2 =	seq.s32 @!p0 s5, $0x0  }
0x1f: {  	s9 =	smul.u32 $0xF7A, s1;
	s8 =	simm.s32 @!p0 $0x1BF5;
	p2 =	por !p2, p0  }
0x20: {  	[sflag:s8] =	ssyncset.s32 @!p0 $0xFFFFF086;
	s6 =	sadd.s32 @!p0 s3, s7;
	s7 =	simm.s32 @!p0 $0x108  }
0x21: {  	s3 =	sadd.s32 s3, s9;
	s6 =	sadd.s32 @!p0 $0x88, s6;
	s7 =	simm.s32 @p2 $0x1082  }
0x22: {  	[simem:s7], [sflag:s8] =	dma.local @!p0 [hbm:s6], $0xF7A  }
0x23: {  	s9 =	sor.u32 $0xD0000000, s2;
	s6 =	simm.s32 $0x108;
	_ =	swait.ge @!p0 [sflag:s8], $0x0  }
0x24: {  	s3 =	sadd.s32 $0x88, s3;
	s6 =	simm.s32 @!p1 $0x1082;
	[sflag:s4] =	ssyncset.s32 $0xFFFFF086  }
0x25: {  	[simem:s6], [sflag:s4] =	dma.local [hbm:s3], $0xF7A  }
0x26: {  	[smem:$0x3F95] =	sst s1;
	(tag) =	ssettag s2;
	_ =	strace s9  }
0x27: {  	s1 =	sld [smem:$0x3FA5]  }
0x28: {  	s2 =	sld [smem:$0x3FA6]  }
0x29: {  	s4 =	sld [smem:$0x3FA8]  }
0x2a: {  	p0 =	seq.s32 s5, $0x0;
	s5 =	sld [smem:$0x3FA9]  }
0x2b: {  	s6 =	sld [smem:$0x3FAA]  }
0x2c: {  	s7 =	sld [smem:$0x3FAB]  }
0x2d: {  	s3 =	simm.s32 $0x108;
	s8 =	sld [smem:$0x3FAC]  }
0x2e: {  	s3 =	simm.s32 @!p0 $0x1082;
	s9 =	sld [smem:$0x3FAD]  }
0x2f: {  	lr =	sadd.s32 s0, s3;
	s0 =	sld [smem:$0x3FA4]  }
0x30: {  	s3 =	sld [smem:$0x3FA7]  }
0x31: {  	[smem:$0x3FB0] =	sst s10  }
0x32: {  	s10 =	sld [smem:$0x3FAE];
	_ =	sdelay $0x3  }
0x33: {  	p0 =	seq.s32 s10, $0x1;
	s10 =	sld [smem:$0x3FB0];
	_ =	sdelay $0x3  }
0x34: {  	[smem:$0x3FB0] =	sst s10  }
0x35: {  	s10 =	sld [smem:$0x3FAF];
	_ =	sdelay $0x3  }
0x36: {  	p1 =	seq.s32 s10, $0x1;
	s10 =	sld [smem:$0x3FB0];
	_ =	sdelay $0x3  }
0x37: {  	[smem:$0x3FB0] =	sst s10  }
0x38: {  	s10 =	sld [smem:$0x3FB1]  }
0x39: {  	_ = 	snop;
	(pc) =	sbr.ind lr, $3  }
0x3a: {  	_ = 	snop  }
0x3b: {  	_ = 	snop  }
0x3c: {  	p2 =	seq.s32 s10, $0x1;
	s10 =	sld [smem:$0x3FB0]  }
0x3d: {  	_ =	shalt  }
0x3e: {  	_ =	shalt  }
0x3f: {  	_ =	shalt  }
0x40: {  	_ =	shalt  }
0x41: {  	_ =	shalt  }
0x42: {  	_ =	shalt  }
0x43: {  	_ =	shalt  }
0x44: {  	_ =	shalt  }
0x45: {  	_ =	shalt  }
0x46: {  	_ =	shalt  }
0x47: {  	_ =	shalt  }
0x48: {  	_ =	shalt  }
0x49: {  	_ =	shalt  }
0x4a: {  	_ =	shalt  }
0x4b: {  	_ =	shalt  }
0x4c: {  	_ =	shalt  }
0x4d: {  	_ =	shalt  }
0x4e: {  	_ =	shalt  }
0x4f: {  	_ =	shalt  }
0x50: {  	_ =	shalt  }
0x51: {  	_ =	shalt  }
0x52: {  	_ =	shalt  }
0x53: {  	_ =	shalt  }
0x54: {  	_ =	shalt  }
0x55: {  	_ =	shalt  }
0x56: {  	_ =	shalt  }
0x57: {  	_ =	shalt  }
0x58: {  	_ =	shalt  }
0x59: {  	_ =	shalt  }
0x5a: {  	_ =	shalt  }
0x5b: {  	_ =	shalt  }
0x5c: {  	_ =	shalt  }
0x5d: {  	_ =	shalt  }
0x5e: {  	_ =	shalt  }
0x5f: {  	_ =	shalt  }
0x60: {  	_ =	shalt  }
0x61: {  	_ =	shalt  }
0x62: {  	_ =	shalt  }
0x63: {  	_ =	shalt  }
0x64: {  	_ =	shalt  }
0x65: {  	_ =	shalt  }
0x66: {  	_ =	shalt  }
0x67: {  	_ =	shalt  }
0x68: {  	_ =	shalt  }
0x69: {  	_ =	shalt  }
0x6a: {  	_ =	shalt  }
0x6b: {  	_ =	shalt  }
0x6c: {  	_ =	shalt  }
0x6d: {  	_ =	shalt  }
0x6e: {  	_ =	shalt  }
0x6f: {  	_ =	shalt  }
0x70: {  	_ =	shalt  }
0x71: {  	_ =	shalt  }
0x72: {  	_ =	shalt  }
0x73: {  	_ =	shalt  }
0x74: {  	_ =	shalt  }
0x75: {  	_ =	shalt  }
0x76: {  	_ =	shalt  }
0x77: {  	_ =	shalt  }
0x78: {  	_ =	shalt  }
0x79: {  	_ =	shalt  }
0x7a: {  	_ =	shalt  }
0x7b: {  	_ =	shalt  }
0x7c: {  	_ =	shalt  }
0x7d: {  	_ =	shalt  }
0x7e: {  	_ =	shalt  }
0x7f: {  	_ =	shalt  }
0x80: {  	_ =	shalt  }
0x81: {  	_ =	shalt  }
0x82: {  	_ =	shalt  }
0x83: {  	_ =	shalt  }
0x84: {  	_ =	shalt  }
0x85: {  	_ =	shalt  }
0x86: {  	_ =	shalt  }
0x87: {  	_ =	shalt  }
.Lfunc_end0:
.L_simem_size_0:
called_computation.2_lowered:
.L_overlay_start_0:
0x88: {  	s2 =	sld [smem:$0x3FD9]  }
0x89: {  	s3 =	sld [smem:$0x3FFE];
	_ =	sdelay $0x1  }
0x8a: {  	s1 =	srdreg.scid  }
0x8b: {  	s0 =	sand.u32 $0x1, s1  }
0x8c: {  	s16 =	sshll.u32 s0, $0xA;
	s2 =	sadd.s32 s3, s2  }
0x8d: {  	s2 =	sadd.s32 s2, s16  }
0x8e: {  	[smem:$0x3FBC] =	sst s2  }
0x8f: {  	_ = 	snop  }
0x90: {  	(tm) =	ssettm $0x1  }
0x91: {  	s17 =	sld [smem:$0x3FFB];
	_ =	sdelay $0x3  }
0x92: {  	_ =	strace s17  }
0x93: {  	s2 =	sld [smem:$0x3FFC];
	_ =	sdelay $0x3  }
0x94: {  	_ =	strace s2  }
0x95: {  	s2 =	sld [smem:$0x3FFD];
	_ =	sdelay $0x3  }
0x96: {  	_ =	strace s2  }
0x97: {  	_ =	strace $0x8FFFFFFF  }
0x98: {  	s18 =	sld [smem:$0x3FDB];
	_ =	sdelay $0x1  }
0x99: {  	s19 =	simm.s32 $_scs_section_size  }
0x9a: {  	s4 =	simm.s32 $_size__tile_overlayer_lowered;
	s5 =	simm.s32 $_tile_overlayer_lowered  }
0x9b: {  	s22 =	simm.s32 $0x1BFF;
	s21 =	sshll.u32 s5, $0x1;
	s2 =	sadd.s32 s19, s18  }
0x9c: {  	s6 =	simm.s32 $0x0;
	s20 =	sshll.u32 s4, $0x1;
	s4 =	sadd.s32 s21, s2  }
0x9d: {  	[timem:s6], [sflag:s22] =	dma.local [hbm:s4], s20  }
0x9e: {  	_ =	swait.ge [sflag:s22], s20  }
0x9f: {  	s3 =	ssub.s32 $0x0, s20;
	[sflag:s22] =	ssyncset.done $0x0  }
0xa0: {  	[sflag:s22] =	ssyncadd.s32 s3;
	_ =	sdelay $0x1  }
0xa1: {  	s23 =	simm.s32 $0x1B8B  }
0xa2: {  	_ =	swait.ge [sflag:s23], $0x1  }
0xa3: {  	[sflag:s23] =	ssyncset.done $0x0  }
0xa4: {  	s25 =	simm.s32 $0x1B8E;
	s24 =	sld [smem:$0x3FFE];
	[sflag:s23] =	ssyncadd.s32 $0xFFFFFFFF  }
0xa5: {  	s26 =	simm.s32 $execute0_lowered;
	[smem:$0x3FD2] =	sst s25  }
0xa6: {  	s4 =	sshll.u32 s26, $0x1;
	_ =	strace $0x8000004C;
	[dreg:$0x1] =	wrdreg $0xFFFFFFFF  }
0xa7: {  	s28 =	simm.s32 $_size_execute0_lowered;
	s2 =	sadd.s32 s2, s4;
	[dreg:$0x0] =	wrdreg $0x0  }
0xa8: {  	s4 =	sshll.u32 s28, $0x1;
	[dreg:$0x2] =	wrdreg s2  }
0xa9: {  	[dreg:$0x3] =	wrdreg s4  }
0xaa: {  	[dreg:$0x4] =	wrdreg $0xC0  }
0xab: {  	_ =	task [dreg:s6], $0x5FFFF  }
0xac: {  	[dreg:$0x1] =	wrdreg $0xFFFFFFFF  }
0xad: {  	[dreg:$0x0] =	wrdreg $0x60  }
0xae: {  	[dreg:$0x2] =	wrdreg s24  }
0xaf: {  	[dreg:$0x3] =	wrdreg $0xA4000  }
0xb0: {  	[dreg:$0x4] =	wrdreg $0x9  }
0xb1: {  	_ =	task.clear_ibuf [dreg:s6], $0x5FFFF;
	_ =	strace $0x9000004C  }
0xb2: {  	s29 =	simm.s32 $0x9;
	_ =	strace $0x8000004E  }
0xb3: {  	_ =	swait.ge [sflag:s29], $0x1  }
0xb4: {  	[sflag:s29] =	ssyncadd.s32 $0xFFFFFFFF  }
0xb5: {  	_ =	strace $0x9000004E  }
0xb6: {  	_ =	sfence  }
0xb7: {  	s30 =	sld [smem:$0x0];
	_ =	sdelay $0x2  }
0xb8: {  	s31 =	sshll.u32 s1, $0xD;
	s1 =	sshrl.u32 s1, $0x2  }
0xb9: {  	s3 =	sand.u32 $0x4000, s31;
	s1 =	sadd.s32 s1, s30  }
0xba: {  	s0 =	sor.u32 s3, s0;
	s1 =	sshll.u32 s1, $0x11  }
0xbb: {  	s0 =	sor.u32 s1, s0  }
0xbc: {  	s0 =	sadd.s32 $0x8F2B, s0  }
0xbd: {  	[sflag:s0] =	ssyncadd.remote.s32 $0x1  }
0xbe: {  	_ =	sfence.sel $0xFFFF  }
0xbf: {  	[dreg:$0x0] =	wrdreg $0xFFFFFFFF;
	(pc) =	sbr.abs _section_cstart, $3  }
0xc0: {  	[dreg:$0x1] =	wrdreg $0xFFFFFFFF  }
0xc1: {  	_ =	task.clear_ibuf [dreg:s6], $0x2FFFF;
	_ =	strace $0x9FFFFFFF  }
0xc2: {  	(tm) =	ssettm $0x7FFFFFFF  }
0xc3: {  	_ =	shalt  }
tec
execute0_lowered:
.L_overlay_start_1:
0x0: {  	(tag) =	ssettag $0x1  }
0x1: {  	s6 =	rddreg [dreg:$0x0]  }
0x2: {  	s1 =	rddreg [dreg:$0x1];
	s2 =	simm.s32 $0x0;
	s0 =	stileid.u32  }
0x3: {  	s5 =	srdreg.scid;
	s29 =	simm.s32 $0x280;
	s30 =	simm.s32 $0x2C00  }
0x4: {  	[smem:$0x7FF] =	sst s2;
	s7 =	smul.u32 $0x2700, s0;
	s3 =	sadd.s32 $0x8C800, s6  }
0x5: {  	s4 =	sadd.s32 $0x3200, s6;
	s9 =	sand.u32 $0x1, s5;
	s5 =	sadd.s32 $0xD000, s6  }
0x6: {  	s13 =	smul.u32 $0x4E000, s0;
	s14 =	sadd.s32 $0xB3A00, s6;
	s19 =	sshll.u32 s0, $0x6  }
0x7: {  	s20 =	sadd.s32 $0x138000, s1;
	s15 =	smul.u32 $0x2710, s0;
	p0 =	sne.s32 s0, $0x0  }
0x8: {  	_ =	strace $0x8000004D;
	s10 =	ssub.s32 $0x2, s9;
	s23 =	smul.u32 $0x27100, s9  }
0x9: {  	s12 =	sshll.u32 s9, $0x4;
	[dreg:$0xc] =	wrdreg s20;
	s9 =	smul.u32 $0x138800, s9  }
0xa: {  	s8 =	sadd.s32 s7, s6;
	s11 =	sshrl.u32 s10, $0x1;
	s17 =	sor.u32 s0, s12  }
0xb: {  	s18 =	sshrl.u32 s13, $0x2;
	s6 =	sadd.s32 $0x3DE00, s6;
	s10 =	ssub.s32 s10, s11  }
0xc: {  	s11 =	smul.u32 $0x2710, s17;
	s12 =	sadd.s32 s18, s1;
	[dreg:$0xd] =	wrdreg s6  }
0xd: {  	s8 =	sadd.s32 $0x16E00, s8;
	s31 =	sadd.s32 s15, s23;
	[dreg:$0x9] =	wrdreg s12  }
0xe: {  	s7 =	sadd.s32 s7, s23;
	[dreg:$0xa] =	wrdreg s8;
	s8 =	sor.u32 $0x1C09, s19  }
0xf: {  	s15 =	sadd.s32 $0x190, s31;
	s7 =	sadd.s32 s14, s7;
	s18 =	sadd.s32 $0x230, s31  }
0x10: {  	s21 =	sshrl.u32 s11, $0x3;
	[dreg:$0x14] =	wrdreg s7;
	s19 =	sshrl.u32 s18, $0x3  }
0x11: {  	[dreg:$0xb] =	wrdreg s8;
	s11 =	sadd.s32 s4, s21;
	s22 =	sadd.s32 s5, s21  }
0x12: {  	s24 =	sadd.s32 $0xA, s21;
	s25 =	sadd.s32 $0x14, s21;
	[dreg:$0xe] =	wrdreg s11  }
0x13: {  	s6 =	sadd.s32 $0x1E, s21;
	s20 =	sadd.s32 s19, s5;
	[dreg:$0xf] =	wrdreg s22  }
0x14: {  	s21 =	sadd.s32 $0x1E0, s31;
	s31 =	sadd.s32 $0x140, s31;
	[dreg:$0x5] =	wrdreg s20  }
0x15: {  	s0 =	simm.s32 $0x300;
	s16 =	sadd.s32 s4, s24;
	[dreg:$0x19] =	wrdreg s31  }
0x16: {  	s13 =	simm.s32 $0x3;
	s12 =	sadd.s32 s5, s24;
	[dreg:$0x10] =	wrdreg s16  }
0x17: {  	s17 =	sshrl.u32 s15, $0x3;
	s26 =	sadd.s32 s4, s25;
	[dreg:$0x11] =	wrdreg s12  }
0x18: {  	s15 =	simm.s32 $0x5;
	s28 =	sadd.s32 s5, s25;
	[dreg:$0x12] =	wrdreg s26  }
0x19: {  	s11 =	sadd.s32 s17, s5;
	s22 =	sadd.s32 s19, s4;
	[dreg:$0x13] =	wrdreg s28  }
0x1a: {  	s23 =	sshrl.u32 s21, $0x3;
	s24 =	sadd.s32 s4, s6;
	[dreg:$0x3] =	wrdreg s11  }
0x1b: {  	s6 =	sadd.s32 s5, s6;
	s19 =	simm.s32 $0x0;
	[dreg:$0x15] =	wrdreg s24  }
0x1c: {  	s16 =	sshrl.u32 s9, $0x3;
	s9 =	sadd.s32 s17, s4;
	[dreg:$0x6] =	wrdreg s22  }
0x1d: {  	s25 =	sadd.s32 s23, s5;
	[dreg:$0x16] =	wrdreg s6;
	s26 =	sadd.s32 s23, s4  }
0x1e: {  	s28 =	smax.u32 s10, $0x1;
	s23 =	simm.s32 $0x9;
	[dreg:$0x4] =	wrdreg s9  }
0x1f: {  	s24 =	simm.s32 $0x200;
	s6 =	simm.s32 $0x5400;
	[dreg:$0x7] =	wrdreg s25  }
0x20: {  	s10 =	simm.s32 $0x7C00;
	s11 =	simm.s32 $0x1;
	[dreg:$0x18] =	wrdreg s28  }
0x21: {  	s12 =	simm.s32 $0x2;
	s7 =	sadd.s32 s14, s16;
	[dreg:$0x8] =	wrdreg s26  }
0x22: {  	s25 =	simm.s32 $0x50;
	s26 =	simm.s32 $0x400;
	s7 =	sadd.s32 $0x27000, s7  }
0x23: {  	s9 =	simm.s32 $0x380;
	s14 =	simm.s32 $0x4;
	[dreg:$0x17] =	wrdreg s7  }
.LBB2_1:
0x24: {  	s7 =	rddreg [dreg:$0x9]  }
0x25: {  	s22 =	rddreg [dreg:$0xa];
	s16 =	sshrl.u32 s7, $0x3  }
0x26: {  	[dreg:$0x1a] =	wrdreg s16  }
0x27: {  	[spmem:s16], [sflag:s8] =	dma.local [hbm:s22], $0x2700  }
0x28: {  	_ =	swait.ge [sflag:s23], $0x2700  }
0x29: {  	s7 =	rddreg [dreg:$0xc]  }
0x2a: {  	[sflag:s23] =	ssyncset.done $0x0;
	s16 =	sshrl.u32 @!p0 s7, $0x3;
	s7 =	rddreg [dreg:$0xd]  }
0x2b: {  	[sflag:s23] =	ssyncadd.s32 $0xFFFFD900;
	[dreg:$0x1b] =	wrdreg s16  }
0x2c: {  	[spmem:s16], [sflag:s8] =	dma.local @!p0 [hbm:s7], $0x100  }
0x2d: {  	s7 =	simm.s32 @!p0 $0x9  }
0x2e: {  	_ =	swait.ge @!p0 [sflag:s7], $0x100  }
0x2f: {  	[sflag:s7] =	ssyncset.done @!p0 $0x0  }
0x30: {  	[sflag:s7] =	ssyncadd.s32 @!p0 $0xFFFFFF00  }
0x31: {  	[bflag:$0x0] =	sbarrier.arrive $0xFFFF  }
0x32: {  	s8 =	rddreg [dreg:$0xe]  }
0x33: {  	[tilespmem:s2], [sflag:$0x9] =	stream.linear.gather [hbm4b:s8+s2], $0x50, $0x38;
	[tilespmem:$0x1DC80] =	vst v63  }
0x34: {  	_ =	swait.ge [sflag:s23], $0x50  }
0x35: {  	[sflag:s23] =	ssyncset.done $0x0  }
0x36: {  	s16 =	rddreg [dreg:$0xf];
	[sflag:s23] =	ssyncadd.s32 $0xFFFFFFB0  }
0x37: {  	[tilespmem:s24], [sflag:$0x9] =	stream.linear.gather [hbm4b:s16+s2], $0x50, $0x38;
	[tilespmem:$0x1DC80] =	vst v63  }
0x38: {  	_ =	swait.ge [sflag:s23], $0x50  }
0x39: {  	[sflag:s23] =	ssyncset.done $0x0  }
0x3a: {  	[sflag:s23] =	ssyncadd.s32 $0xFFFFFFB0  }
0x3b: {  	[tilespmem:s26], [sflag:$0x1] =	stream.indirect.gather [hbm4b:s3+s25], $0x80, s2, s25, $0xb8;
	[tilespmem:$0x1DC80] =	vst v63  }
0x3c: {  	s18 =	simm.s32 $0x80;
	s17 =	rddreg [dreg:$0x10]  }
0x3d: {  	[tilespmem:s18], [sflag:$0x9] =	stream.linear.gather [hbm4b:s17+s2], $0x50, $0x38;
	[tilespmem:$0x1DC80] =	vst v63  }
0x3e: {  	_ =	swait.ge [sflag:s23], $0x50  }
0x3f: {  	[sflag:s23] =	ssyncset.done $0x0  }
0x40: {  	s20 =	rddreg [dreg:$0x11];
	[sflag:s23] =	ssyncadd.s32 $0xFFFFFFB0  }
0x41: {  	[tilespmem:s29], [sflag:$0x9] =	stream.linear.gather [hbm4b:s20+s2], $0x50, $0x38;
	[tilespmem:$0x1DC80] =	vst v63  }
0x42: {  	_ =	swait.ge [sflag:s23], $0x50  }
0x43: {  	[sflag:s23] =	ssyncset.done $0x0  }
0x44: {  	[sflag:s23] =	ssyncadd.s32 $0xFFFFFFB0  }
0x45: {  	[tilespmem:s30], [sflag:$0x2] =	stream.indirect.gather [hbm4b:s3+s25], $0x80, s18, s25, $0xb8;
	[tilespmem:$0x1DC80] =	vst v63  }
0x46: {  	s22 =	simm.s32 $0x100;
	s21 =	rddreg [dreg:$0x12]  }
0x47: {  	[tilespmem:s22], [sflag:$0x9] =	stream.linear.gather [hbm4b:s21+s2], $0x50, $0x38;
	[tilespmem:$0x1DC80] =	vst v63  }
0x48: {  	_ =	swait.ge [sflag:s23], $0x50  }
0x49: {  	[sflag:s23] =	ssyncset.done $0x0  }
0x4a: {  	s16 =	rddreg [dreg:$0x13];
	[sflag:s23] =	ssyncadd.s32 $0xFFFFFFB0  }
0x4b: {  	[tilespmem:s0], [sflag:$0x9] =	stream.linear.gather [hbm4b:s16+s2], $0x50, $0x38;
	[tilespmem:$0x1DC80] =	vst v63  }
0x4c: {  	_ =	swait.ge [sflag:s23], $0x50  }
0x4d: {  	[sflag:s23] =	ssyncset.done $0x0  }
0x4e: {  	[sflag:s23] =	ssyncadd.s32 $0xFFFFFFB0  }
0x4f: {  	[tilespmem:s6], [sflag:$0x3] =	stream.indirect.gather [hbm4b:s3+s25], $0x80, s22, s25, $0xb8;
	[tilespmem:$0x1DC80] =	vst v63  }
0x50: {  	s18 =	simm.s32 $0x180;
	s17 =	rddreg [dreg:$0x15]  }
0x51: {  	[tilespmem:s18], [sflag:$0x9] =	stream.linear.gather [hbm4b:s17+s2], $0x50, $0x38;
	[tilespmem:$0x1DC80] =	vst v63  }
0x52: {  	_ =	swait.ge [sflag:s23], $0x50  }
0x53: {  	[sflag:s23] =	ssyncset.done $0x0  }
0x54: {  	s20 =	rddreg [dreg:$0x16];
	[sflag:s23] =	ssyncadd.s32 $0xFFFFFFB0  }
0x55: {  	[tilespmem:s9], [sflag:$0x9] =	stream.linear.gather [hbm4b:s20+s2], $0x50, $0x38;
	[tilespmem:$0x1DC80] =	vst v63  }
0x56: {  	_ =	swait.ge [sflag:s23], $0x50  }
0x57: {  	[sflag:s23] =	ssyncset.done $0x0  }
0x58: {  	[sflag:s23] =	ssyncadd.s32 $0xFFFFFFB0  }
0x59: {  	[tilespmem:s10], [sflag:$0x4] =	stream.indirect.gather [hbm4b:s3+s25], $0x80, s18, s25, $0xb8;
	[tilespmem:$0x1DC80] =	vst v63  }
0x5a: {  	_ =	swait.ge [sflag:s11], $0x2800  }
0x5b: {  	[sflag:s11] =	ssyncset.done $0x0  }
0x5c: {  	[sflag:s11] =	ssyncadd.s32 $0xFFFFD800  }
0x5d: {  	[spmem:s1] =	stream.indirect.scatter.add.f32 [tilespmem:s26], [sflag:$0x5], $0x80, s24, s25, $0xb8;
	[tilespmem:$0x1DC80] =	vst v63  }
0x5e: {  	_ =	swait.ge [sflag:s12], $0x2800  }
0x5f: {  	[sflag:s12] =	ssyncset.done $0x0  }
0x60: {  	[sflag:s12] =	ssyncadd.s32 $0xFFFFD800  }
0x61: {  	[spmem:s1] =	stream.indirect.scatter.add.f32 [tilespmem:s30], [sflag:$0x6], $0x80, s29, s25, $0xb8;
	[tilespmem:$0x1DC80] =	vst v63  }
0x62: {  	_ =	swait.ge [sflag:s13], $0x2800  }
0x63: {  	[sflag:s13] =	ssyncset.done $0x0  }
0x64: {  	[sflag:s13] =	ssyncadd.s32 $0xFFFFD800  }
0x65: {  	[spmem:s1] =	stream.indirect.scatter.add.f32 [tilespmem:s6], [sflag:$0x7], $0x80, s0, s25, $0xb8;
	[tilespmem:$0x1DC80] =	vst v63  }
0x66: {  	_ =	swait.ge [sflag:s14], $0x2800  }
0x67: {  	[sflag:s14] =	ssyncset.done $0x0  }
0x68: {  	[sflag:s14] =	ssyncadd.s32 $0xFFFFD800  }
0x69: {  	[spmem:s1] =	stream.indirect.scatter.add.f32 [tilespmem:s10], [sflag:$0x8], $0x80, s9, s25, $0xb8;
	[tilespmem:$0x1DC80] =	vst v63  }
0x6a: {  	_ =	swait.ge [sflag:s15], $0x2800  }
0x6b: {  	s8 =	rddreg [dreg:$0x19]  }
0x6c: {  	[sflag:s15] =	ssyncset.done $0x0;
	s21 =	sshrl.u32 s8, $0x3  }
0x6d: {  	[sflag:s15] =	ssyncadd.s32 $0xFFFFD800;
	s22 =	sadd.s32 s4, s21  }
0x6e: {  	[tilespmem:s2], [sflag:$0x9] =	stream.linear.gather [hbm4b:s22+s2], $0x50, $0x38;
	[tilespmem:$0x1DC80] =	vst v63  }
0x6f: {  	_ =	swait.ge [sflag:s23], $0x50  }
0x70: {  	[sflag:s23] =	ssyncset.done $0x0  }
0x71: {  	s7 =	sadd.s32 s5, s21;
	[sflag:s23] =	ssyncadd.s32 $0xFFFFFFB0  }
0x72: {  	[tilespmem:s24], [sflag:$0x9] =	stream.linear.gather [hbm4b:s7+s2], $0x50, $0x38;
	[tilespmem:$0x1DC80] =	vst v63  }
0x73: {  	_ =	swait.ge [sflag:s23], $0x50  }
0x74: {  	p1 =	por $0x0, $0x0;
	[sflag:s23] =	ssyncset.done $0x0  }
0x75: {  	s7 =	simm.s32 @!p1 $0x6;
	[sflag:s23] =	ssyncadd.s32 $0xFFFFFFB0  }
0x76: {  	[tilespmem:s26], [sflag:$0x1] =	stream.indirect.gather [hbm4b:s3+s25], $0x80, s2, s25, $0xb8;
	[tilespmem:$0x1DC80] =	vst v63  }
0x77: {  	s17 =	simm.s32 @!p1 $0x9;
	_ =	swait.ge @!p1 [sflag:s7], $0x2800  }
0x78: {  	s20 =	simm.s32 @!p1 $0x80;
	s16 =	rddreg [dreg:$0x4];
	[sflag:s7] =	ssyncset.done @!p1 $0x0  }
0x79: {  	[sflag:s7] =	ssyncadd.s32 @!p1 $0xFFFFD800;
	s7 =	simm.s32 @!p1 $0x0;
	s16 =	sadd.s32 @!p1 $0x0, s16  }
0x7a: {  	[tilespmem:s20], [sflag:$0x9] =	stream.linear.gather @!p1 [hbm4b:s16+s7], $0x50, $0x38;
	[tilespmem:$0x1DC80] =	vst v63  }
0x7b: {  	_ =	swait.ge @!p1 [sflag:s17], $0x50  }
0x7c: {  	s16 =	rddreg [dreg:$0x3];
	[sflag:s17] =	ssyncset.done @!p1 $0x0  }
0x7d: {  	s18 =	simm.s32 @!p1 $0x280;
	[sflag:s17] =	ssyncadd.s32 @!p1 $0xFFFFFFB0;
	s16 =	sadd.s32 @!p1 $0x0, s16  }
0x7e: {  	[tilespmem:s18], [sflag:$0x9] =	stream.linear.gather @!p1 [hbm4b:s16+s7], $0x50, $0x38;
	[tilespmem:$0x1DC80] =	vst v63  }
0x7f: {  	_ =	swait.ge @!p1 [sflag:s17], $0x50  }
0x80: {  	s22 =	simm.s32 @!p1 $0x7;
	[sflag:s17] =	ssyncset.done @!p1 $0x0  }
0x81: {  	s18 =	simm.s32 @!p1 $0x50;
	s16 =	simm.s32 @!p1 $0x2C00;
	[sflag:s17] =	ssyncadd.s32 @!p1 $0xFFFFFFB0  }
0x82: {  	[tilespmem:s16], [sflag:$0x2] =	stream.indirect.gather @!p1 [hbm4b:s3+s18], $0x80, s20, s18, $0xb8;
	[tilespmem:$0x1DC80] =	vst v63  }
0x83: {  	_ =	swait.ge @!p1 [sflag:s22], $0x2800  }
0x84: {  	s16 =	rddreg [dreg:$0x8];
	[sflag:s22] =	ssyncset.done @!p1 $0x0  }
0x85: {  	s20 =	simm.s32 @!p1 $0x100;
	[sflag:s22] =	ssyncadd.s32 @!p1 $0xFFFFD800;
	s16 =	sadd.s32 @!p1 $0x0, s16  }
0x86: {  	[tilespmem:s20], [sflag:$0x9] =	stream.linear.gather @!p1 [hbm4b:s16+s7], $0x50, $0x38;
	[tilespmem:$0x1DC80] =	vst v63  }
0x87: {  	_ =	swait.ge @!p1 [sflag:s17], $0x50  }
0x88: {  	s16 =	rddreg [dreg:$0x7];
	[sflag:s17] =	ssyncset.done @!p1 $0x0  }
0x89: {  	s22 =	simm.s32 @!p1 $0x300;
	[sflag:s17] =	ssyncadd.s32 @!p1 $0xFFFFFFB0;
	s16 =	sadd.s32 @!p1 $0x0, s16  }
0x8a: {  	[tilespmem:s22], [sflag:$0x9] =	stream.linear.gather @!p1 [hbm4b:s16+s7], $0x50, $0x38;
	[tilespmem:$0x1DC80] =	vst v63  }
0x8b: {  	_ =	swait.ge @!p1 [sflag:s17], $0x50  }
0x8c: {  	[sflag:s17] =	ssyncset.done @!p1 $0x0  }
0x8d: {  	s16 =	simm.s32 @!p1 $0x5400;
	s22 =	simm.s32 @!p1 $0x8;
	[sflag:s17] =	ssyncadd.s32 @!p1 $0xFFFFFFB0  }
0x8e: {  	[tilespmem:s16], [sflag:$0x3] =	stream.indirect.gather @!p1 [hbm4b:s3+s18], $0x80, s20, s18, $0xb8;
	[tilespmem:$0x1DC80] =	vst v63  }
0x8f: {  	_ =	swait.ge @!p1 [sflag:s22], $0x2800  }
0x90: {  	s16 =	rddreg [dreg:$0x6];
	[sflag:s22] =	ssyncset.done @!p1 $0x0  }
0x91: {  	s20 =	simm.s32 @!p1 $0x180;
	[sflag:s22] =	ssyncadd.s32 @!p1 $0xFFFFD800;
	s16 =	sadd.s32 @!p1 $0x0, s16  }
0x92: {  	[tilespmem:s20], [sflag:$0x9] =	stream.linear.gather @!p1 [hbm4b:s16+s7], $0x50, $0x38;
	[tilespmem:$0x1DC80] =	vst v63  }
0x93: {  	_ =	swait.ge @!p1 [sflag:s17], $0x50  }
0x94: {  	s16 =	rddreg [dreg:$0x5];
	[sflag:s17] =	ssyncset.done @!p1 $0x0  }
0x95: {  	s22 =	simm.s32 @!p1 $0x380;
	[sflag:s17] =	ssyncadd.s32 @!p1 $0xFFFFFFB0;
	s16 =	sadd.s32 @!p1 $0x0, s16  }
0x96: {  	[tilespmem:s22], [sflag:$0x9] =	stream.linear.gather @!p1 [hbm4b:s16+s7], $0x50, $0x38;
	[tilespmem:$0x1DC80] =	vst v63  }
0x97: {  	s28 =	simm.s32 $0x28;
	s31 =	sadd.s32 $0x140, s8;
	_ =	swait.ge @!p1 [sflag:s17], $0x50  }
0x98: {  	s22 =	simm.s32 @!p1 $0x7C00;
	s7 =	simm.s32 $0x5;
	[sflag:s17] =	ssyncset.done @!p1 $0x0  }
.LBB2_2:
0x99: {  	[sflag:s17] =	ssyncadd.s32 @!p1 $0xFFFFFFB0  }
0x9a: {  	[tilespmem:s22], [sflag:$0x4] =	stream.indirect.gather @!p1 [hbm4b:s3+s18], $0x80, s20, s18, $0xb8;
	[tilespmem:$0x1DC80] =	vst v63  }
0x9b: {  	_ =	swait.ge [sflag:s11], $0x2800  }
0x9c: {  	[sflag:s11] =	ssyncset.done $0x0  }
0x9d: {  	[sflag:s11] =	ssyncadd.s32 $0xFFFFD800  }
0x9e: {  	[spmem:s1] =	stream.indirect.scatter.add.f32 [tilespmem:s26], [sflag:$0x5], $0x80, s24, s25, $0xb8;
	[tilespmem:$0x1DC80] =	vst v63  }
0x9f: {  	_ =	swait.ge [sflag:s12], $0x2800  }
0xa0: {  	[sflag:s12] =	ssyncset.done $0x0  }
0xa1: {  	[sflag:s12] =	ssyncadd.s32 $0xFFFFD800  }
0xa2: {  	[spmem:s1] =	stream.indirect.scatter.add.f32 [tilespmem:s30], [sflag:$0x6], $0x80, s29, s25, $0xb8;
	[tilespmem:$0x1DC80] =	vst v63  }
0xa3: {  	_ =	swait.ge [sflag:s13], $0x2800  }
0xa4: {  	[sflag:s13] =	ssyncset.done $0x0  }
0xa5: {  	[sflag:s13] =	ssyncadd.s32 $0xFFFFD800  }
0xa6: {  	[spmem:s1] =	stream.indirect.scatter.add.f32 [tilespmem:s6], [sflag:$0x7], $0x80, s0, s25, $0xb8;
	[tilespmem:$0x1DC80] =	vst v63  }
0xa7: {  	_ =	swait.ge [sflag:s14], $0x2800  }
0xa8: {  	[sflag:s14] =	ssyncset.done $0x0  }
0xa9: {  	[sflag:s14] =	ssyncadd.s32 $0xFFFFD800  }
0xaa: {  	[spmem:s1] =	stream.indirect.scatter.add.f32 [tilespmem:s10], [sflag:$0x8], $0x80, s9, s25, $0xb8;
	[tilespmem:$0x1DC80] =	vst v63  }
0xab: {  	_ =	swait.ge [sflag:s15], $0x2800  }
0xac: {  	s21 =	sshrl.u32 s31, $0x3;
	[sflag:s15] =	ssyncset.done $0x0  }
0xad: {  	s22 =	sadd.s32 s4, s21;
	[sflag:s15] =	ssyncadd.s32 $0xFFFFD800  }
0xae: {  	[tilespmem:s2], [sflag:$0x9] =	stream.linear.gather [hbm4b:s22+s2], $0x50, $0x38;
	[tilespmem:$0x1DC80] =	vst v63  }
0xaf: {  	_ =	swait.ge [sflag:s23], $0x50  }
0xb0: {  	[sflag:s23] =	ssyncset.done $0x0  }
0xb1: {  	s17 =	sadd.s32 s5, s21;
	[sflag:s23] =	ssyncadd.s32 $0xFFFFFFB0  }
0xb2: {  	[tilespmem:s24], [sflag:$0x9] =	stream.linear.gather [hbm4b:s17+s2], $0x50, $0x38;
	[tilespmem:$0x1DC80] =	vst v63  }
0xb3: {  	s7 =	sadd.s32 $0x4, s7;
	_ =	swait.ge [sflag:s23], $0x50  }
0xb4: {  	p1 =	sgt.u32 s7, $0x7C;
	[sflag:s23] =	ssyncset.done $0x0  }
0xb5: {  	s17 =	simm.s32 @!p1 $0x6;
	[sflag:s23] =	ssyncadd.s32 $0xFFFFFFB0  }
0xb6: {  	[tilespmem:s26], [sflag:$0x1] =	stream.indirect.gather [hbm4b:s3+s25], $0x80, s2, s25, $0xb8;
	[tilespmem:$0x1DC80] =	vst v63  }
0xb7: {  	s16 =	smov.u32 s28;
	s20 =	simm.s32 @!p1 $0x80;
	_ =	swait.ge @!p1 [sflag:s17], $0x2800  }
0xb8: {  	s22 =	simm.s32 @!p1 $0x0;
	[sflag:s17] =	ssyncset.done @!p1 $0x0;
	s18 =	rddreg [dreg:$0x4]  }
0xb9: {  	[sflag:s17] =	ssyncadd.s32 @!p1 $0xFFFFD800;
	s18 =	sadd.s32 @!p1 s16, s18;
	s17 =	simm.s32 @!p1 $0x9  }
0xba: {  	[tilespmem:s20], [sflag:$0x9] =	stream.linear.gather @!p1 [hbm4b:s18+s22], $0x50, $0x38;
	[tilespmem:$0x1DC80] =	vst v63  }
0xbb: {  	_ =	swait.ge @!p1 [sflag:s17], $0x50  }
0xbc: {  	[sflag:s17] =	ssyncset.done @!p1 $0x0;
	s18 =	rddreg [dreg:$0x3]  }
0xbd: {  	s21 =	simm.s32 @!p1 $0x280;
	[sflag:s17] =	ssyncadd.s32 @!p1 $0xFFFFFFB0;
	s18 =	sadd.s32 @!p1 s16, s18  }
0xbe: {  	[tilespmem:s21], [sflag:$0x9] =	stream.linear.gather @!p1 [hbm4b:s18+s22], $0x50, $0x38;
	[tilespmem:$0x1DC80] =	vst v63  }
0xbf: {  	_ =	swait.ge @!p1 [sflag:s17], $0x50  }
0xc0: {  	s8 =	simm.s32 @!p1 $0x7;
	[sflag:s17] =	ssyncset.done @!p1 $0x0  }
0xc1: {  	s18 =	simm.s32 @!p1 $0x50;
	s21 =	simm.s32 @!p1 $0x2C00;
	[sflag:s17] =	ssyncadd.s32 @!p1 $0xFFFFFFB0  }
0xc2: {  	[tilespmem:s21], [sflag:$0x2] =	stream.indirect.gather @!p1 [hbm4b:s3+s18], $0x80, s20, s18, $0xb8;
	[tilespmem:$0x1DC80] =	vst v63  }
0xc3: {  	_ =	swait.ge @!p1 [sflag:s8], $0x2800  }
0xc4: {  	[sflag:s8] =	ssyncset.done @!p1 $0x0;
	s20 =	rddreg [dreg:$0x8]  }
0xc5: {  	[sflag:s8] =	ssyncadd.s32 @!p1 $0xFFFFD800;
	s8 =	simm.s32 @!p1 $0x100;
	s20 =	sadd.s32 @!p1 s16, s20  }
0xc6: {  	[tilespmem:s8], [sflag:$0x9] =	stream.linear.gather @!p1 [hbm4b:s20+s22], $0x50, $0x38;
	[tilespmem:$0x1DC80] =	vst v63  }
0xc7: {  	_ =	swait.ge @!p1 [sflag:s17], $0x50  }
0xc8: {  	[sflag:s17] =	ssyncset.done @!p1 $0x0;
	s20 =	rddreg [dreg:$0x7]  }
0xc9: {  	s21 =	simm.s32 @!p1 $0x300;
	[sflag:s17] =	ssyncadd.s32 @!p1 $0xFFFFFFB0;
	s20 =	sadd.s32 @!p1 s16, s20  }
0xca: {  	[tilespmem:s21], [sflag:$0x9] =	stream.linear.gather @!p1 [hbm4b:s20+s22], $0x50, $0x38;
	[tilespmem:$0x1DC80] =	vst v63  }
0xcb: {  	_ =	swait.ge @!p1 [sflag:s17], $0x50  }
0xcc: {  	[sflag:s17] =	ssyncset.done @!p1 $0x0  }
0xcd: {  	s20 =	simm.s32 @!p1 $0x5400;
	s21 =	simm.s32 @!p1 $0x8;
	[sflag:s17] =	ssyncadd.s32 @!p1 $0xFFFFFFB0  }
0xce: {  	[tilespmem:s20], [sflag:$0x3] =	stream.indirect.gather @!p1 [hbm4b:s3+s18], $0x80, s8, s18, $0xb8;
	[tilespmem:$0x1DC80] =	vst v63  }
0xcf: {  	_ =	swait.ge @!p1 [sflag:s21], $0x2800  }
0xd0: {  	s28 =	sadd.s32 $0x28, s28;
	[sflag:s21] =	ssyncset.done @!p1 $0x0;
	s8 =	rddreg [dreg:$0x6]  }
0xd1: {  	s20 =	simm.s32 @!p1 $0x180;
	[sflag:s21] =	ssyncadd.s32 @!p1 $0xFFFFD800;
	s8 =	sadd.s32 @!p1 s16, s8  }
0xd2: {  	[tilespmem:s20], [sflag:$0x9] =	stream.linear.gather @!p1 [hbm4b:s8+s22], $0x50, $0x38;
	[tilespmem:$0x1DC80] =	vst v63  }
0xd3: {  	p2 =	sne.s32 s28, $0x4D8;
	_ =	swait.ge @!p1 [sflag:s17], $0x50  }
.Ltmp0:
0xd4: {  	[sflag:s17] =	ssyncset.done @!p1 $0x0;
	s8 =	rddreg [dreg:$0x5];
	(pc) =	sbr.rel @p2 .LBB2_2-.Ltmp0, $4  }
0xd5: {  	s21 =	simm.s32 @!p1 $0x380;
	[sflag:s17] =	ssyncadd.s32 @!p1 $0xFFFFFFB0;
	s8 =	sadd.s32 @!p1 s16, s8  }
0xd6: {  	[tilespmem:s21], [sflag:$0x9] =	stream.linear.gather @!p1 [hbm4b:s8+s22], $0x50, $0x38;
	[tilespmem:$0x1DC80] =	vst v63  }
0xd7: {  	_ =	swait.ge @!p1 [sflag:s17], $0x50  }
0xd8: {  	s31 =	sadd.s32 $0x140, s31;
	s22 =	simm.s32 @!p1 $0x7C00;
	[sflag:s17] =	ssyncset.done @!p1 $0x0  }
0xd9: {  	[sflag:s17] =	ssyncadd.s32 @!p1 $0xFFFFFFB0  }
0xda: {  	[tilespmem:s22], [sflag:$0x4] =	stream.indirect.gather @!p1 [hbm4b:s3+s18], $0x80, s20, s18, $0xb8;
	[tilespmem:$0x1DC80] =	vst v63  }
0xdb: {  	_ =	swait.ge [sflag:s11], $0x2800  }
0xdc: {  	[sflag:s11] =	ssyncset.done $0x0  }
0xdd: {  	[sflag:s11] =	ssyncadd.s32 $0xFFFFD800  }
0xde: {  	[spmem:s1] =	stream.indirect.scatter.add.f32 [tilespmem:s26], [sflag:$0x5], $0x80, s24, s25, $0xb8;
	[tilespmem:$0x1DC80] =	vst v63  }
0xdf: {  	_ =	swait.ge [sflag:s15], $0x2800  }
0xe0: {  	[sflag:s15] =	ssyncset.done $0x0  }
0xe1: {  	s7 =	simm.s32 $0x6;
	[sflag:s15] =	ssyncadd.s32 $0xFFFFD800  }
0xe2: {  	_ =	swait.ge [sflag:s7], $0x2800  }
0xe3: {  	[sflag:s7] =	ssyncset.done $0x0  }
0xe4: {  	s21 =	simm.s32 $0x7;
	[sflag:s7] =	ssyncadd.s32 $0xFFFFD800  }
0xe5: {  	_ =	swait.ge [sflag:s21], $0x2800  }
0xe6: {  	[sflag:s21] =	ssyncset.done $0x0  }
0xe7: {  	s22 =	simm.s32 $0x8;
	[sflag:s21] =	ssyncadd.s32 $0xFFFFD800  }
0xe8: {  	_ =	swait.ge [sflag:s22], $0x2800  }
0xe9: {  	[sflag:s22] =	ssyncset.done $0x0  }
0xea: {  	[sflag:s22] =	ssyncadd.s32 $0xFFFFD800  }
0xeb: {  	[bflag:$0x0] =	sbarrier.arrive $0xFFFF  }
0xec: {  	s8 =	rddreg [dreg:$0xb]  }
0xed: {  	s28 =	rddreg [dreg:$0x14]  }
0xee: {  	s16 =	rddreg [dreg:$0x1a]  }
0xef: {  	[hbm:s28], [sflag:s8] =	dma.local [spmem:s16], $0x2700  }
0xf0: {  	_ =	swait.ge [sflag:s23], $0x2700  }
0xf1: {  	[sflag:s23] =	ssyncset.done $0x0;
	s7 =	rddreg [dreg:$0x17]  }
0xf2: {  	s16 =	rddreg [dreg:$0x1b];
	[sflag:s23] =	ssyncadd.s32 $0xFFFFD900  }
0xf3: {  	[hbm:s7], [sflag:s8] =	dma.local @!p0 [spmem:s16], $0x100  }
0xf4: {  	s7 =	simm.s32 @!p0 $0x9  }
0xf5: {  	_ =	swait.ge @!p0 [sflag:s7], $0x100  }
0xf6: {  	s19 =	sadd.s32 $0x1, s19;
	s31 =	rddreg [dreg:$0x18]  }
0xf7: {  	p1 =	sne.s32 s19, s31  }
.Ltmp1:
0xf8: {  	_ = 	snop;
	(pc) =	sbr.rel @p1 .LBB2_1-.Ltmp1, $3  }
0xf9: {  	_ =	sdelay $0x1  }
0xfa: {  	[sflag:s7] =	ssyncset.done @!p0 $0x0  }
0xfb: {  	[sflag:s7] =	ssyncadd.s32 @!p0 $0xFFFFFF00  }
0xfc: {  	_ =	sfence.sel $0x180000  }
0xfd: {  	[bflag:$0x0] =	sbarrier.arrive $0xFFFF  }
0xfe: {  	_ =	strace $0x9000004D  }
0xff: {  	[bflag:$0x2] =	sbarrier.arrive $0xFFFF  }
0x100: {  	s0 =	rddreg [dreg:$0x2]  }
0x101: {  	s0 =	sadd.s32 @!p0 $0x100000, s0  }
0x102: {  	[sflag:s0] =	ssyncadd.tile.s32 @!p0 $0x1;
	_ =	shalt  }
.Lfunc_end2:
_tile_overlayer_lowered:
.L_overlay_start_2:
0x103: {  	(tag) =	ssettag $0x2  }
0x104: {  	s0 =	rddreg [dreg:$0x0];
	s2 =	stileid.u32  }
0x105: {  	s1 =	rddreg [dreg:$0x1];
	p0 =	sne.s32 s2, $0x0  }
0x106: {  	s3 =	rddreg [dreg:$0x2];
	[bflag:$0x3] =	sbarrier.arrive $0xFFFF;
	s2 =	simm.s32 @!p0 $0x1C09  }
0x107: {  	[timem:s3], [sflag:s2] =	dma.local @!p0 [hbm:s0], s1  }
0x108: {  	s0 =	simm.s32 @!p0 $0x9  }
0x109: {  	_ =	swait.ge @!p0 [sflag:s0], s1  }
0x10a: {  	s1 =	ssub.s32 @!p0 $0x0, s1;
	[sflag:s0] =	ssyncset.done @!p0 $0x0  }
0x10b: {  	[sflag:s0] =	ssyncadd.s32 @!p0 s1  }
0x10c: {  	[bflag:$0x3] =	sbarrier.arrive $0xFFFF  }
0x10d: {  	_ =	shalt  }

// kernel: kernel.8.cloned.1.call-start
scs
__scs_entry_jumppad:
0x0: {  	(pc) =	sbr.rel $0x88, $3  }
0x1: {  	(tag) =	ssettag $0x0;
	lr =	simm.s32 $0x1  }
0x2: {  	[smem:$0x3F95] =	sst lr;
	_ =	strace $0xD0000000  }
0x3: {  	_ = 	snop  }
0x4: {  	_ = 	snop  }
0x5: {  	_ = 	snop  }
0x6: {  	_ = 	snop  }
0x7: {  	_ = 	snop  }
__scs_overlays_trampoline_lowered:
0x8: {  	[smem:$0x3FA4] =	sst s0  }
0x9: {  	[smem:$0x3FA5] =	sst s1  }
0xa: {  	[smem:$0x3FA6] =	sst s2  }
0xb: {  	[smem:$0x3FA7] =	sst s3  }
0xc: {  	[smem:$0x3FA8] =	sst s4  }
0xd: {  	[smem:$0x3FA9] =	sst s5  }
0xe: {  	[smem:$0x3FAA] =	sst s6  }
0xf: {  	[smem:$0x3FAB] =	sst s7  }
0x10: {  	[smem:$0x3FAC] =	sst s8  }
0x11: {  	[smem:$0x3FAD] =	sst s9;
	s0 =	simm.s32 @!p0 $0x0  }
0x12: {  	s1 =	sld [smem:$0x3F93];
	s0 =	simm.s32 @p0 $0x1  }
0x13: {  	[smem:$0x3FAE] =	sst s0;
	s0 =	simm.s32 @!p1 $0x0  }
0x14: {  	s2 =	sld [smem:$0x3F92];
	s0 =	simm.s32 @p1 $0x1  }
0x15: {  	[smem:$0x3FAF] =	sst s0;
	s0 =	simm.s32 @!p2 $0x0  }
0x16: {  	s3 =	sld [smem:$0x3FDB];
	s0 =	simm.s32 @p2 $0x1  }
0x17: {  	s4 =	simm.s32 $0x1BF5;
	[smem:$0x3FB1] =	sst s0  }
0x18: {  	s0 =	sld [smem:$0x3F94];
	_ =	swait.ge [sflag:s4], $0x0  }
0x19: {  	s7 =	sld [smem:$0x3F95]  }
0x1a: {  	s8 =	sadd.s32 $0xFFFFE003, lr  }
0x1b: {  	s9 =	sadd.s32 $0xFFFFFEF7, lr;
	s5 =	simm.s32 $0xFFFFFFFF;
	p2 =	slt.u32 s8, $0xFFFFF086  }
0x1c: {  	p1 =	slt.u32 s9, $0xF7A;
	s5 =	simm.s32 @!p2 $0x0  }
0x1d: {  	s5 =	simm.s32 @p1 $0x1;
	p0 =	seq.s32 s7, s2  }
0x1e: {  	s7 =	smul.u32 @!p0 $0xF7A, s2;
	p2 =	seq.s32 @!p0 s5, $0x0  }
0x1f: {  	s9 =	smul.u32 $0xF7A, s1;
	s8 =	simm.s32 @!p0 $0x1BF5;
	p2 =	por !p2, p0  }
0x20: {  	[sflag:s8] =	ssyncset.s32 @!p0 $0xFFFFF086;
	s6 =	sadd.s32 @!p0 s3, s7;
	s7 =	simm.s32 @!p0 $0x108  }
0x21: {  	s3 =	sadd.s32 s3, s9;
	s6 =	sadd.s32 @!p0 $0x88, s6;
	s7 =	simm.s32 @p2 $0x1082  }
0x22: {  	[simem:s7], [sflag:s8] =	dma.local @!p0 [hbm:s6], $0xF7A  }
0x23: {  	s9 =	sor.u32 $0xD0000000, s2;
	s6 =	simm.s32 $0x108;
	_ =	swait.ge @!p0 [sflag:s8], $0x0  }
0x24: {  	s3 =	sadd.s32 $0x88, s3;
	s6 =	simm.s32 @!p1 $0x1082;
	[sflag:s4] =	ssyncset.s32 $0xFFFFF086  }
0x25: {  	[simem:s6], [sflag:s4] =	dma.local [hbm:s3], $0xF7A  }
0x26: {  	[smem:$0x3F95] =	sst s1;
	(tag) =	ssettag s2;
	_ =	strace s9  }
0x27: {  	s1 =	sld [smem:$0x3FA5]  }
0x28: {  	s2 =	sld [smem:$0x3FA6]  }
0x29: {  	s4 =	sld [smem:$0x3FA8]  }
0x2a: {  	p0 =	seq.s32 s5, $0x0;
	s5 =	sld [smem:$0x3FA9]  }
0x2b: {  	s6 =	sld [smem:$0x3FAA]  }
0x2c: {  	s7 =	sld [smem:$0x3FAB]  }
0x2d: {  	s3 =	simm.s32 $0x108;
	s8 =	sld [smem:$0x3FAC]  }
0x2e: {  	s3 =	simm.s32 @!p0 $0x1082;
	s9 =	sld [smem:$0x3FAD]  }
0x2f: {  	lr =	sadd.s32 s0, s3;
	s0 =	sld [smem:$0x3FA4]  }
0x30: {  	s3 =	sld [smem:$0x3FA7]  }
0x31: {  	[smem:$0x3FB0] =	sst s10  }
0x32: {  	s10 =	sld [smem:$0x3FAE];
	_ =	sdelay $0x3  }
0x33: {  	p0 =	seq.s32 s10, $0x1;
	s10 =	sld [smem:$0x3FB0];
	_ =	sdelay $0x3  }
0x34: {  	[smem:$0x3FB0] =	sst s10  }
0x35: {  	s10 =	sld [smem:$0x3FAF];
	_ =	sdelay $0x3  }
0x36: {  	p1 =	seq.s32 s10, $0x1;
	s10 =	sld [smem:$0x3FB0];
	_ =	sdelay $0x3  }
0x37: {  	[smem:$0x3FB0] =	sst s10  }
0x38: {  	s10 =	sld [smem:$0x3FB1]  }
0x39: {  	_ = 	snop;
	(pc) =	sbr.ind lr, $3  }
0x3a: {  	_ = 	snop  }
0x3b: {  	_ = 	snop  }
0x3c: {  	p2 =	seq.s32 s10, $0x1;
	s10 =	sld [smem:$0x3FB0]  }
0x3d: {  	_ =	shalt  }
0x3e: {  	_ =	shalt  }
0x3f: {  	_ =	shalt  }
0x40: {  	_ =	shalt  }
0x41: {  	_ =	shalt  }
0x42: {  	_ =	shalt  }
0x43: {  	_ =	shalt  }
0x44: {  	_ =	shalt  }
0x45: {  	_ =	shalt  }
0x46: {  	_ =	shalt  }
0x47: {  	_ =	shalt  }
0x48: {  	_ =	shalt  }
0x49: {  	_ =	shalt  }
0x4a: {  	_ =	shalt  }
0x4b: {  	_ =	shalt  }
0x4c: {  	_ =	shalt  }
0x4d: {  	_ =	shalt  }
0x4e: {  	_ =	shalt  }
0x4f: {  	_ =	shalt  }
0x50: {  	_ =	shalt  }
0x51: {  	_ =	shalt  }
0x52: {  	_ =	shalt  }
0x53: {  	_ =	shalt  }
0x54: {  	_ =	shalt  }
0x55: {  	_ =	shalt  }
0x56: {  	_ =	shalt  }
0x57: {  	_ =	shalt  }
0x58: {  	_ =	shalt  }
0x59: {  	_ =	shalt  }
0x5a: {  	_ =	shalt  }
0x5b: {  	_ =	shalt  }
0x5c: {  	_ =	shalt  }
0x5d: {  	_ =	shalt  }
0x5e: {  	_ =	shalt  }
0x5f: {  	_ =	shalt  }
0x60: {  	_ =	shalt  }
0x61: {  	_ =	shalt  }
0x62: {  	_ =	shalt  }
0x63: {  	_ =	shalt  }
0x64: {  	_ =	shalt  }
0x65: {  	_ =	shalt  }
0x66: {  	_ =	shalt  }
0x67: {  	_ =	shalt  }
0x68: {  	_ =	shalt  }
0x69: {  	_ =	shalt  }
0x6a: {  	_ =	shalt  }
0x6b: {  	_ =	shalt  }
0x6c: {  	_ =	shalt  }
0x6d: {  	_ =	shalt  }
0x6e: {  	_ =	shalt  }
0x6f: {  	_ =	shalt  }
0x70: {  	_ =	shalt  }
0x71: {  	_ =	shalt  }
0x72: {  	_ =	shalt  }
0x73: {  	_ =	shalt  }
0x74: {  	_ =	shalt  }
0x75: {  	_ =	shalt  }
0x76: {  	_ =	shalt  }
0x77: {  	_ =	shalt  }
0x78: {  	_ =	shalt  }
0x79: {  	_ =	shalt  }
0x7a: {  	_ =	shalt  }
0x7b: {  	_ =	shalt  }
0x7c: {  	_ =	shalt  }
0x7d: {  	_ =	shalt  }
0x7e: {  	_ =	shalt  }
0x7f: {  	_ =	shalt  }
0x80: {  	_ =	shalt  }
0x81: {  	_ =	shalt  }
0x82: {  	_ =	shalt  }
0x83: {  	_ =	shalt  }
0x84: {  	_ =	shalt  }
0x85: {  	_ =	shalt  }
0x86: {  	_ =	shalt  }
0x87: {  	_ =	shalt  }
.Lfunc_end0:
.L_simem_size_0:
called_computation_lowered:
.L_overlay_start_0:
0x88: {  	s2 =	sld [smem:$0x3FD9]  }
0x89: {  	s3 =	sld [smem:$0x3FFE];
	_ =	sdelay $0x1  }
0x8a: {  	s1 =	srdreg.scid  }
0x8b: {  	s0 =	sand.u32 $0x1, s1  }
0x8c: {  	s16 =	sshll.u32 s0, $0xA;
	s2 =	sadd.s32 s3, s2  }
0x8d: {  	s2 =	sadd.s32 s2, s16  }
0x8e: {  	[smem:$0x3FBC] =	sst s2  }
0x8f: {  	_ = 	snop  }
0x90: {  	(tm) =	ssettm $0x1  }
0x91: {  	s17 =	sld [smem:$0x3FFB];
	_ =	sdelay $0x3  }
0x92: {  	_ =	strace s17  }
0x93: {  	s2 =	sld [smem:$0x3FFC];
	_ =	sdelay $0x3  }
0x94: {  	_ =	strace s2  }
0x95: {  	s2 =	sld [smem:$0x3FFD];
	_ =	sdelay $0x3  }
0x96: {  	_ =	strace s2  }
0x97: {  	_ =	strace $0x8FFFFFFF  }
0x98: {  	s18 =	sld [smem:$0x3FDB];
	_ =	sdelay $0x1  }
0x99: {  	s19 =	simm.s32 $_scs_section_size  }
0x9a: {  	s4 =	simm.s32 $_size__tile_overlayer_lowered;
	s5 =	simm.s32 $_tile_overlayer_lowered  }
0x9b: {  	s22 =	simm.s32 $0x1BFF;
	s21 =	sshll.u32 s5, $0x1;
	s2 =	sadd.s32 s19, s18  }
0x9c: {  	s6 =	simm.s32 $0x0;
	s20 =	sshll.u32 s4, $0x1;
	s4 =	sadd.s32 s21, s2  }
0x9d: {  	[timem:s6], [sflag:s22] =	dma.local [hbm:s4], s20  }
0x9e: {  	_ =	swait.ge [sflag:s22], s20  }
0x9f: {  	s3 =	ssub.s32 $0x0, s20;
	[sflag:s22] =	ssyncset.done $0x0  }
0xa0: {  	[sflag:s22] =	ssyncadd.s32 s3;
	_ =	sdelay $0x1  }
0xa1: {  	s23 =	simm.s32 $0x1B8B  }
0xa2: {  	_ =	swait.ge [sflag:s23], $0x1  }
0xa3: {  	[sflag:s23] =	ssyncset.done $0x0  }
0xa4: {  	s25 =	simm.s32 $0x1B8E;
	s24 =	sld [smem:$0x3FFE];
	[sflag:s23] =	ssyncadd.s32 $0xFFFFFFFF  }
0xa5: {  	s26 =	simm.s32 $execute0_lowered;
	[smem:$0x3FD2] =	sst s25  }
0xa6: {  	s4 =	sshll.u32 s26, $0x1;
	_ =	strace $0x80000046;
	[dreg:$0x1] =	wrdreg $0xFFFFFFFF  }
0xa7: {  	s28 =	simm.s32 $_size_execute0_lowered;
	s2 =	sadd.s32 s2, s4;
	[dreg:$0x0] =	wrdreg $0x0  }
0xa8: {  	s4 =	sshll.u32 s28, $0x1;
	[dreg:$0x2] =	wrdreg s2  }
0xa9: {  	[dreg:$0x3] =	wrdreg s4  }
0xaa: {  	[dreg:$0x4] =	wrdreg $0xC0  }
0xab: {  	_ =	task [dreg:s6], $0x5FFFF  }
0xac: {  	[dreg:$0x1] =	wrdreg $0xFFFFFFFF  }
0xad: {  	[dreg:$0x0] =	wrdreg $0x60  }
0xae: {  	[dreg:$0x2] =	wrdreg s24  }
0xaf: {  	[dreg:$0x3] =	wrdreg $0x2A000  }
0xb0: {  	[dreg:$0x4] =	wrdreg $0x9  }
0xb1: {  	_ =	task.clear_ibuf [dreg:s6], $0x5FFFF;
	_ =	strace $0x90000046  }
0xb2: {  	s29 =	simm.s32 $0x9;
	_ =	strace $0x80000048  }
0xb3: {  	_ =	swait.ge [sflag:s29], $0x1  }
0xb4: {  	[sflag:s29] =	ssyncadd.s32 $0xFFFFFFFF  }
0xb5: {  	_ =	strace $0x90000048  }
0xb6: {  	_ =	sfence  }
0xb7: {  	s30 =	sld [smem:$0x0];
	_ =	sdelay $0x2  }
0xb8: {  	s31 =	sshll.u32 s1, $0xD;
	s1 =	sshrl.u32 s1, $0x2  }
0xb9: {  	s3 =	sand.u32 $0x4000, s31;
	s1 =	sadd.s32 s1, s30  }
0xba: {  	s0 =	sor.u32 s3, s0;
	s1 =	sshll.u32 s1, $0x11  }
0xbb: {  	s0 =	sor.u32 s1, s0  }
0xbc: {  	s0 =	sadd.s32 $0x8F2B, s0  }
0xbd: {  	[sflag:s0] =	ssyncadd.remote.s32 $0x1  }
0xbe: {  	_ =	sfence.sel $0xFFFF  }
0xbf: {  	[dreg:$0x0] =	wrdreg $0xFFFFFFFF;
	(pc) =	sbr.abs _section_cstart, $3  }
0xc0: {  	[dreg:$0x1] =	wrdreg $0xFFFFFFFF  }
0xc1: {  	_ =	task.clear_ibuf [dreg:s6], $0x2FFFF;
	_ =	strace $0x9FFFFFFF  }
0xc2: {  	(tm) =	ssettm $0x7FFFFFFF  }
0xc3: {  	_ =	shalt  }
tec
execute0_lowered:
.L_overlay_start_1:
0x0: {  	(tag) =	ssettag $0x1  }
0x1: {  	s0 =	rddreg [dreg:$0x0]  }
0x2: {  	s1 =	rddreg [dreg:$0x1];
	s2 =	simm.s32 $0x0  }
0x3: {  	s12 =	stileid.u32;
	s3 =	srdreg.scid;
	s28 =	simm.s32 $0x50  }
0x4: {  	s29 =	simm.s32 $0x1;
	s30 =	simm.s32 $0x6;
	s31 =	simm.s32 $0x2  }
0x5: {  	[smem:$0x7FF] =	sst s2;
	s4 =	sadd.s32 $0xD000, s0;
	s5 =	smul.u32 $0x2700, s12  }
0x6: {  	s3 =	sand.u32 $0x1, s3;
	s6 =	sadd.s32 $0x3E000, s0;
	s7 =	smul.u32 $0x4E000, s12  }
0x7: {  	s11 =	sadd.s32 $0x3E600, s0;
	s17 =	sadd.s32 $0x138000, s1;
	s21 =	smul.u32 $0x2710, s12  }
0x8: {  	p0 =	sne.s32 s12, $0x0;
	_ =	strace $0x80000047;
	[dreg:$0x3] =	wrdreg s6  }
0x9: {  	s26 =	sshll.u32 s3, $0x4;
	s9 =	ssub.s32 $0x2, s3;
	s13 =	smul.u32 $0x27100, s3  }
0xa: {  	[dreg:$0x6] =	wrdreg s17;
	s3 =	smul.u32 $0x138800, s3;
	s8 =	sadd.s32 s5, s0  }
0xb: {  	s6 =	sor.u32 s12, s26;
	s10 =	sshrl.u32 s9, $0x1;
	s7 =	sshrl.u32 s7, $0x2  }
0xc: {  	s0 =	sadd.s32 $0x3DE00, s0;
	s6 =	smul.u32 $0x2710, s6;
	s10 =	ssub.s32 s9, s10  }
0xd: {  	s7 =	sadd.s32 s7, s1;
	s9 =	sadd.s32 $0x16E00, s8;
	[dreg:$0x7] =	wrdreg s0  }
0xe: {  	s20 =	sadd.s32 s5, s13;
	s3 =	sshrl.u32 s3, $0x3;
	[dreg:$0x4] =	wrdreg s7  }
0xf: {  	s23 =	sadd.s32 s21, s13;
	s0 =	simm.s32 $0x3;
	[dreg:$0x5] =	wrdreg s9  }
0x10: {  	s14 =	sadd.s32 s11, s20;
	s22 =	sadd.s32 s11, s3;
	s16 =	smax.u32 s10, $0x1  }
0x11: {  	s24 =	sadd.s32 $0x190, s23;
	s5 =	sadd.s32 $0x230, s23;
	s25 =	sadd.s32 $0x1E0, s23  }
0x12: {  	s11 =	sadd.s32 $0x140, s23;
	s23 =	simm.s32 $0x5;
	s6 =	sshrl.u32 s6, $0x3  }
0x13: {  	s15 =	sadd.s32 $0x27000, s22;
	s3 =	sshrl.u32 s24, $0x3;
	s5 =	sshrl.u32 s5, $0x3  }
0x14: {  	s26 =	sshrl.u32 s25, $0x3;
	s22 =	simm.s32 $0x200;
	s9 =	sadd.s32 s4, s6  }
0x15: {  	s24 =	simm.s32 $0x80;
	s25 =	simm.s32 $0x100;
	s18 =	sadd.s32 $0xA, s9  }
0x16: {  	s20 =	sadd.s32 s26, s4;
	s19 =	sadd.s32 $0x14, s9;
	[dreg:$0x8] =	wrdreg s18  }
0x17: {  	s26 =	simm.s32 $0x180;
	s6 =	sadd.s32 $0x1E, s9;
	[dreg:$0x9] =	wrdreg s19  }
0x18: {  	s17 =	sadd.s32 $0x4D8, s9;
	[dreg:$0xa] =	wrdreg s6;
	s18 =	sadd.s32 s3, s4  }
0x19: {  	s19 =	sadd.s32 s5, s4;
	s3 =	simm.s32 $0x4;
	s5 =	simm.s32 $0x0  }
.LBB2_1:
0x1a: {  	s6 =	rddreg [dreg:$0x3];
	s13 =	stileid.u32  }
0x1b: {  	[tilespmem:s22], [sflag:$0x5] =	stream.linear.gather [hbm4b:s6+s2], $0x2800, $0x38;
	[tilespmem:$0x16280] =	vst v63  }
0x1c: {  	s6 =	sshll.u32 s13, $0x6;
	_ =	swait.ge [sflag:s23], $0x2800  }
0x1d: {  	s6 =	sor.u32 $0x1C05, s6;
	[sflag:s23] =	ssyncset.done $0x0;
	s7 =	rddreg [dreg:$0x4]  }
0x1e: {  	s8 =	rddreg [dreg:$0x5];
	[sflag:s23] =	ssyncadd.s32 $0xFFFFD800;
	s7 =	sshrl.u32 s7, $0x3  }
0x1f: {  	[spmem:s7], [sflag:s6] =	dma.local [hbm:s8], $0x2700  }
0x20: {  	_ =	swait.ge [sflag:s23], $0x2700  }
0x21: {  	[sflag:s23] =	ssyncset.done $0x0;
	s8 =	rddreg [dreg:$0x6]  }
0x22: {  	s10 =	rddreg [dreg:$0x7];
	[sflag:s23] =	ssyncadd.s32 $0xFFFFD900;
	s8 =	sshrl.u32 @!p0 s8, $0x3  }
0x23: {  	[spmem:s8], [sflag:s6] =	dma.local @!p0 [hbm:s10], $0x100  }
0x24: {  	s10 =	simm.s32 @!p0 $0x5  }
0x25: {  	_ =	swait.ge @!p0 [sflag:s10], $0x100  }
0x26: {  	[sflag:s10] =	ssyncset.done @!p0 $0x0  }
0x27: {  	[sflag:s10] =	ssyncadd.s32 @!p0 $0xFFFFFF00  }
0x28: {  	[bflag:$0x0] =	sbarrier.arrive $0xFFFF  }
0x29: {  	[tilespmem:s2], [sflag:$0x5] =	stream.linear.gather [hbm4b:s9+s2], $0x50, $0x38;
	[tilespmem:$0x16280] =	vst v63  }
0x2a: {  	_ =	swait.ge [sflag:s23], $0x50  }
0x2b: {  	[sflag:s23] =	ssyncset.done $0x0  }
0x2c: {  	s21 =	rddreg [dreg:$0x8];
	[sflag:s23] =	ssyncadd.s32 $0xFFFFFFB0  }
0x2d: {  	[tilespmem:s24], [sflag:$0x5] =	stream.linear.gather [hbm4b:s21+s2], $0x50, $0x38;
	[tilespmem:$0x16280] =	vst v63  }
0x2e: {  	_ =	swait.ge [sflag:s23], $0x50  }
0x2f: {  	[sflag:s23] =	ssyncset.done $0x0  }
0x30: {  	s12 =	rddreg [dreg:$0x9];
	[sflag:s23] =	ssyncadd.s32 $0xFFFFFFB0  }
0x31: {  	[tilespmem:s25], [sflag:$0x5] =	stream.linear.gather [hbm4b:s12+s2], $0x50, $0x38;
	[tilespmem:$0x16280] =	vst v63  }
0x32: {  	_ =	swait.ge [sflag:s23], $0x50  }
0x33: {  	[sflag:s23] =	ssyncset.done $0x0  }
0x34: {  	s13 =	rddreg [dreg:$0xa];
	[sflag:s23] =	ssyncadd.s32 $0xFFFFFFB0  }
0x35: {  	[tilespmem:s26], [sflag:$0x5] =	stream.linear.gather [hbm4b:s13+s2], $0x50, $0x38;
	[tilespmem:$0x16280] =	vst v63  }
0x36: {  	_ =	swait.ge [sflag:s23], $0x50  }
0x37: {  	[sflag:s23] =	ssyncset.done $0x0  }
0x38: {  	[sflag:s23] =	ssyncadd.s32 $0xFFFFFFB0  }
0x39: {  	[spmem:s1] =	stream.indirect.scatter.add.f32 [tilespmem:s22], [sflag:$0x1], $0x80, s2, s28, $0xb8;
	[tilespmem:$0x16280] =	vst v63  }
0x3a: {  	_ = 	snop  }
0x3b: {  	[spmem:s1] =	stream.indirect.scatter.add.f32 [tilespmem:s22], [sflag:$0x2], $0x80, s24, s28, $0xb8;
	[tilespmem:$0x16280] =	vst v63  }
0x3c: {  	_ = 	snop  }
0x3d: {  	[spmem:s1] =	stream.indirect.scatter.add.f32 [tilespmem:s22], [sflag:$0x3], $0x80, s25, s28, $0xb8;
	[tilespmem:$0x16280] =	vst v63  }
0x3e: {  	_ = 	snop  }
0x3f: {  	[spmem:s1] =	stream.indirect.scatter.add.f32 [tilespmem:s22], [sflag:$0x4], $0x80, s26, s28, $0xb8;
	[tilespmem:$0x16280] =	vst v63  }
0x40: {  	_ =	swait.ge [sflag:s29], $0x2800  }
0x41: {  	s21 =	sshrl.u32 s11, $0x3;
	[sflag:s29] =	ssyncset.done $0x0  }
0x42: {  	s10 =	sadd.s32 s4, s21;
	[sflag:s29] =	ssyncadd.s32 $0xFFFFD800  }
0x43: {  	[tilespmem:s2], [sflag:$0x6] =	stream.linear.gather [hbm4b:s10+s2], $0x50, $0x38;
	[tilespmem:$0x16280] =	vst v63  }
0x44: {  	_ =	swait.ge [sflag:s30], $0x50  }
0x45: {  	[sflag:s30] =	ssyncset.done $0x0  }
0x46: {  	[sflag:s30] =	ssyncadd.s32 $0xFFFFFFB0  }
0x47: {  	_ =	swait.ge [sflag:s31], $0x2800  }
0x48: {  	[sflag:s31] =	ssyncset.done $0x0  }
0x49: {  	s12 =	sadd.s32 $0x0, s18;
	[sflag:s31] =	ssyncadd.s32 $0xFFFFD800  }
0x4a: {  	[tilespmem:s24], [sflag:$0x6] =	stream.linear.gather [hbm4b:s12+s2], $0x50, $0x38;
	[tilespmem:$0x16280] =	vst v63  }
0x4b: {  	_ =	swait.ge [sflag:s30], $0x50  }
0x4c: {  	[sflag:s30] =	ssyncset.done $0x0  }
0x4d: {  	[sflag:s30] =	ssyncadd.s32 $0xFFFFFFB0  }
0x4e: {  	_ =	swait.ge [sflag:s0], $0x2800  }
0x4f: {  	[sflag:s0] =	ssyncset.done $0x0  }
0x50: {  	s13 =	sadd.s32 $0x0, s20;
	[sflag:s0] =	ssyncadd.s32 $0xFFFFD800  }
0x51: {  	[tilespmem:s25], [sflag:$0x6] =	stream.linear.gather [hbm4b:s13+s2], $0x50, $0x38;
	[tilespmem:$0x16280] =	vst v63  }
0x52: {  	_ =	swait.ge [sflag:s30], $0x50  }
0x53: {  	[sflag:s30] =	ssyncset.done $0x0  }
0x54: {  	[sflag:s30] =	ssyncadd.s32 $0xFFFFFFB0  }
0x55: {  	_ =	swait.ge [sflag:s3], $0x2800  }
0x56: {  	[sflag:s3] =	ssyncset.done $0x0  }
0x57: {  	s21 =	sadd.s32 $0x0, s19;
	[sflag:s3] =	ssyncadd.s32 $0xFFFFD800  }
0x58: {  	[tilespmem:s26], [sflag:$0x5] =	stream.linear.gather [hbm4b:s21+s2], $0x50, $0x38;
	[tilespmem:$0x16280] =	vst v63  }
0x59: {  	_ =	swait.ge [sflag:s23], $0x50  }
0x5a: {  	s10 =	simm.s32 $0x28;
	s21 =	smov.u32 s11;
	[sflag:s23] =	ssyncset.done $0x0  }
.LBB2_2:
0x5b: {  	p1 =	sne.s32 s10, $0x488;
	[sflag:s23] =	ssyncadd.s32 $0xFFFFFFB0;
	s21 =	sadd.s32 $0x140, s21  }
0x5c: {  	[spmem:s1] =	stream.indirect.scatter.add.f32 [tilespmem:s22], [sflag:$0x1], $0x80, s2, s28, $0xb8;
	[tilespmem:$0x16280] =	vst v63  }
0x5d: {  	s12 =	smov.u32 s10;
	s10 =	sadd.s32 $0x28, s10  }
0x5e: {  	[spmem:s1] =	stream.indirect.scatter.add.f32 [tilespmem:s22], [sflag:$0x2], $0x80, s24, s28, $0xb8;
	[tilespmem:$0x16280] =	vst v63  }
0x5f: {  	_ = 	snop  }
0x60: {  	[spmem:s1] =	stream.indirect.scatter.add.f32 [tilespmem:s22], [sflag:$0x3], $0x80, s25, s28, $0xb8;
	[tilespmem:$0x16280] =	vst v63  }
0x61: {  	_ = 	snop  }
0x62: {  	[spmem:s1] =	stream.indirect.scatter.add.f32 [tilespmem:s22], [sflag:$0x4], $0x80, s26, s28, $0xb8;
	[tilespmem:$0x16280] =	vst v63  }
0x63: {  	_ =	swait.ge [sflag:s29], $0x2800  }
0x64: {  	s13 =	sshrl.u32 s21, $0x3;
	[sflag:s29] =	ssyncset.done $0x0  }
0x65: {  	s13 =	sadd.s32 s4, s13;
	[sflag:s29] =	ssyncadd.s32 $0xFFFFD800  }
0x66: {  	[tilespmem:s2], [sflag:$0x6] =	stream.linear.gather [hbm4b:s13+s2], $0x50, $0x38;
	[tilespmem:$0x16280] =	vst v63  }
0x67: {  	_ =	swait.ge [sflag:s30], $0x50  }
0x68: {  	[sflag:s30] =	ssyncset.done $0x0  }
0x69: {  	[sflag:s30] =	ssyncadd.s32 $0xFFFFFFB0  }
0x6a: {  	_ =	swait.ge [sflag:s31], $0x2800  }
0x6b: {  	[sflag:s31] =	ssyncset.done $0x0  }
0x6c: {  	s13 =	sadd.s32 s12, s18;
	[sflag:s31] =	ssyncadd.s32 $0xFFFFD800  }
0x6d: {  	[tilespmem:s24], [sflag:$0x6] =	stream.linear.gather [hbm4b:s13+s2], $0x50, $0x38;
	[tilespmem:$0x16280] =	vst v63  }
0x6e: {  	_ =	swait.ge [sflag:s30], $0x50  }
0x6f: {  	[sflag:s30] =	ssyncset.done $0x0  }
0x70: {  	[sflag:s30] =	ssyncadd.s32 $0xFFFFFFB0  }
0x71: {  	_ =	swait.ge [sflag:s0], $0x2800  }
0x72: {  	[sflag:s0] =	ssyncset.done $0x0  }
0x73: {  	s13 =	sadd.s32 s12, s20;
	[sflag:s0] =	ssyncadd.s32 $0xFFFFD800  }
0x74: {  	[tilespmem:s25], [sflag:$0x6] =	stream.linear.gather [hbm4b:s13+s2], $0x50, $0x38;
	[tilespmem:$0x16280] =	vst v63  }
0x75: {  	_ =	swait.ge [sflag:s30], $0x50  }
0x76: {  	[sflag:s30] =	ssyncset.done $0x0  }
0x77: {  	[sflag:s30] =	ssyncadd.s32 $0xFFFFFFB0  }
0x78: {  	_ =	swait.ge [sflag:s3], $0x2800  }
.Ltmp0:
0x79: {  	[sflag:s3] =	ssyncset.done $0x0;
	(pc) =	sbr.rel @p1 .LBB2_2-.Ltmp0, $4  }
0x7a: {  	s12 =	sadd.s32 s12, s19;
	[sflag:s3] =	ssyncadd.s32 $0xFFFFD800  }
0x7b: {  	[tilespmem:s26], [sflag:$0x5] =	stream.linear.gather [hbm4b:s12+s2], $0x50, $0x38;
	[tilespmem:$0x16280] =	vst v63  }
0x7c: {  	_ =	swait.ge [sflag:s23], $0x50  }
0x7d: {  	[sflag:s23] =	ssyncset.done $0x0  }
0x7e: {  	[sflag:s23] =	ssyncadd.s32 $0xFFFFFFB0  }
0x7f: {  	[spmem:s1] =	stream.indirect.scatter.add.f32 [tilespmem:s22], [sflag:$0x1], $0x80, s2, s28, $0xb8;
	[tilespmem:$0x16280] =	vst v63  }
0x80: {  	_ = 	snop  }
0x81: {  	[spmem:s1] =	stream.indirect.scatter.add.f32 [tilespmem:s22], [sflag:$0x2], $0x80, s24, s28, $0xb8;
	[tilespmem:$0x16280] =	vst v63  }
0x82: {  	_ = 	snop  }
0x83: {  	[spmem:s1] =	stream.indirect.scatter.add.f32 [tilespmem:s22], [sflag:$0x3], $0x80, s25, s28, $0xb8;
	[tilespmem:$0x16280] =	vst v63  }
0x84: {  	_ = 	snop  }
0x85: {  	[spmem:s1] =	stream.indirect.scatter.add.f32 [tilespmem:s22], [sflag:$0x4], $0x80, s26, s28, $0xb8;
	[tilespmem:$0x16280] =	vst v63  }
0x86: {  	_ =	swait.ge [sflag:s29], $0x2800  }
0x87: {  	[sflag:s29] =	ssyncset.done $0x0  }
0x88: {  	[sflag:s29] =	ssyncadd.s32 $0xFFFFD800  }
0x89: {  	[tilespmem:s2], [sflag:$0x6] =	stream.linear.gather [hbm4b:s17+s2], $0x50, $0x38;
	[tilespmem:$0x16280] =	vst v63  }
0x8a: {  	_ =	swait.ge [sflag:s30], $0x50  }
0x8b: {  	[sflag:s30] =	ssyncset.done $0x0  }
0x8c: {  	[sflag:s30] =	ssyncadd.s32 $0xFFFFFFB0  }
0x8d: {  	[spmem:s1] =	stream.indirect.scatter.add.f32 [tilespmem:s22], [sflag:$0x1], $0x80, s2, s28, $0xb8;
	[tilespmem:$0x16280] =	vst v63  }
0x8e: {  	_ =	swait.ge [sflag:s29], $0x2800  }
0x8f: {  	[sflag:s29] =	ssyncset.done $0x0  }
0x90: {  	[sflag:s29] =	ssyncadd.s32 $0xFFFFD800  }
0x91: {  	_ =	swait.ge [sflag:s31], $0x2800  }
0x92: {  	[sflag:s31] =	ssyncset.done $0x0  }
0x93: {  	[sflag:s31] =	ssyncadd.s32 $0xFFFFD800  }
0x94: {  	_ =	swait.ge [sflag:s0], $0x2800  }
0x95: {  	[sflag:s0] =	ssyncset.done $0x0  }
0x96: {  	[sflag:s0] =	ssyncadd.s32 $0xFFFFD800  }
0x97: {  	_ =	swait.ge [sflag:s3], $0x2800  }
0x98: {  	[sflag:s3] =	ssyncset.done $0x0  }
0x99: {  	[sflag:s3] =	ssyncadd.s32 $0xFFFFD800  }
0x9a: {  	[bflag:$0x0] =	sbarrier.arrive $0xFFFF  }
0x9b: {  	[hbm:s14], [sflag:s6] =	dma.local [spmem:s7], $0x2700  }
0x9c: {  	_ =	swait.ge [sflag:s23], $0x2700  }
0x9d: {  	s5 =	sadd.s32 $0x1, s5;
	[sflag:s23] =	ssyncset.done $0x0  }
0x9e: {  	p1 =	sne.s32 s5, s16;
	[sflag:s23] =	ssyncadd.s32 $0xFFFFD900  }
0x9f: {  	[hbm:s15], [sflag:s6] =	dma.local @!p0 [spmem:s8], $0x100  }
.Ltmp1:
0xa0: {  	_ = 	snop;
	(pc) =	sbr.rel @p1 .LBB2_1-.Ltmp1, $4  }
0xa1: {  	s6 =	simm.s32 @!p0 $0x5  }
0xa2: {  	_ =	swait.ge @!p0 [sflag:s6], $0x100  }
0xa3: {  	[sflag:s6] =	ssyncset.done @!p0 $0x0  }
0xa4: {  	[sflag:s6] =	ssyncadd.s32 @!p0 $0xFFFFFF00  }
0xa5: {  	_ =	sfence.sel $0x180000  }
0xa6: {  	[bflag:$0x0] =	sbarrier.arrive $0xFFFF  }
0xa7: {  	_ =	strace $0x90000047  }
0xa8: {  	[bflag:$0x2] =	sbarrier.arrive $0xFFFF  }
0xa9: {  	s0 =	rddreg [dreg:$0x2]  }
0xaa: {  	s0 =	sadd.s32 @!p0 $0x100000, s0  }
0xab: {  	[sflag:s0] =	ssyncadd.tile.s32 @!p0 $0x1;
	_ =	shalt  }
.Lfunc_end2:
_tile_overlayer_lowered:
.L_overlay_start_2:
0xac: {  	(tag) =	ssettag $0x2  }
0xad: {  	s0 =	rddreg [dreg:$0x0];
	s2 =	stileid.u32  }
0xae: {  	s1 =	rddreg [dreg:$0x1];
	p0 =	sne.s32 s2, $0x0  }
0xaf: {  	s3 =	rddreg [dreg:$0x2];
	[bflag:$0x3] =	sbarrier.arrive $0xFFFF;
	s2 =	simm.s32 @!p0 $0x1C05  }
0xb0: {  	[timem:s3], [sflag:s2] =	dma.local @!p0 [hbm:s0], s1  }
0xb1: {  	s0 =	simm.s32 @!p0 $0x5  }
0xb2: {  	_ =	swait.ge @!p0 [sflag:s0], s1  }
0xb3: {  	s1 =	ssub.s32 @!p0 $0x0, s1;
	[sflag:s0] =	ssyncset.done @!p0 $0x0  }
0xb4: {  	[sflag:s0] =	ssyncadd.s32 @!p0 s1  }
0xb5: {  	[bflag:$0x3] =	sbarrier.arrive $0xFFFF  }
0xb6: {  	_ =	shalt  }

</sc_bundles>
